<compile_context>
chip_gen: v7x
topology: tpu7x:2x2x1
jax: 0.10.2.dev20260603
libtpu: 0.0.44.dev20260713+nightly
codegen_flags: <defaults>
</compile_context>

<pallas_src>
import functools

import jax
import jax.numpy as jnp
from jax import lax
from jax.experimental import pallas as pl
from jax.experimental.pallas import tpu as pltpu
from jax.experimental.pallas import tpu_sc as plsc

VOCAB = 1000
EMBED_DIM = 32
BATCH = 16384
HIST = 50
OROWS = HIST * EMBED_DIM

NUM_CORES = 2
NUM_SUBCORES = 16
NW = NUM_CORES * NUM_SUBCORES
COLS = BATCH // NW
NGROUP = COLS // 16
NPAIR = HIST // 2

_mesh = plsc.VectorSubcoreMesh(core_axis_name="c", subcore_axis_name="s")


@functools.partial(
    pl.kernel,
    mesh=_mesh,
    out_type=jax.ShapeDtypeStruct((OROWS, BATCH), jnp.float32),
    compiler_params=pltpu.CompilerParams(needs_layout_passes=False),
    scratch_types=[
        pltpu.VMEM((EMBED_DIM * VOCAB,), jnp.float32),
        pltpu.VMEM((HIST, COLS), jnp.int32),
        pltpu.VMEM((2, EMBED_DIM, COLS), jnp.float32),
        pltpu.SemaphoreType.DMA,
        pltpu.SemaphoreType.DMA,
        pltpu.SemaphoreType.DMA,
    ],
)
def _sc_embed(xt_hbm, tablet_hbm, out_hbm, tablet_v, idx_v, stage, w0, w1, tsem):
    wid = lax.axis_index("s") * NUM_CORES + lax.axis_index("c")
    col0 = wid * COLS

    th = pltpu.async_copy(tablet_hbm, tablet_v, tsem)
    ih = pltpu.async_copy(xt_hbm.at[:, pl.ds(col0, COLS)], idx_v, tsem)
    th.wait()
    ih.wait()

    def gather_h(h, bsel):
        @plsc.parallel_loop(0, NGROUP, unroll=8)
        def group_body(g):
            iv = idx_v[h, pl.ds(g * 16, 16)]
            for d in range(EMBED_DIM):
                vals = plsc.load_gather(tablet_v, [iv + d * VOCAB])
                stage[bsel, d, pl.ds(g * 16, 16)] = vals

    def write_h(h, bsel, sem):
        pltpu.async_copy(
            stage.at[bsel],
            out_hbm.at[pl.ds(h * EMBED_DIM, EMBED_DIM), pl.ds(col0, COLS)],
            sem,
        )

    def drain(sem):
        pltpu.make_async_copy(
            stage.at[0],
            out_hbm.at[pl.ds(0, EMBED_DIM), pl.ds(col0, COLS)],
            sem,
        ).wait()

    def pair_body(p, carry):
        h0 = p * 2

        @pl.when(p > 0)
        def _():
            drain(w0)

        gather_h(h0, 0)
        write_h(h0, 0, w0)

        @pl.when(p > 0)
        def _():
            drain(w1)

        gather_h(h0 + 1, 1)
        write_h(h0 + 1, 1, w1)
        return carry

    lax.fori_loop(0, NPAIR, pair_body, 0)
    drain(w0)
    drain(w1)


def kernel(x, item_id_table):
    out = _sc_embed(x.T, item_id_table.T.reshape(EMBED_DIM * VOCAB))
    return out.T.reshape(BATCH, HIST, EMBED_DIM)

# --- scband reference (transcript-rebuilt; emitter-appended) ---
"""Pipeline reference for scband-column-embedding-84499186582159 (READ-ONLY COPY).

The authoritative reference and input builder live on the scoring server;
editing this copy changes nothing except your own understanding.
"""

import jax, jax.numpy as jnp
import numpy as np

VOCAB = 1000
EMBED_DIM = 32
BATCH = 16384
HIST = 50


def setup_inputs(seed: int = 0):
    key = jax.random.key(seed)
    k_idx, k_tab = jax.random.split(key)
    # forward arg x: int indices into the 'item_id' column vocabulary
    x = jax.random.randint(k_idx, (BATCH, HIST), 0, VOCAB, dtype=jnp.int32)
    # learned parameter: nn.Embedding weight for the 'item_id' column
    item_id_table = jax.random.normal(k_tab, (VOCAB, EMBED_DIM), dtype=jnp.float32) * 0.02
    return {"x": x, "item_id_table": item_id_table}


def reference(x, item_id_table):
    # ColumnEmbedding.forward(x, column='item_id') -> self.embeddings['item_id'](x)
    # nn.Embedding lookup == row gather from the table
    return jnp.take(item_id_table, x, axis=0)

if __name__ == "__main__":
    import jax
    _d = setup_inputs()
    print(jax.jit(kernel)(*tuple(_d.values())))

</pallas_src>

<mosaic_0001>
#map = affine_map<(d0, d1) -> (0, 0)>
#map1 = affine_map<(d0, d1) -> (0)>
module attributes {stable_mosaic.version = 14 : i64} {
  func.func @_sc_embed(%arg0: i32, %arg1: i32, %arg2: memref<50x16384xi32, #tpu.memory_space<hbm>>, %arg3: memref<32000xf32, #tpu.memory_space<hbm>>, %arg4: memref<1600x16384xf32, #tpu.memory_space<hbm>>, %arg5: memref<32000xf32, #tpu.memory_space<vmem>>, %arg6: memref<50x512xi32, #tpu.memory_space<vmem>>, %arg7: memref<2x32x512xf32, #tpu.memory_space<vmem>>, %arg8: memref<!tpu.dma_semaphore, #tpu.memory_space<semaphore_mem>>, %arg9: memref<!tpu.dma_semaphore, #tpu.memory_space<semaphore_mem>>, %arg10: memref<!tpu.dma_semaphore, #tpu.memory_space<semaphore_mem>>) attributes {dimension_semantics = [#tpu.dimension_semantics<core_parallel>, #tpu.dimension_semantics<subcore_parallel>], iteration_bounds = array<i64: 2, 16>, scalar_prefetch = 0 : i64, scratch_operands = 6 : i64, tpu.core_type = #tpu.core_type<sc_vector_subcore>, window_params = [{transform_indices = #map}, {transform_indices = #map1}, {transform_indices = #map}]} {
    %mul3A = arith.constant 2 : i32
    %mul3A_0 = arith.muli %arg1, %mul3A : i32
    %add3A = arith.addi %mul3A_0, %arg0 : i32
    %mul3A_1 = arith.constant 512 : i32
    %mul3A_2 = arith.muli %add3A, %mul3A_1 : i32
    tpu.enqueue_dma source(%arg3 : memref<32000xf32, #tpu.memory_space<hbm>>) target(%arg5 : memref<32000xf32, #tpu.memory_space<vmem>>) target_semaphore(%arg10 : memref<!tpu.dma_semaphore, #tpu.memory_space<semaphore_mem>>)
    %dma_start3A = arith.constant 0 : i32
    %dma_start3A_3 = tpu.memref_slice %arg2[%dma_start3A, %mul3A_2] : memref<50x16384xi32, #tpu.memory_space<hbm>> -> memref<50x512xi32, #tpu.memory_space<hbm>>
    %dma_start3A_4 = arith.constant 0 : i32
    %dma_start3A_5 = tpu.memref_slice %arg2[%dma_start3A_4, %mul3A_2] : memref<50x16384xi32, #tpu.memory_space<hbm>> -> memref<50x512xi32, #tpu.memory_space<hbm>>
    tpu.enqueue_dma source(%dma_start3A_5 : memref<50x512xi32, #tpu.memory_space<hbm>>) target(%arg6 : memref<50x512xi32, #tpu.memory_space<vmem>>) target_semaphore(%arg10 : memref<!tpu.dma_semaphore, #tpu.memory_space<semaphore_mem>>)
    tpu.wait_dma2 semaphore(%arg10 : memref<!tpu.dma_semaphore, #tpu.memory_space<semaphore_mem>>) src(%arg3 : memref<32000xf32, #tpu.memory_space<hbm>>) dst(%arg5 : memref<32000xf32, #tpu.memory_space<vmem>>)
    %dma_wait3A = arith.constant 0 : i32
    %dma_wait3A_6 = tpu.memref_slice %arg2[%dma_wait3A, %mul3A_2] : memref<50x16384xi32, #tpu.memory_space<hbm>> -> memref<50x512xi32, #tpu.memory_space<hbm>>
    %dma_wait3A_7 = arith.constant 0 : i32
    %dma_wait3A_8 = tpu.memref_slice %arg2[%dma_wait3A_7, %mul3A_2] : memref<50x16384xi32, #tpu.memory_space<hbm>> -> memref<50x512xi32, #tpu.memory_space<hbm>>
    tpu.wait_dma2 semaphore(%arg10 : memref<!tpu.dma_semaphore, #tpu.memory_space<semaphore_mem>>) src(%dma_wait3A_8 : memref<50x512xi32, #tpu.memory_space<hbm>>) dst(%arg6 : memref<50x512xi32, #tpu.memory_space<vmem>>)
    %scan3A = arith.constant 0 : i32
    %scan3A_9 = arith.constant 0 : i32
    %scan3A_10 = arith.constant 25 : i32
    %scan3A_11 = arith.addi %scan3A_9, %scan3A_10 : i32
    %scan3A_12 = arith.constant 1 : i32
    scf.for %scan3A_40 = %scan3A_9 to %scan3A_11 step %scan3A_12  : i32 {
      %mul3A_41 = arith.constant 2 : i32
      %mul3A_42 = arith.muli %scan3A_40, %mul3A_41 : i32
      %gt3A = arith.constant 0 : i32
      %gt3A_43 = arith.cmpi sgt, %scan3A_40, %gt3A : i32
      %convert_element_type3A = arith.extui %gt3A_43 : i1 to i32
      %cond3A = arith.constant 0 : i32
      %cond3A_44 = arith.cmpi ne, %convert_element_type3A, %cond3A : i32
      scf.if %cond3A_44 {
        %dma_wait3A_85 = arith.constant 0 : i32
        %dma_wait3A_86 = arith.constant 0 : i32
        %dma_wait3A_87 = arith.constant 0 : i32
        %dma_wait3A_88 = tpu.memref_slice %arg7[%dma_wait3A_85, %dma_wait3A_86, %dma_wait3A_87] : memref<2x32x512xf32, #tpu.memory_space<vmem>> -> memref<1x32x512xf32, #tpu.memory_space<vmem>>
        %dma_wait3A_89 = tpu.memref_squeeze %dma_wait3A_88 : memref<1x32x512xf32, #tpu.memory_space<vmem>> -> memref<32x512xf32, #tpu.memory_space<vmem>>
        %dma_wait3A_90 = arith.constant 0 : i32
        %dma_wait3A_91 = tpu.memref_slice %arg4[%dma_wait3A_90, %mul3A_2] : memref<1600x16384xf32, #tpu.memory_space<hbm>> -> memref<32x512xf32, #tpu.memory_space<hbm>>
        %dma_wait3A_92 = arith.constant 0 : i32
        %dma_wait3A_93 = tpu.memref_slice %arg4[%dma_wait3A_92, %mul3A_2] : memref<1600x16384xf32, #tpu.memory_space<hbm>> -> memref<32x512xf32, #tpu.memory_space<hbm>>
        %dma_wait3A_94 = arith.constant 0 : i32
        %dma_wait3A_95 = arith.constant 0 : i32
        %dma_wait3A_96 = tpu.memref_slice %arg7[%dma_wait3A_85, %dma_wait3A_94, %dma_wait3A_95] : memref<2x32x512xf32, #tpu.memory_space<vmem>> -> memref<1x32x512xf32, #tpu.memory_space<vmem>>
        %dma_wait3A_97 = tpu.memref_squeeze %dma_wait3A_96 : memref<1x32x512xf32, #tpu.memory_space<vmem>> -> memref<32x512xf32, #tpu.memory_space<vmem>>
        tpu.wait_dma2 semaphore(%arg8 : memref<!tpu.dma_semaphore, #tpu.memory_space<semaphore_mem>>) src(%dma_wait3A_97 : memref<32x512xf32, #tpu.memory_space<vmem>>) dst(%dma_wait3A_93 : memref<32x512xf32, #tpu.memory_space<hbm>>)
      } else {
      }
      %parallel_loop3A = arith.constant 0 : i32
      %parallel_loop3A_45 = arith.constant 32 : i32
      %parallel_loop3A_46 = arith.constant 1 : i32
      scf.for %parallel_loop3A_85 = %parallel_loop3A to %parallel_loop3A_45 step %parallel_loop3A_46  : i32 {
        %parallel_loop3A_86 = arith.constant 16 : i32
        %parallel_loop3A_87 = arith.muli %parallel_loop3A_85, %parallel_loop3A_86 : i32
        %parallel_loop3A_88 = arith.index_cast %mul3A_42 : i32 to index
        %parallel_loop3A_89 = arith.index_cast %parallel_loop3A_87 : i32 to index
        %parallel_loop3A_90 = tpu.vector_load %arg6[%parallel_loop3A_88, %parallel_loop3A_89] {strides = array<i32>} : memref<50x512xi32, #tpu.memory_space<vmem>>, vector<16xi32>,
        %parallel_loop3A_91 = arith.constant 0 : i32
        %parallel_loop3A_92 = vector.broadcast %parallel_loop3A_91 : i32 to vector<16xi32>
        %parallel_loop3A_93 = arith.addi %parallel_loop3A_90, %parallel_loop3A_92 : vector<16xi32>
        %parallel_loop3A_94 = tpu.vector_load_idx %arg5[%parallel_loop3A_93] : memref<32000xf32, #tpu.memory_space<vmem>>[vector<16xi32>], vector<16xf32>,
        %parallel_loop3A_95 = arith.constant 16 : i32
        %parallel_loop3A_96 = arith.muli %parallel_loop3A_85, %parallel_loop3A_95 : i32
        %parallel_loop3A_97 = arith.constant 0 : i32
        %parallel_loop3A_98 = arith.constant 0 : i32
        %parallel_loop3A_99 = arith.index_cast %parallel_loop3A_97 : i32 to index
        %parallel_loop3A_100 = arith.index_cast %parallel_loop3A_98 : i32 to index
        %parallel_loop3A_101 = arith.index_cast %parallel_loop3A_96 : i32 to index
        %parallel_loop3A_102 = tpu.vector_load %arg7[%parallel_loop3A_99, %parallel_loop3A_100, %parallel_loop3A_101] {strides = array<i32>} : memref<2x32x512xf32, #tpu.memory_space<vmem>>, vector<16xf32>,
        tpu.vector_store %arg7[%parallel_loop3A_99, %parallel_loop3A_100, %parallel_loop3A_101], %parallel_loop3A_94 {strides = array<i32>} : memref<2x32x512xf32, #tpu.memory_space<vmem>>, vector<16xf32>,
        %parallel_loop3A_103 = arith.constant 1000 : i32
        %parallel_loop3A_104 = vector.broadcast %parallel_loop3A_103 : i32 to vector<16xi32>
        %parallel_loop3A_105 = arith.addi %parallel_loop3A_90, %parallel_loop3A_104 : vector<16xi32>
        %parallel_loop3A_106 = tpu.vector_load_idx %arg5[%parallel_loop3A_105] : memref<32000xf32, #tpu.memory_space<vmem>>[vector<16xi32>], vector<16xf32>,
        %parallel_loop3A_107 = arith.constant 16 : i32
        %parallel_loop3A_108 = arith.muli %parallel_loop3A_85, %parallel_loop3A_107 : i32
        %parallel_loop3A_109 = arith.constant 0 : i32
        %parallel_loop3A_110 = arith.constant 1 : i32
        %parallel_loop3A_111 = arith.index_cast %parallel_loop3A_109 : i32 to index
        %parallel_loop3A_112 = arith.index_cast %parallel_loop3A_110 : i32 to index
        %parallel_loop3A_113 = arith.index_cast %parallel_loop3A_108 : i32 to index
        %parallel_loop3A_114 = tpu.vector_load %arg7[%parallel_loop3A_111, %parallel_loop3A_112, %parallel_loop3A_113] {strides = array<i32>} : memref<2x32x512xf32, #tpu.memory_space<vmem>>, vector<16xf32>,
        tpu.vector_store %arg7[%parallel_loop3A_111, %parallel_loop3A_112, %parallel_loop3A_113], %parallel_loop3A_106 {strides = array<i32>} : memref<2x32x512xf32, #tpu.memory_space<vmem>>, vector<16xf32>,
        %parallel_loop3A_115 = arith.constant 2000 : i32
        %parallel_loop3A_116 = vector.broadcast %parallel_loop3A_115 : i32 to vector<16xi32>
        %parallel_loop3A_117 = arith.addi %parallel_loop3A_90, %parallel_loop3A_116 : vector<16xi32>
        %parallel_loop3A_118 = tpu.vector_load_idx %arg5[%parallel_loop3A_117] : memref<32000xf32, #tpu.memory_space<vmem>>[vector<16xi32>], vector<16xf32>,
        %parallel_loop3A_119 = arith.constant 16 : i32
        %parallel_loop3A_120 = arith.muli %parallel_loop3A_85, %parallel_loop3A_119 : i32
        %parallel_loop3A_121 = arith.constant 0 : i32
        %parallel_loop3A_122 = arith.constant 2 : i32
        %parallel_loop3A_123 = arith.index_cast %parallel_loop3A_121 : i32 to index
        %parallel_loop3A_124 = arith.index_cast %parallel_loop3A_122 : i32 to index
        %parallel_loop3A_125 = arith.index_cast %parallel_loop3A_120 : i32 to index
        %parallel_loop3A_126 = tpu.vector_load %arg7[%parallel_loop3A_123, %parallel_loop3A_124, %parallel_loop3A_125] {strides = array<i32>} : memref<2x32x512xf32, #tpu.memory_space<vmem>>, vector<16xf32>,
        tpu.vector_store %arg7[%parallel_loop3A_123, %parallel_loop3A_124, %parallel_loop3A_125], %parallel_loop3A_118 {strides = array<i32>} : memref<2x32x512xf32, #tpu.memory_space<vmem>>, vector<16xf32>,
        %parallel_loop3A_127 = arith.constant 3000 : i32
        %parallel_loop3A_128 = vector.broadcast %parallel_loop3A_127 : i32 to vector<16xi32>
        %parallel_loop3A_129 = arith.addi %parallel_loop3A_90, %parallel_loop3A_128 : vector<16xi32>
        %parallel_loop3A_130 = tpu.vector_load_idx %arg5[%parallel_loop3A_129] : memref<32000xf32, #tpu.memory_space<vmem>>[vector<16xi32>], vector<16xf32>,
        %parallel_loop3A_131 = arith.constant 16 : i32
        %parallel_loop3A_132 = arith.muli %parallel_loop3A_85, %parallel_loop3A_131 : i32
        %parallel_loop3A_133 = arith.constant 0 : i32
        %parallel_loop3A_134 = arith.constant 3 : i32
        %parallel_loop3A_135 = arith.index_cast %parallel_loop3A_133 : i32 to index
        %parallel_loop3A_136 = arith.index_cast %parallel_loop3A_134 : i32 to index
        %parallel_loop3A_137 = arith.index_cast %parallel_loop3A_132 : i32 to index
        %parallel_loop3A_138 = tpu.vector_load %arg7[%parallel_loop3A_135, %parallel_loop3A_136, %parallel_loop3A_137] {strides = array<i32>} : memref<2x32x512xf32, #tpu.memory_space<vmem>>, vector<16xf32>,
        tpu.vector_store %arg7[%parallel_loop3A_135, %parallel_loop3A_136, %parallel_loop3A_137], %parallel_loop3A_130 {strides = array<i32>} : memref<2x32x512xf32, #tpu.memory_space<vmem>>, vector<16xf32>,
        %parallel_loop3A_139 = arith.constant 4000 : i32
        %parallel_loop3A_140 = vector.broadcast %parallel_loop3A_139 : i32 to vector<16xi32>
        %parallel_loop3A_141 = arith.addi %parallel_loop3A_90, %parallel_loop3A_140 : vector<16xi32>
        %parallel_loop3A_142 = tpu.vector_load_idx %arg5[%parallel_loop3A_141] : memref<32000xf32, #tpu.memory_space<vmem>>[vector<16xi32>], vector<16xf32>,
        %parallel_loop3A_143 = arith.constant 16 : i32
        %parallel_loop3A_144 = arith.muli %parallel_loop3A_85, %parallel_loop3A_143 : i32
        %parallel_loop3A_145 = arith.constant 0 : i32
        %parallel_loop3A_146 = arith.constant 4 : i32
        %parallel_loop3A_147 = arith.index_cast %parallel_loop3A_145 : i32 to index
        %parallel_loop3A_148 = arith.index_cast %parallel_loop3A_146 : i32 to index
        %parallel_loop3A_149 = arith.index_cast %parallel_loop3A_144 : i32 to index
        %parallel_loop3A_150 = tpu.vector_load %arg7[%parallel_loop3A_147, %parallel_loop3A_148, %parallel_loop3A_149] {strides = array<i32>} : memref<2x32x512xf32, #tpu.memory_space<vmem>>, vector<16xf32>,
        tpu.vector_store %arg7[%parallel_loop3A_147, %parallel_loop3A_148, %parallel_loop3A_149], %parallel_loop3A_142 {strides = array<i32>} : memref<2x32x512xf32, #tpu.memory_space<vmem>>, vector<16xf32>,
        %parallel_loop3A_151 = arith.constant 5000 : i32
        %parallel_loop3A_152 = vector.broadcast %parallel_loop3A_151 : i32 to vector<16xi32>
        %parallel_loop3A_153 = arith.addi %parallel_loop3A_90, %parallel_loop3A_152 : vector<16xi32>
        %parallel_loop3A_154 = tpu.vector_load_idx %arg5[%parallel_loop3A_153] : memref<32000xf32, #tpu.memory_space<vmem>>[vector<16xi32>], vector<16xf32>,
        %parallel_loop3A_155 = arith.constant 16 : i32
        %parallel_loop3A_156 = arith.muli %parallel_loop3A_85, %parallel_loop3A_155 : i32
        %parallel_loop3A_157 = arith.constant 0 : i32
        %parallel_loop3A_158 = arith.constant 5 : i32
        %parallel_loop3A_159 = arith.index_cast %parallel_loop3A_157 : i32 to index
        %parallel_loop3A_160 = arith.index_cast %parallel_loop3A_158 : i32 to index
        %parallel_loop3A_161 = arith.index_cast %parallel_loop3A_156 : i32 to index
        %parallel_loop3A_162 = tpu.vector_load %arg7[%parallel_loop3A_159, %parallel_loop3A_160, %parallel_loop3A_161] {strides = array<i32>} : memref<2x32x512xf32, #tpu.memory_space<vmem>>, vector<16xf32>,
        tpu.vector_store %arg7[%parallel_loop3A_159, %parallel_loop3A_160, %parallel_loop3A_161], %parallel_loop3A_154 {strides = array<i32>} : memref<2x32x512xf32, #tpu.memory_space<vmem>>, vector<16xf32>,
        %parallel_loop3A_163 = arith.constant 6000 : i32
        %parallel_loop3A_164 = vector.broadcast %parallel_loop3A_163 : i32 to vector<16xi32>
        %parallel_loop3A_165 = arith.addi %parallel_loop3A_90, %parallel_loop3A_164 : vector<16xi32>
        %parallel_loop3A_166 = tpu.vector_load_idx %arg5[%parallel_loop3A_165] : memref<32000xf32, #tpu.memory_space<vmem>>[vector<16xi32>], vector<16xf32>,
        %parallel_loop3A_167 = arith.constant 16 : i32
        %parallel_loop3A_168 = arith.muli %parallel_loop3A_85, %parallel_loop3A_167 : i32
        %parallel_loop3A_169 = arith.constant 0 : i32
        %parallel_loop3A_170 = arith.constant 6 : i32
        %parallel_loop3A_171 = arith.index_cast %parallel_loop3A_169 : i32 to index
        %parallel_loop3A_172 = arith.index_cast %parallel_loop3A_170 : i32 to index
        %parallel_loop3A_173 = arith.index_cast %parallel_loop3A_168 : i32 to index
        %parallel_loop3A_174 = tpu.vector_load %arg7[%parallel_loop3A_171, %parallel_loop3A_172, %parallel_loop3A_173] {strides = array<i32>} : memref<2x32x512xf32, #tpu.memory_space<vmem>>, vector<16xf32>,
        tpu.vector_store %arg7[%parallel_loop3A_171, %parallel_loop3A_172, %parallel_loop3A_173], %parallel_loop3A_166 {strides = array<i32>} : memref<2x32x512xf32, #tpu.memory_space<vmem>>, vector<16xf32>,
        %parallel_loop3A_175 = arith.constant 7000 : i32
        %parallel_loop3A_176 = vector.broadcast %parallel_loop3A_175 : i32 to vector<16xi32>
        %parallel_loop3A_177 = arith.addi %parallel_loop3A_90, %parallel_loop3A_176 : vector<16xi32>
        %parallel_loop3A_178 = tpu.vector_load_idx %arg5[%parallel_loop3A_177] : memref<32000xf32, #tpu.memory_space<vmem>>[vector<16xi32>], vector<16xf32>,
        %parallel_loop3A_179 = arith.constant 16 : i32
        %parallel_loop3A_180 = arith.muli %parallel_loop3A_85, %parallel_loop3A_179 : i32
        %parallel_loop3A_181 = arith.constant 0 : i32
        %parallel_loop3A_182 = arith.constant 7 : i32
        %parallel_loop3A_183 = arith.index_cast %parallel_loop3A_181 : i32 to index
        %parallel_loop3A_184 = arith.index_cast %parallel_loop3A_182 : i32 to index
        %parallel_loop3A_185 = arith.index_cast %parallel_loop3A_180 : i32 to index
        %parallel_loop3A_186 = tpu.vector_load %arg7[%parallel_loop3A_183, %parallel_loop3A_184, %parallel_loop3A_185] {strides = array<i32>} : memref<2x32x512xf32, #tpu.memory_space<vmem>>, vector<16xf32>,
        tpu.vector_store %arg7[%parallel_loop3A_183, %parallel_loop3A_184, %parallel_loop3A_185], %parallel_loop3A_178 {strides = array<i32>} : memref<2x32x512xf32, #tpu.memory_space<vmem>>, vector<16xf32>,
        %parallel_loop3A_187 = arith.constant 8000 : i32
        %parallel_loop3A_188 = vector.broadcast %parallel_loop3A_187 : i32 to vector<16xi32>
        %parallel_loop3A_189 = arith.addi %parallel_loop3A_90, %parallel_loop3A_188 : vector<16xi32>
        %parallel_loop3A_190 = tpu.vector_load_idx %arg5[%parallel_loop3A_189] : memref<32000xf32, #tpu.memory_space<vmem>>[vector<16xi32>], vector<16xf32>,
        %parallel_loop3A_191 = arith.constant 16 : i32
        %parallel_loop3A_192 = arith.muli %parallel_loop3A_85, %parallel_loop3A_191 : i32
        %parallel_loop3A_193 = arith.constant 0 : i32
        %parallel_loop3A_194 = arith.constant 8 : i32
        %parallel_loop3A_195 = arith.index_cast %parallel_loop3A_193 : i32 to index
        %parallel_loop3A_196 = arith.index_cast %parallel_loop3A_194 : i32 to index
        %parallel_loop3A_197 = arith.index_cast %parallel_loop3A_192 : i32 to index
        %parallel_loop3A_198 = tpu.vector_load %arg7[%parallel_loop3A_195, %parallel_loop3A_196, %parallel_loop3A_197] {strides = array<i32>} : memref<2x32x512xf32, #tpu.memory_space<vmem>>, vector<16xf32>,
        tpu.vector_store %arg7[%parallel_loop3A_195, %parallel_loop3A_196, %parallel_loop3A_197], %parallel_loop3A_190 {strides = array<i32>} : memref<2x32x512xf32, #tpu.memory_space<vmem>>, vector<16xf32>,
        %parallel_loop3A_199 = arith.constant 9000 : i32
        %parallel_loop3A_200 = vector.broadcast %parallel_loop3A_199 : i32 to vector<16xi32>
        %parallel_loop3A_201 = arith.addi %parallel_loop3A_90, %parallel_loop3A_200 : vector<16xi32>
        %parallel_loop3A_202 = tpu.vector_load_idx %arg5[%parallel_loop3A_201] : memref<32000xf32, #tpu.memory_space<vmem>>[vector<16xi32>], vector<16xf32>,
        %parallel_loop3A_203 = arith.constant 16 : i32
        %parallel_loop3A_204 = arith.muli %parallel_loop3A_85, %parallel_loop3A_203 : i32
        %parallel_loop3A_205 = arith.constant 0 : i32
        %parallel_loop3A_206 = arith.constant 9 : i32
        %parallel_loop3A_207 = arith.index_cast %parallel_loop3A_205 : i32 to index
        %parallel_loop3A_208 = arith.index_cast %parallel_loop3A_206 : i32 to index
        %parallel_loop3A_209 = arith.index_cast %parallel_loop3A_204 : i32 to index
        %parallel_loop3A_210 = tpu.vector_load %arg7[%parallel_loop3A_207, %parallel_loop3A_208, %parallel_loop3A_209] {strides = array<i32>} : memref<2x32x512xf32, #tpu.memory_space<vmem>>, vector<16xf32>,
        tpu.vector_store %arg7[%parallel_loop3A_207, %parallel_loop3A_208, %parallel_loop3A_209], %parallel_loop3A_202 {strides = array<i32>} : memref<2x32x512xf32, #tpu.memory_space<vmem>>, vector<16xf32>,
        %parallel_loop3A_211 = arith.constant 10000 : i32
        %parallel_loop3A_212 = vector.broadcast %parallel_loop3A_211 : i32 to vector<16xi32>
        %parallel_loop3A_213 = arith.addi %parallel_loop3A_90, %parallel_loop3A_212 : vector<16xi32>
        %parallel_loop3A_214 = tpu.vector_load_idx %arg5[%parallel_loop3A_213] : memref<32000xf32, #tpu.memory_space<vmem>>[vector<16xi32>], vector<16xf32>,
        %parallel_loop3A_215 = arith.constant 16 : i32
        %parallel_loop3A_216 = arith.muli %parallel_loop3A_85, %parallel_loop3A_215 : i32
        %parallel_loop3A_217 = arith.constant 0 : i32
        %parallel_loop3A_218 = arith.constant 10 : i32
        %parallel_loop3A_219 = arith.index_cast %parallel_loop3A_217 : i32 to index
        %parallel_loop3A_220 = arith.index_cast %parallel_loop3A_218 : i32 to index
        %parallel_loop3A_221 = arith.index_cast %parallel_loop3A_216 : i32 to index
        %parallel_loop3A_222 = tpu.vector_load %arg7[%parallel_loop3A_219, %parallel_loop3A_220, %parallel_loop3A_221] {strides = array<i32>} : memref<2x32x512xf32, #tpu.memory_space<vmem>>, vector<16xf32>,
        tpu.vector_store %arg7[%parallel_loop3A_219, %parallel_loop3A_220, %parallel_loop3A_221], %parallel_loop3A_214 {strides = array<i32>} : memref<2x32x512xf32, #tpu.memory_space<vmem>>, vector<16xf32>,
        %parallel_loop3A_223 = arith.constant 11000 : i32
        %parallel_loop3A_224 = vector.broadcast %parallel_loop3A_223 : i32 to vector<16xi32>
        %parallel_loop3A_225 = arith.addi %parallel_loop3A_90, %parallel_loop3A_224 : vector<16xi32>
        %parallel_loop3A_226 = tpu.vector_load_idx %arg5[%parallel_loop3A_225] : memref<32000xf32, #tpu.memory_space<vmem>>[vector<16xi32>], vector<16xf32>,
        %parallel_loop3A_227 = arith.constant 16 : i32
        %parallel_loop3A_228 = arith.muli %parallel_loop3A_85, %parallel_loop3A_227 : i32
        %parallel_loop3A_229 = arith.constant 0 : i32
        %parallel_loop3A_230 = arith.constant 11 : i32
        %parallel_loop3A_231 = arith.index_cast %parallel_loop3A_229 : i32 to index
        %parallel_loop3A_232 = arith.index_cast %parallel_loop3A_230 : i32 to index
        %parallel_loop3A_233 = arith.index_cast %parallel_loop3A_228 : i32 to index
        %parallel_loop3A_234 = tpu.vector_load %arg7[%parallel_loop3A_231, %parallel_loop3A_232, %parallel_loop3A_233] {strides = array<i32>} : memref<2x32x512xf32, #tpu.memory_space<vmem>>, vector<16xf32>,
        tpu.vector_store %arg7[%parallel_loop3A_231, %parallel_loop3A_232, %parallel_loop3A_233], %parallel_loop3A_226 {strides = array<i32>} : memref<2x32x512xf32, #tpu.memory_space<vmem>>, vector<16xf32>,
        %parallel_loop3A_235 = arith.constant 12000 : i32
        %parallel_loop3A_236 = vector.broadcast %parallel_loop3A_235 : i32 to vector<16xi32>
        %parallel_loop3A_237 = arith.addi %parallel_loop3A_90, %parallel_loop3A_236 : vector<16xi32>
        %parallel_loop3A_238 = tpu.vector_load_idx %arg5[%parallel_loop3A_237] : memref<32000xf32, #tpu.memory_space<vmem>>[vector<16xi32>], vector<16xf32>,
        %parallel_loop3A_239 = arith.constant 16 : i32
        %parallel_loop3A_240 = arith.muli %parallel_loop3A_85, %parallel_loop3A_239 : i32
        %parallel_loop3A_241 = arith.constant 0 : i32
        %parallel_loop3A_242 = arith.constant 12 : i32
        %parallel_loop3A_243 = arith.index_cast %parallel_loop3A_241 : i32 to index
        %parallel_loop3A_244 = arith.index_cast %parallel_loop3A_242 : i32 to index
        %parallel_loop3A_245 = arith.index_cast %parallel_loop3A_240 : i32 to index
        %parallel_loop3A_246 = tpu.vector_load %arg7[%parallel_loop3A_243, %parallel_loop3A_244, %parallel_loop3A_245] {strides = array<i32>} : memref<2x32x512xf32, #tpu.memory_space<vmem>>, vector<16xf32>,
        tpu.vector_store %arg7[%parallel_loop3A_243, %parallel_loop3A_244, %parallel_loop3A_245], %parallel_loop3A_238 {strides = array<i32>} : memref<2x32x512xf32, #tpu.memory_space<vmem>>, vector<16xf32>,
        %parallel_loop3A_247 = arith.constant 13000 : i32
        %parallel_loop3A_248 = vector.broadcast %parallel_loop3A_247 : i32 to vector<16xi32>
        %parallel_loop3A_249 = arith.addi %parallel_loop3A_90, %parallel_loop3A_248 : vector<16xi32>
        %parallel_loop3A_250 = tpu.vector_load_idx %arg5[%parallel_loop3A_249] : memref<32000xf32, #tpu.memory_space<vmem>>[vector<16xi32>], vector<16xf32>,
        %parallel_loop3A_251 = arith.constant 16 : i32
        %parallel_loop3A_252 = arith.muli %parallel_loop3A_85, %parallel_loop3A_251 : i32
        %parallel_loop3A_253 = arith.constant 0 : i32
        %parallel_loop3A_254 = arith.constant 13 : i32
        %parallel_loop3A_255 = arith.index_cast %parallel_loop3A_253 : i32 to index
        %parallel_loop3A_256 = arith.index_cast %parallel_loop3A_254 : i32 to index
        %parallel_loop3A_257 = arith.index_cast %parallel_loop3A_252 : i32 to index
        %parallel_loop3A_258 = tpu.vector_load %arg7[%parallel_loop3A_255, %parallel_loop3A_256, %parallel_loop3A_257] {strides = array<i32>} : memref<2x32x512xf32, #tpu.memory_space<vmem>>, vector<16xf32>,
        tpu.vector_store %arg7[%parallel_loop3A_255, %parallel_loop3A_256, %parallel_loop3A_257], %parallel_loop3A_250 {strides = array<i32>} : memref<2x32x512xf32, #tpu.memory_space<vmem>>, vector<16xf32>,
        %parallel_loop3A_259 = arith.constant 14000 : i32
        %parallel_loop3A_260 = vector.broadcast %parallel_loop3A_259 : i32 to vector<16xi32>
        %parallel_loop3A_261 = arith.addi %parallel_loop3A_90, %parallel_loop3A_260 : vector<16xi32>
        %parallel_loop3A_262 = tpu.vector_load_idx %arg5[%parallel_loop3A_261] : memref<32000xf32, #tpu.memory_space<vmem>>[vector<16xi32>], vector<16xf32>,
        %parallel_loop3A_263 = arith.constant 16 : i32
        %parallel_loop3A_264 = arith.muli %parallel_loop3A_85, %parallel_loop3A_263 : i32
        %parallel_loop3A_265 = arith.constant 0 : i32
        %parallel_loop3A_266 = arith.constant 14 : i32
        %parallel_loop3A_267 = arith.index_cast %parallel_loop3A_265 : i32 to index
        %parallel_loop3A_268 = arith.index_cast %parallel_loop3A_266 : i32 to index
        %parallel_loop3A_269 = arith.index_cast %parallel_loop3A_264 : i32 to index
        %parallel_loop3A_270 = tpu.vector_load %arg7[%parallel_loop3A_267, %parallel_loop3A_268, %parallel_loop3A_269] {strides = array<i32>} : memref<2x32x512xf32, #tpu.memory_space<vmem>>, vector<16xf32>,
        tpu.vector_store %arg7[%parallel_loop3A_267, %parallel_loop3A_268, %parallel_loop3A_269], %parallel_loop3A_262 {strides = array<i32>} : memref<2x32x512xf32, #tpu.memory_space<vmem>>, vector<16xf32>,
        %parallel_loop3A_271 = arith.constant 15000 : i32
        %parallel_loop3A_272 = vector.broadcast %parallel_loop3A_271 : i32 to vector<16xi32>
        %parallel_loop3A_273 = arith.addi %parallel_loop3A_90, %parallel_loop3A_272 : vector<16xi32>
        %parallel_loop3A_274 = tpu.vector_load_idx %arg5[%parallel_loop3A_273] : memref<32000xf32, #tpu.memory_space<vmem>>[vector<16xi32>], vector<16xf32>,
        %parallel_loop3A_275 = arith.constant 16 : i32
        %parallel_loop3A_276 = arith.muli %parallel_loop3A_85, %parallel_loop3A_275 : i32
        %parallel_loop3A_277 = arith.constant 0 : i32
        %parallel_loop3A_278 = arith.constant 15 : i32
        %parallel_loop3A_279 = arith.index_cast %parallel_loop3A_277 : i32 to index
        %parallel_loop3A_280 = arith.index_cast %parallel_loop3A_278 : i32 to index
        %parallel_loop3A_281 = arith.index_cast %parallel_loop3A_276 : i32 to index
        %parallel_loop3A_282 = tpu.vector_load %arg7[%parallel_loop3A_279, %parallel_loop3A_280, %parallel_loop3A_281] {strides = array<i32>} : memref<2x32x512xf32, #tpu.memory_space<vmem>>, vector<16xf32>,
        tpu.vector_store %arg7[%parallel_loop3A_279, %parallel_loop3A_280, %parallel_loop3A_281], %parallel_loop3A_274 {strides = array<i32>} : memref<2x32x512xf32, #tpu.memory_space<vmem>>, vector<16xf32>,
        %parallel_loop3A_283 = arith.constant 16000 : i32
        %parallel_loop3A_284 = vector.broadcast %parallel_loop3A_283 : i32 to vector<16xi32>
        %parallel_loop3A_285 = arith.addi %parallel_loop3A_90, %parallel_loop3A_284 : vector<16xi32>
        %parallel_loop3A_286 = tpu.vector_load_idx %arg5[%parallel_loop3A_285] : memref<32000xf32, #tpu.memory_space<vmem>>[vector<16xi32>], vector<16xf32>,
        %parallel_loop3A_287 = arith.constant 16 : i32
        %parallel_loop3A_288 = arith.muli %parallel_loop3A_85, %parallel_loop3A_287 : i32
        %parallel_loop3A_289 = arith.constant 0 : i32
        %parallel_loop3A_290 = arith.constant 16 : i32
        %parallel_loop3A_291 = arith.index_cast %parallel_loop3A_289 : i32 to index
        %parallel_loop3A_292 = arith.index_cast %parallel_loop3A_290 : i32 to index
        %parallel_loop3A_293 = arith.index_cast %parallel_loop3A_288 : i32 to index
        %parallel_loop3A_294 = tpu.vector_load %arg7[%parallel_loop3A_291, %parallel_loop3A_292, %parallel_loop3A_293] {strides = array<i32>} : memref<2x32x512xf32, #tpu.memory_space<vmem>>, vector<16xf32>,
        tpu.vector_store %arg7[%parallel_loop3A_291, %parallel_loop3A_292, %parallel_loop3A_293], %parallel_loop3A_286 {strides = array<i32>} : memref<2x32x512xf32, #tpu.memory_space<vmem>>, vector<16xf32>,
        %parallel_loop3A_295 = arith.constant 17000 : i32
        %parallel_loop3A_296 = vector.broadcast %parallel_loop3A_295 : i32 to vector<16xi32>
        %parallel_loop3A_297 = arith.addi %parallel_loop3A_90, %parallel_loop3A_296 : vector<16xi32>
        %parallel_loop3A_298 = tpu.vector_load_idx %arg5[%parallel_loop3A_297] : memref<32000xf32, #tpu.memory_space<vmem>>[vector<16xi32>], vector<16xf32>,
        %parallel_loop3A_299 = arith.constant 16 : i32
        %parallel_loop3A_300 = arith.muli %parallel_loop3A_85, %parallel_loop3A_299 : i32
        %parallel_loop3A_301 = arith.constant 0 : i32
        %parallel_loop3A_302 = arith.constant 17 : i32
        %parallel_loop3A_303 = arith.index_cast %parallel_loop3A_301 : i32 to index
        %parallel_loop3A_304 = arith.index_cast %parallel_loop3A_302 : i32 to index
        %parallel_loop3A_305 = arith.index_cast %parallel_loop3A_300 : i32 to index
        %parallel_loop3A_306 = tpu.vector_load %arg7[%parallel_loop3A_303, %parallel_loop3A_304, %parallel_loop3A_305] {strides = array<i32>} : memref<2x32x512xf32, #tpu.memory_space<vmem>>, vector<16xf32>,
        tpu.vector_store %arg7[%parallel_loop3A_303, %parallel_loop3A_304, %parallel_loop3A_305], %parallel_loop3A_298 {strides = array<i32>} : memref<2x32x512xf32, #tpu.memory_space<vmem>>, vector<16xf32>,
        %parallel_loop3A_307 = arith.constant 18000 : i32
        %parallel_loop3A_308 = vector.broadcast %parallel_loop3A_307 : i32 to vector<16xi32>
        %parallel_loop3A_309 = arith.addi %parallel_loop3A_90, %parallel_loop3A_308 : vector<16xi32>
        %parallel_loop3A_310 = tpu.vector_load_idx %arg5[%parallel_loop3A_309] : memref<32000xf32, #tpu.memory_space<vmem>>[vector<16xi32>], vector<16xf32>,
        %parallel_loop3A_311 = arith.constant 16 : i32
        %parallel_loop3A_312 = arith.muli %parallel_loop3A_85, %parallel_loop3A_311 : i32
        %parallel_loop3A_313 = arith.constant 0 : i32
        %parallel_loop3A_314 = arith.constant 18 : i32
        %parallel_loop3A_315 = arith.index_cast %parallel_loop3A_313 : i32 to index
        %parallel_loop3A_316 = arith.index_cast %parallel_loop3A_314 : i32 to index
        %parallel_loop3A_317 = arith.index_cast %parallel_loop3A_312 : i32 to index
        %parallel_loop3A_318 = tpu.vector_load %arg7[%parallel_loop3A_315, %parallel_loop3A_316, %parallel_loop3A_317] {strides = array<i32>} : memref<2x32x512xf32, #tpu.memory_space<vmem>>, vector<16xf32>,
        tpu.vector_store %arg7[%parallel_loop3A_315, %parallel_loop3A_316, %parallel_loop3A_317], %parallel_loop3A_310 {strides = array<i32>} : memref<2x32x512xf32, #tpu.memory_space<vmem>>, vector<16xf32>,
        %parallel_loop3A_319 = arith.constant 19000 : i32
        %parallel_loop3A_320 = vector.broadcast %parallel_loop3A_319 : i32 to vector<16xi32>
        %parallel_loop3A_321 = arith.addi %parallel_loop3A_90, %parallel_loop3A_320 : vector<16xi32>
        %parallel_loop3A_322 = tpu.vector_load_idx %arg5[%parallel_loop3A_321] : memref<32000xf32, #tpu.memory_space<vmem>>[vector<16xi32>], vector<16xf32>,
        %parallel_loop3A_323 = arith.constant 16 : i32
        %parallel_loop3A_324 = arith.muli %parallel_loop3A_85, %parallel_loop3A_323 : i32
        %parallel_loop3A_325 = arith.constant 0 : i32
        %parallel_loop3A_326 = arith.constant 19 : i32
        %parallel_loop3A_327 = arith.index_cast %parallel_loop3A_325 : i32 to index
        %parallel_loop3A_328 = arith.index_cast %parallel_loop3A_326 : i32 to index
        %parallel_loop3A_329 = arith.index_cast %parallel_loop3A_324 : i32 to index
        %parallel_loop3A_330 = tpu.vector_load %arg7[%parallel_loop3A_327, %parallel_loop3A_328, %parallel_loop3A_329] {strides = array<i32>} : memref<2x32x512xf32, #tpu.memory_space<vmem>>, vector<16xf32>,
        tpu.vector_store %arg7[%parallel_loop3A_327, %parallel_loop3A_328, %parallel_loop3A_329], %parallel_loop3A_322 {strides = array<i32>} : memref<2x32x512xf32, #tpu.memory_space<vmem>>, vector<16xf32>,
        %parallel_loop3A_331 = arith.constant 20000 : i32
        %parallel_loop3A_332 = vector.broadcast %parallel_loop3A_331 : i32 to vector<16xi32>
        %parallel_loop3A_333 = arith.addi %parallel_loop3A_90, %parallel_loop3A_332 : vector<16xi32>
        %parallel_loop3A_334 = tpu.vector_load_idx %arg5[%parallel_loop3A_333] : memref<32000xf32, #tpu.memory_space<vmem>>[vector<16xi32>], vector<16xf32>,
        %parallel_loop3A_335 = arith.constant 16 : i32
        %parallel_loop3A_336 = arith.muli %parallel_loop3A_85, %parallel_loop3A_335 : i32
        %parallel_loop3A_337 = arith.constant 0 : i32
        %parallel_loop3A_338 = arith.constant 20 : i32
        %parallel_loop3A_339 = arith.index_cast %parallel_loop3A_337 : i32 to index
        %parallel_loop3A_340 = arith.index_cast %parallel_loop3A_338 : i32 to index
        %parallel_loop3A_341 = arith.index_cast %parallel_loop3A_336 : i32 to index
        %parallel_loop3A_342 = tpu.vector_load %arg7[%parallel_loop3A_339, %parallel_loop3A_340, %parallel_loop3A_341] {strides = array<i32>} : memref<2x32x512xf32, #tpu.memory_space<vmem>>, vector<16xf32>,
        tpu.vector_store %arg7[%parallel_loop3A_339, %parallel_loop3A_340, %parallel_loop3A_341], %parallel_loop3A_334 {strides = array<i32>} : memref<2x32x512xf32, #tpu.memory_space<vmem>>, vector<16xf32>,
        %parallel_loop3A_343 = arith.constant 21000 : i32
        %parallel_loop3A_344 = vector.broadcast %parallel_loop3A_343 : i32 to vector<16xi32>
        %parallel_loop3A_345 = arith.addi %parallel_loop3A_90, %parallel_loop3A_344 : vector<16xi32>
        %parallel_loop3A_346 = tpu.vector_load_idx %arg5[%parallel_loop3A_345] : memref<32000xf32, #tpu.memory_space<vmem>>[vector<16xi32>], vector<16xf32>,
        %parallel_loop3A_347 = arith.constant 16 : i32
        %parallel_loop3A_348 = arith.muli %parallel_loop3A_85, %parallel_loop3A_347 : i32
        %parallel_loop3A_349 = arith.constant 0 : i32
        %parallel_loop3A_350 = arith.constant 21 : i32
        %parallel_loop3A_351 = arith.index_cast %parallel_loop3A_349 : i32 to index
        %parallel_loop3A_352 = arith.index_cast %parallel_loop3A_350 : i32 to index
        %parallel_loop3A_353 = arith.index_cast %parallel_loop3A_348 : i32 to index
        %parallel_loop3A_354 = tpu.vector_load %arg7[%parallel_loop3A_351, %parallel_loop3A_352, %parallel_loop3A_353] {strides = array<i32>} : memref<2x32x512xf32, #tpu.memory_space<vmem>>, vector<16xf32>,
        tpu.vector_store %arg7[%parallel_loop3A_351, %parallel_loop3A_352, %parallel_loop3A_353], %parallel_loop3A_346 {strides = array<i32>} : memref<2x32x512xf32, #tpu.memory_space<vmem>>, vector<16xf32>,
        %parallel_loop3A_355 = arith.constant 22000 : i32
        %parallel_loop3A_356 = vector.broadcast %parallel_loop3A_355 : i32 to vector<16xi32>
        %parallel_loop3A_357 = arith.addi %parallel_loop3A_90, %parallel_loop3A_356 : vector<16xi32>
        %parallel_loop3A_358 = tpu.vector_load_idx %arg5[%parallel_loop3A_357] : memref<32000xf32, #tpu.memory_space<vmem>>[vector<16xi32>], vector<16xf32>,
        %parallel_loop3A_359 = arith.constant 16 : i32
        %parallel_loop3A_360 = arith.muli %parallel_loop3A_85, %parallel_loop3A_359 : i32
        %parallel_loop3A_361 = arith.constant 0 : i32
        %parallel_loop3A_362 = arith.constant 22 : i32
        %parallel_loop3A_363 = arith.index_cast %parallel_loop3A_361 : i32 to index
        %parallel_loop3A_364 = arith.index_cast %parallel_loop3A_362 : i32 to index
        %parallel_loop3A_365 = arith.index_cast %parallel_loop3A_360 : i32 to index
        %parallel_loop3A_366 = tpu.vector_load %arg7[%parallel_loop3A_363, %parallel_loop3A_364, %parallel_loop3A_365] {strides = array<i32>} : memref<2x32x512xf32, #tpu.memory_space<vmem>>, vector<16xf32>,
        tpu.vector_store %arg7[%parallel_loop3A_363, %parallel_loop3A_364, %parallel_loop3A_365], %parallel_loop3A_358 {strides = array<i32>} : memref<2x32x512xf32, #tpu.memory_space<vmem>>, vector<16xf32>,
        %parallel_loop3A_367 = arith.constant 23000 : i32
        %parallel_loop3A_368 = vector.broadcast %parallel_loop3A_367 : i32 to vector<16xi32>
        %parallel_loop3A_369 = arith.addi %parallel_loop3A_90, %parallel_loop3A_368 : vector<16xi32>
        %parallel_loop3A_370 = tpu.vector_load_idx %arg5[%parallel_loop3A_369] : memref<32000xf32, #tpu.memory_space<vmem>>[vector<16xi32>], vector<16xf32>,
        %parallel_loop3A_371 = arith.constant 16 : i32
        %parallel_loop3A_372 = arith.muli %parallel_loop3A_85, %parallel_loop3A_371 : i32
        %parallel_loop3A_373 = arith.constant 0 : i32
        %parallel_loop3A_374 = arith.constant 23 : i32
        %parallel_loop3A_375 = arith.index_cast %parallel_loop3A_373 : i32 to index
        %parallel_loop3A_376 = arith.index_cast %parallel_loop3A_374 : i32 to index
        %parallel_loop3A_377 = arith.index_cast %parallel_loop3A_372 : i32 to index
        %parallel_loop3A_378 = tpu.vector_load %arg7[%parallel_loop3A_375, %parallel_loop3A_376, %parallel_loop3A_377] {strides = array<i32>} : memref<2x32x512xf32, #tpu.memory_space<vmem>>, vector<16xf32>,
        tpu.vector_store %arg7[%parallel_loop3A_375, %parallel_loop3A_376, %parallel_loop3A_377], %parallel_loop3A_370 {strides = array<i32>} : memref<2x32x512xf32, #tpu.memory_space<vmem>>, vector<16xf32>,
        %parallel_loop3A_379 = arith.constant 24000 : i32
        %parallel_loop3A_380 = vector.broadcast %parallel_loop3A_379 : i32 to vector<16xi32>
        %parallel_loop3A_381 = arith.addi %parallel_loop3A_90, %parallel_loop3A_380 : vector<16xi32>
        %parallel_loop3A_382 = tpu.vector_load_idx %arg5[%parallel_loop3A_381] : memref<32000xf32, #tpu.memory_space<vmem>>[vector<16xi32>], vector<16xf32>,
        %parallel_loop3A_383 = arith.constant 16 : i32
        %parallel_loop3A_384 = arith.muli %parallel_loop3A_85, %parallel_loop3A_383 : i32
        %parallel_loop3A_385 = arith.constant 0 : i32
        %parallel_loop3A_386 = arith.constant 24 : i32
        %parallel_loop3A_387 = arith.index_cast %parallel_loop3A_385 : i32 to index
        %parallel_loop3A_388 = arith.index_cast %parallel_loop3A_386 : i32 to index
        %parallel_loop3A_389 = arith.index_cast %parallel_loop3A_384 : i32 to index
        %parallel_loop3A_390 = tpu.vector_load %arg7[%parallel_loop3A_387, %parallel_loop3A_388, %parallel_loop3A_389] {strides = array<i32>} : memref<2x32x512xf32, #tpu.memory_space<vmem>>, vector<16xf32>,
        tpu.vector_store %arg7[%parallel_loop3A_387, %parallel_loop3A_388, %parallel_loop3A_389], %parallel_loop3A_382 {strides = array<i32>} : memref<2x32x512xf32, #tpu.memory_space<vmem>>, vector<16xf32>,
        %parallel_loop3A_391 = arith.constant 25000 : i32
        %parallel_loop3A_392 = vector.broadcast %parallel_loop3A_391 : i32 to vector<16xi32>
        %parallel_loop3A_393 = arith.addi %parallel_loop3A_90, %parallel_loop3A_392 : vector<16xi32>
        %parallel_loop3A_394 = tpu.vector_load_idx %arg5[%parallel_loop3A_393] : memref<32000xf32, #tpu.memory_space<vmem>>[vector<16xi32>], vector<16xf32>,
        %parallel_loop3A_395 = arith.constant 16 : i32
        %parallel_loop3A_396 = arith.muli %parallel_loop3A_85, %parallel_loop3A_395 : i32
        %parallel_loop3A_397 = arith.constant 0 : i32
        %parallel_loop3A_398 = arith.constant 25 : i32
        %parallel_loop3A_399 = arith.index_cast %parallel_loop3A_397 : i32 to index
        %parallel_loop3A_400 = arith.index_cast %parallel_loop3A_398 : i32 to index
        %parallel_loop3A_401 = arith.index_cast %parallel_loop3A_396 : i32 to index
        %parallel_loop3A_402 = tpu.vector_load %arg7[%parallel_loop3A_399, %parallel_loop3A_400, %parallel_loop3A_401] {strides = array<i32>} : memref<2x32x512xf32, #tpu.memory_space<vmem>>, vector<16xf32>,
        tpu.vector_store %arg7[%parallel_loop3A_399, %parallel_loop3A_400, %parallel_loop3A_401], %parallel_loop3A_394 {strides = array<i32>} : memref<2x32x512xf32, #tpu.memory_space<vmem>>, vector<16xf32>,
        %parallel_loop3A_403 = arith.constant 26000 : i32
        %parallel_loop3A_404 = vector.broadcast %parallel_loop3A_403 : i32 to vector<16xi32>
        %parallel_loop3A_405 = arith.addi %parallel_loop3A_90, %parallel_loop3A_404 : vector<16xi32>
        %parallel_loop3A_406 = tpu.vector_load_idx %arg5[%parallel_loop3A_405] : memref<32000xf32, #tpu.memory_space<vmem>>[vector<16xi32>], vector<16xf32>,
        %parallel_loop3A_407 = arith.constant 16 : i32
        %parallel_loop3A_408 = arith.muli %parallel_loop3A_85, %parallel_loop3A_407 : i32
        %parallel_loop3A_409 = arith.constant 0 : i32
        %parallel_loop3A_410 = arith.constant 26 : i32
        %parallel_loop3A_411 = arith.index_cast %parallel_loop3A_409 : i32 to index
        %parallel_loop3A_412 = arith.index_cast %parallel_loop3A_410 : i32 to index
        %parallel_loop3A_413 = arith.index_cast %parallel_loop3A_408 : i32 to index
        %parallel_loop3A_414 = tpu.vector_load %arg7[%parallel_loop3A_411, %parallel_loop3A_412, %parallel_loop3A_413] {strides = array<i32>} : memref<2x32x512xf32, #tpu.memory_space<vmem>>, vector<16xf32>,
        tpu.vector_store %arg7[%parallel_loop3A_411, %parallel_loop3A_412, %parallel_loop3A_413], %parallel_loop3A_406 {strides = array<i32>} : memref<2x32x512xf32, #tpu.memory_space<vmem>>, vector<16xf32>,
        %parallel_loop3A_415 = arith.constant 27000 : i32
        %parallel_loop3A_416 = vector.broadcast %parallel_loop3A_415 : i32 to vector<16xi32>
        %parallel_loop3A_417 = arith.addi %parallel_loop3A_90, %parallel_loop3A_416 : vector<16xi32>
        %parallel_loop3A_418 = tpu.vector_load_idx %arg5[%parallel_loop3A_417] : memref<32000xf32, #tpu.memory_space<vmem>>[vector<16xi32>], vector<16xf32>,
        %parallel_loop3A_419 = arith.constant 16 : i32
        %parallel_loop3A_420 = arith.muli %parallel_loop3A_85, %parallel_loop3A_419 : i32
        %parallel_loop3A_421 = arith.constant 0 : i32
        %parallel_loop3A_422 = arith.constant 27 : i32
        %parallel_loop3A_423 = arith.index_cast %parallel_loop3A_421 : i32 to index
        %parallel_loop3A_424 = arith.index_cast %parallel_loop3A_422 : i32 to index
        %parallel_loop3A_425 = arith.index_cast %parallel_loop3A_420 : i32 to index
        %parallel_loop3A_426 = tpu.vector_load %arg7[%parallel_loop3A_423, %parallel_loop3A_424, %parallel_loop3A_425] {strides = array<i32>} : memref<2x32x512xf32, #tpu.memory_space<vmem>>, vector<16xf32>,
        tpu.vector_store %arg7[%parallel_loop3A_423, %parallel_loop3A_424, %parallel_loop3A_425], %parallel_loop3A_418 {strides = array<i32>} : memref<2x32x512xf32, #tpu.memory_space<vmem>>, vector<16xf32>,
        %parallel_loop3A_427 = arith.constant 28000 : i32
        %parallel_loop3A_428 = vector.broadcast %parallel_loop3A_427 : i32 to vector<16xi32>
        %parallel_loop3A_429 = arith.addi %parallel_loop3A_90, %parallel_loop3A_428 : vector<16xi32>
        %parallel_loop3A_430 = tpu.vector_load_idx %arg5[%parallel_loop3A_429] : memref<32000xf32, #tpu.memory_space<vmem>>[vector<16xi32>], vector<16xf32>,
        %parallel_loop3A_431 = arith.constant 16 : i32
        %parallel_loop3A_432 = arith.muli %parallel_loop3A_85, %parallel_loop3A_431 : i32
        %parallel_loop3A_433 = arith.constant 0 : i32
        %parallel_loop3A_434 = arith.constant 28 : i32
        %parallel_loop3A_435 = arith.index_cast %parallel_loop3A_433 : i32 to index
        %parallel_loop3A_436 = arith.index_cast %parallel_loop3A_434 : i32 to index
        %parallel_loop3A_437 = arith.index_cast %parallel_loop3A_432 : i32 to index
        %parallel_loop3A_438 = tpu.vector_load %arg7[%parallel_loop3A_435, %parallel_loop3A_436, %parallel_loop3A_437] {strides = array<i32>} : memref<2x32x512xf32, #tpu.memory_space<vmem>>, vector<16xf32>,
        tpu.vector_store %arg7[%parallel_loop3A_435, %parallel_loop3A_436, %parallel_loop3A_437], %parallel_loop3A_430 {strides = array<i32>} : memref<2x32x512xf32, #tpu.memory_space<vmem>>, vector<16xf32>,
        %parallel_loop3A_439 = arith.constant 29000 : i32
        %parallel_loop3A_440 = vector.broadcast %parallel_loop3A_439 : i32 to vector<16xi32>
        %parallel_loop3A_441 = arith.addi %parallel_loop3A_90, %parallel_loop3A_440 : vector<16xi32>
        %parallel_loop3A_442 = tpu.vector_load_idx %arg5[%parallel_loop3A_441] : memref<32000xf32, #tpu.memory_space<vmem>>[vector<16xi32>], vector<16xf32>,
        %parallel_loop3A_443 = arith.constant 16 : i32
        %parallel_loop3A_444 = arith.muli %parallel_loop3A_85, %parallel_loop3A_443 : i32
        %parallel_loop3A_445 = arith.constant 0 : i32
        %parallel_loop3A_446 = arith.constant 29 : i32
        %parallel_loop3A_447 = arith.index_cast %parallel_loop3A_445 : i32 to index
        %parallel_loop3A_448 = arith.index_cast %parallel_loop3A_446 : i32 to index
        %parallel_loop3A_449 = arith.index_cast %parallel_loop3A_444 : i32 to index
        %parallel_loop3A_450 = tpu.vector_load %arg7[%parallel_loop3A_447, %parallel_loop3A_448, %parallel_loop3A_449] {strides = array<i32>} : memref<2x32x512xf32, #tpu.memory_space<vmem>>, vector<16xf32>,
        tpu.vector_store %arg7[%parallel_loop3A_447, %parallel_loop3A_448, %parallel_loop3A_449], %parallel_loop3A_442 {strides = array<i32>} : memref<2x32x512xf32, #tpu.memory_space<vmem>>, vector<16xf32>,
        %parallel_loop3A_451 = arith.constant 30000 : i32
        %parallel_loop3A_452 = vector.broadcast %parallel_loop3A_451 : i32 to vector<16xi32>
        %parallel_loop3A_453 = arith.addi %parallel_loop3A_90, %parallel_loop3A_452 : vector<16xi32>
        %parallel_loop3A_454 = tpu.vector_load_idx %arg5[%parallel_loop3A_453] : memref<32000xf32, #tpu.memory_space<vmem>>[vector<16xi32>], vector<16xf32>,
        %parallel_loop3A_455 = arith.constant 16 : i32
        %parallel_loop3A_456 = arith.muli %parallel_loop3A_85, %parallel_loop3A_455 : i32
        %parallel_loop3A_457 = arith.constant 0 : i32
        %parallel_loop3A_458 = arith.constant 30 : i32
        %parallel_loop3A_459 = arith.index_cast %parallel_loop3A_457 : i32 to index
        %parallel_loop3A_460 = arith.index_cast %parallel_loop3A_458 : i32 to index
        %parallel_loop3A_461 = arith.index_cast %parallel_loop3A_456 : i32 to index
        %parallel_loop3A_462 = tpu.vector_load %arg7[%parallel_loop3A_459, %parallel_loop3A_460, %parallel_loop3A_461] {strides = array<i32>} : memref<2x32x512xf32, #tpu.memory_space<vmem>>, vector<16xf32>,
        tpu.vector_store %arg7[%parallel_loop3A_459, %parallel_loop3A_460, %parallel_loop3A_461], %parallel_loop3A_454 {strides = array<i32>} : memref<2x32x512xf32, #tpu.memory_space<vmem>>, vector<16xf32>,
        %parallel_loop3A_463 = arith.constant 31000 : i32
        %parallel_loop3A_464 = vector.broadcast %parallel_loop3A_463 : i32 to vector<16xi32>
        %parallel_loop3A_465 = arith.addi %parallel_loop3A_90, %parallel_loop3A_464 : vector<16xi32>
        %parallel_loop3A_466 = tpu.vector_load_idx %arg5[%parallel_loop3A_465] : memref<32000xf32, #tpu.memory_space<vmem>>[vector<16xi32>], vector<16xf32>,
        %parallel_loop3A_467 = arith.constant 16 : i32
        %parallel_loop3A_468 = arith.muli %parallel_loop3A_85, %parallel_loop3A_467 : i32
        %parallel_loop3A_469 = arith.constant 0 : i32
        %parallel_loop3A_470 = arith.constant 31 : i32
        %parallel_loop3A_471 = arith.index_cast %parallel_loop3A_469 : i32 to index
        %parallel_loop3A_472 = arith.index_cast %parallel_loop3A_470 : i32 to index
        %parallel_loop3A_473 = arith.index_cast %parallel_loop3A_468 : i32 to index
        %parallel_loop3A_474 = tpu.vector_load %arg7[%parallel_loop3A_471, %parallel_loop3A_472, %parallel_loop3A_473] {strides = array<i32>} : memref<2x32x512xf32, #tpu.memory_space<vmem>>, vector<16xf32>,
        tpu.vector_store %arg7[%parallel_loop3A_471, %parallel_loop3A_472, %parallel_loop3A_473], %parallel_loop3A_466 {strides = array<i32>} : memref<2x32x512xf32, #tpu.memory_space<vmem>>, vector<16xf32>,
      } {sc.loop_unroll_factor = 8 : i64, sc.parallel_access}
      %mul3A_47 = arith.constant 32 : i32
      %mul3A_48 = arith.muli %mul3A_42, %mul3A_47 : i32
      %dma_start3A_49 = arith.constant 0 : i32
      %dma_start3A_50 = arith.constant 0 : i32
      %dma_start3A_51 = arith.constant 0 : i32
      %dma_start3A_52 = tpu.memref_slice %arg7[%dma_start3A_49, %dma_start3A_50, %dma_start3A_51] : memref<2x32x512xf32, #tpu.memory_space<vmem>> -> memref<1x32x512xf32, #tpu.memory_space<vmem>>
      %dma_start3A_53 = tpu.memref_squeeze %dma_start3A_52 : memref<1x32x512xf32, #tpu.memory_space<vmem>> -> memref<32x512xf32, #tpu.memory_space<vmem>>
      %dma_start3A_54 = tpu.memref_slice %arg4[%mul3A_48, %mul3A_2] : memref<1600x16384xf32, #tpu.memory_space<hbm>> -> memref<32x512xf32, #tpu.memory_space<hbm>>
      %dma_start3A_55 = tpu.memref_slice %arg4[%mul3A_48, %mul3A_2] : memref<1600x16384xf32, #tpu.memory_space<hbm>> -> memref<32x512xf32, #tpu.memory_space<hbm>>
      %dma_start3A_56 = arith.constant 0 : i32
      %dma_start3A_57 = arith.constant 0 : i32
      %dma_start3A_58 = tpu.memref_slice %arg7[%dma_start3A_49, %dma_start3A_56, %dma_start3A_57] : memref<2x32x512xf32, #tpu.memory_space<vmem>> -> memref<1x32x512xf32, #tpu.memory_space<vmem>>
      %dma_start3A_59 = tpu.memref_squeeze %dma_start3A_58 : memref<1x32x512xf32, #tpu.memory_space<vmem>> -> memref<32x512xf32, #tpu.memory_space<vmem>>
      tpu.enqueue_dma source(%dma_start3A_59 : memref<32x512xf32, #tpu.memory_space<vmem>>) target(%dma_start3A_55 : memref<32x512xf32, #tpu.memory_space<hbm>>) target_semaphore(%arg8 : memref<!tpu.dma_semaphore, #tpu.memory_space<semaphore_mem>>)
      %gt3A_60 = arith.constant 0 : i32
      %gt3A_61 = arith.cmpi sgt, %scan3A_40, %gt3A_60 : i32
      %convert_element_type3A_62 = arith.extui %gt3A_61 : i1 to i32
      %cond3A_63 = arith.constant 0 : i32
      %cond3A_64 = arith.cmpi ne, %convert_element_type3A_62, %cond3A_63 : i32
      scf.if %cond3A_64 {
        %dma_wait3A_85 = arith.constant 0 : i32
        %dma_wait3A_86 = arith.constant 0 : i32
        %dma_wait3A_87 = arith.constant 0 : i32
        %dma_wait3A_88 = tpu.memref_slice %arg7[%dma_wait3A_85, %dma_wait3A_86, %dma_wait3A_87] : memref<2x32x512xf32, #tpu.memory_space<vmem>> -> memref<1x32x512xf32, #tpu.memory_space<vmem>>
        %dma_wait3A_89 = tpu.memref_squeeze %dma_wait3A_88 : memref<1x32x512xf32, #tpu.memory_space<vmem>> -> memref<32x512xf32, #tpu.memory_space<vmem>>
        %dma_wait3A_90 = arith.constant 0 : i32
        %dma_wait3A_91 = tpu.memref_slice %arg4[%dma_wait3A_90, %mul3A_2] : memref<1600x16384xf32, #tpu.memory_space<hbm>> -> memref<32x512xf32, #tpu.memory_space<hbm>>
        %dma_wait3A_92 = arith.constant 0 : i32
        %dma_wait3A_93 = tpu.memref_slice %arg4[%dma_wait3A_92, %mul3A_2] : memref<1600x16384xf32, #tpu.memory_space<hbm>> -> memref<32x512xf32, #tpu.memory_space<hbm>>
        %dma_wait3A_94 = arith.constant 0 : i32
        %dma_wait3A_95 = arith.constant 0 : i32
        %dma_wait3A_96 = tpu.memref_slice %arg7[%dma_wait3A_85, %dma_wait3A_94, %dma_wait3A_95] : memref<2x32x512xf32, #tpu.memory_space<vmem>> -> memref<1x32x512xf32, #tpu.memory_space<vmem>>
        %dma_wait3A_97 = tpu.memref_squeeze %dma_wait3A_96 : memref<1x32x512xf32, #tpu.memory_space<vmem>> -> memref<32x512xf32, #tpu.memory_space<vmem>>
        tpu.wait_dma2 semaphore(%arg9 : memref<!tpu.dma_semaphore, #tpu.memory_space<semaphore_mem>>) src(%dma_wait3A_97 : memref<32x512xf32, #tpu.memory_space<vmem>>) dst(%dma_wait3A_93 : memref<32x512xf32, #tpu.memory_space<hbm>>)
      } else {
      }
      %add3A_65 = arith.constant 1 : i32
      %add3A_66 = arith.addi %mul3A_42, %add3A_65 : i32
      %parallel_loop3A_67 = arith.constant 0 : i32
      %parallel_loop3A_68 = arith.constant 32 : i32
      %parallel_loop3A_69 = arith.constant 1 : i32
      scf.for %parallel_loop3A_85 = %parallel_loop3A_67 to %parallel_loop3A_68 step %parallel_loop3A_69  : i32 {
        %parallel_loop3A_86 = arith.constant 16 : i32
        %parallel_loop3A_87 = arith.muli %parallel_loop3A_85, %parallel_loop3A_86 : i32
        %parallel_loop3A_88 = arith.index_cast %add3A_66 : i32 to index
        %parallel_loop3A_89 = arith.index_cast %parallel_loop3A_87 : i32 to index
        %parallel_loop3A_90 = tpu.vector_load %arg6[%parallel_loop3A_88, %parallel_loop3A_89] {strides = array<i32>} : memref<50x512xi32, #tpu.memory_space<vmem>>, vector<16xi32>,
        %parallel_loop3A_91 = arith.constant 0 : i32
        %parallel_loop3A_92 = vector.broadcast %parallel_loop3A_91 : i32 to vector<16xi32>
        %parallel_loop3A_93 = arith.addi %parallel_loop3A_90, %parallel_loop3A_92 : vector<16xi32>
        %parallel_loop3A_94 = tpu.vector_load_idx %arg5[%parallel_loop3A_93] : memref<32000xf32, #tpu.memory_space<vmem>>[vector<16xi32>], vector<16xf32>,
        %parallel_loop3A_95 = arith.constant 16 : i32
        %parallel_loop3A_96 = arith.muli %parallel_loop3A_85, %parallel_loop3A_95 : i32
        %parallel_loop3A_97 = arith.constant 1 : i32
        %parallel_loop3A_98 = arith.constant 0 : i32
        %parallel_loop3A_99 = arith.index_cast %parallel_loop3A_97 : i32 to index
        %parallel_loop3A_100 = arith.index_cast %parallel_loop3A_98 : i32 to index
        %parallel_loop3A_101 = arith.index_cast %parallel_loop3A_96 : i32 to index
        %parallel_loop3A_102 = tpu.vector_load %arg7[%parallel_loop3A_99, %parallel_loop3A_100, %parallel_loop3A_101] {strides = array<i32>} : memref<2x32x512xf32, #tpu.memory_space<vmem>>, vector<16xf32>,
        tpu.vector_store %arg7[%parallel_loop3A_99, %parallel_loop3A_100, %parallel_loop3A_101], %parallel_loop3A_94 {strides = array<i32>} : memref<2x32x512xf32, #tpu.memory_space<vmem>>, vector<16xf32>,
        %parallel_loop3A_103 = arith.constant 1000 : i32
        %parallel_loop3A_104 = vector.broadcast %parallel_loop3A_103 : i32 to vector<16xi32>
        %parallel_loop3A_105 = arith.addi %parallel_loop3A_90, %parallel_loop3A_104 : vector<16xi32>
        %parallel_loop3A_106 = tpu.vector_load_idx %arg5[%parallel_loop3A_105] : memref<32000xf32, #tpu.memory_space<vmem>>[vector<16xi32>], vector<16xf32>,
        %parallel_loop3A_107 = arith.constant 16 : i32
        %parallel_loop3A_108 = arith.muli %parallel_loop3A_85, %parallel_loop3A_107 : i32
        %parallel_loop3A_109 = arith.constant 1 : i32
        %parallel_loop3A_110 = arith.constant 1 : i32
        %parallel_loop3A_111 = arith.index_cast %parallel_loop3A_109 : i32 to index
        %parallel_loop3A_112 = arith.index_cast %parallel_loop3A_110 : i32 to index
        %parallel_loop3A_113 = arith.index_cast %parallel_loop3A_108 : i32 to index
        %parallel_loop3A_114 = tpu.vector_load %arg7[%parallel_loop3A_111, %parallel_loop3A_112, %parallel_loop3A_113] {strides = array<i32>} : memref<2x32x512xf32, #tpu.memory_space<vmem>>, vector<16xf32>,
        tpu.vector_store %arg7[%parallel_loop3A_111, %parallel_loop3A_112, %parallel_loop3A_113], %parallel_loop3A_106 {strides = array<i32>} : memref<2x32x512xf32, #tpu.memory_space<vmem>>, vector<16xf32>,
        %parallel_loop3A_115 = arith.constant 2000 : i32
        %parallel_loop3A_116 = vector.broadcast %parallel_loop3A_115 : i32 to vector<16xi32>
        %parallel_loop3A_117 = arith.addi %parallel_loop3A_90, %parallel_loop3A_116 : vector<16xi32>
        %parallel_loop3A_118 = tpu.vector_load_idx %arg5[%parallel_loop3A_117] : memref<32000xf32, #tpu.memory_space<vmem>>[vector<16xi32>], vector<16xf32>,
        %parallel_loop3A_119 = arith.constant 16 : i32
        %parallel_loop3A_120 = arith.muli %parallel_loop3A_85, %parallel_loop3A_119 : i32
        %parallel_loop3A_121 = arith.constant 1 : i32
        %parallel_loop3A_122 = arith.constant 2 : i32
        %parallel_loop3A_123 = arith.index_cast %parallel_loop3A_121 : i32 to index
        %parallel_loop3A_124 = arith.index_cast %parallel_loop3A_122 : i32 to index
        %parallel_loop3A_125 = arith.index_cast %parallel_loop3A_120 : i32 to index
        %parallel_loop3A_126 = tpu.vector_load %arg7[%parallel_loop3A_123, %parallel_loop3A_124, %parallel_loop3A_125] {strides = array<i32>} : memref<2x32x512xf32, #tpu.memory_space<vmem>>, vector<16xf32>,
        tpu.vector_store %arg7[%parallel_loop3A_123, %parallel_loop3A_124, %parallel_loop3A_125], %parallel_loop3A_118 {strides = array<i32>} : memref<2x32x512xf32, #tpu.memory_space<vmem>>, vector<16xf32>,
        %parallel_loop3A_127 = arith.constant 3000 : i32
        %parallel_loop3A_128 = vector.broadcast %parallel_loop3A_127 : i32 to vector<16xi32>
        %parallel_loop3A_129 = arith.addi %parallel_loop3A_90, %parallel_loop3A_128 : vector<16xi32>
        %parallel_loop3A_130 = tpu.vector_load_idx %arg5[%parallel_loop3A_129] : memref<32000xf32, #tpu.memory_space<vmem>>[vector<16xi32>], vector<16xf32>,
        %parallel_loop3A_131 = arith.constant 16 : i32
        %parallel_loop3A_132 = arith.muli %parallel_loop3A_85, %parallel_loop3A_131 : i32
        %parallel_loop3A_133 = arith.constant 1 : i32
        %parallel_loop3A_134 = arith.constant 3 : i32
        %parallel_loop3A_135 = arith.index_cast %parallel_loop3A_133 : i32 to index
        %parallel_loop3A_136 = arith.index_cast %parallel_loop3A_134 : i32 to index
        %parallel_loop3A_137 = arith.index_cast %parallel_loop3A_132 : i32 to index
        %parallel_loop3A_138 = tpu.vector_load %arg7[%parallel_loop3A_135, %parallel_loop3A_136, %parallel_loop3A_137] {strides = array<i32>} : memref<2x32x512xf32, #tpu.memory_space<vmem>>, vector<16xf32>,
        tpu.vector_store %arg7[%parallel_loop3A_135, %parallel_loop3A_136, %parallel_loop3A_137], %parallel_loop3A_130 {strides = array<i32>} : memref<2x32x512xf32, #tpu.memory_space<vmem>>, vector<16xf32>,
        %parallel_loop3A_139 = arith.constant 4000 : i32
        %parallel_loop3A_140 = vector.broadcast %parallel_loop3A_139 : i32 to vector<16xi32>
        %parallel_loop3A_141 = arith.addi %parallel_loop3A_90, %parallel_loop3A_140 : vector<16xi32>
        %parallel_loop3A_142 = tpu.vector_load_idx %arg5[%parallel_loop3A_141] : memref<32000xf32, #tpu.memory_space<vmem>>[vector<16xi32>], vector<16xf32>,
        %parallel_loop3A_143 = arith.constant 16 : i32
        %parallel_loop3A_144 = arith.muli %parallel_loop3A_85, %parallel_loop3A_143 : i32
        %parallel_loop3A_145 = arith.constant 1 : i32
        %parallel_loop3A_146 = arith.constant 4 : i32
        %parallel_loop3A_147 = arith.index_cast %parallel_loop3A_145 : i32 to index
        %parallel_loop3A_148 = arith.index_cast %parallel_loop3A_146 : i32 to index
        %parallel_loop3A_149 = arith.index_cast %parallel_loop3A_144 : i32 to index
        %parallel_loop3A_150 = tpu.vector_load %arg7[%parallel_loop3A_147, %parallel_loop3A_148, %parallel_loop3A_149] {strides = array<i32>} : memref<2x32x512xf32, #tpu.memory_space<vmem>>, vector<16xf32>,
        tpu.vector_store %arg7[%parallel_loop3A_147, %parallel_loop3A_148, %parallel_loop3A_149], %parallel_loop3A_142 {strides = array<i32>} : memref<2x32x512xf32, #tpu.memory_space<vmem>>, vector<16xf32>,
        %parallel_loop3A_151 = arith.constant 5000 : i32
        %parallel_loop3A_152 = vector.broadcast %parallel_loop3A_151 : i32 to vector<16xi32>
        %parallel_loop3A_153 = arith.addi %parallel_loop3A_90, %parallel_loop3A_152 : vector<16xi32>
        %parallel_loop3A_154 = tpu.vector_load_idx %arg5[%parallel_loop3A_153] : memref<32000xf32, #tpu.memory_space<vmem>>[vector<16xi32>], vector<16xf32>,
        %parallel_loop3A_155 = arith.constant 16 : i32
        %parallel_loop3A_156 = arith.muli %parallel_loop3A_85, %parallel_loop3A_155 : i32
        %parallel_loop3A_157 = arith.constant 1 : i32
        %parallel_loop3A_158 = arith.constant 5 : i32
        %parallel_loop3A_159 = arith.index_cast %parallel_loop3A_157 : i32 to index
        %parallel_loop3A_160 = arith.index_cast %parallel_loop3A_158 : i32 to index
        %parallel_loop3A_161 = arith.index_cast %parallel_loop3A_156 : i32 to index
        %parallel_loop3A_162 = tpu.vector_load %arg7[%parallel_loop3A_159, %parallel_loop3A_160, %parallel_loop3A_161] {strides = array<i32>} : memref<2x32x512xf32, #tpu.memory_space<vmem>>, vector<16xf32>,
        tpu.vector_store %arg7[%parallel_loop3A_159, %parallel_loop3A_160, %parallel_loop3A_161], %parallel_loop3A_154 {strides = array<i32>} : memref<2x32x512xf32, #tpu.memory_space<vmem>>, vector<16xf32>,
        %parallel_loop3A_163 = arith.constant 6000 : i32
        %parallel_loop3A_164 = vector.broadcast %parallel_loop3A_163 : i32 to vector<16xi32>
        %parallel_loop3A_165 = arith.addi %parallel_loop3A_90, %parallel_loop3A_164 : vector<16xi32>
        %parallel_loop3A_166 = tpu.vector_load_idx %arg5[%parallel_loop3A_165] : memref<32000xf32, #tpu.memory_space<vmem>>[vector<16xi32>], vector<16xf32>,
        %parallel_loop3A_167 = arith.constant 16 : i32
        %parallel_loop3A_168 = arith.muli %parallel_loop3A_85, %parallel_loop3A_167 : i32
        %parallel_loop3A_169 = arith.constant 1 : i32
        %parallel_loop3A_170 = arith.constant 6 : i32
        %parallel_loop3A_171 = arith.index_cast %parallel_loop3A_169 : i32 to index
        %parallel_loop3A_172 = arith.index_cast %parallel_loop3A_170 : i32 to index
        %parallel_loop3A_173 = arith.index_cast %parallel_loop3A_168 : i32 to index
        %parallel_loop3A_174 = tpu.vector_load %arg7[%parallel_loop3A_171, %parallel_loop3A_172, %parallel_loop3A_173] {strides = array<i32>} : memref<2x32x512xf32, #tpu.memory_space<vmem>>, vector<16xf32>,
        tpu.vector_store %arg7[%parallel_loop3A_171, %parallel_loop3A_172, %parallel_loop3A_173], %parallel_loop3A_166 {strides = array<i32>} : memref<2x32x512xf32, #tpu.memory_space<vmem>>, vector<16xf32>,
        %parallel_loop3A_175 = arith.constant 7000 : i32
        %parallel_loop3A_176 = vector.broadcast %parallel_loop3A_175 : i32 to vector<16xi32>
        %parallel_loop3A_177 = arith.addi %parallel_loop3A_90, %parallel_loop3A_176 : vector<16xi32>
        %parallel_loop3A_178 = tpu.vector_load_idx %arg5[%parallel_loop3A_177] : memref<32000xf32, #tpu.memory_space<vmem>>[vector<16xi32>], vector<16xf32>,
        %parallel_loop3A_179 = arith.constant 16 : i32
        %parallel_loop3A_180 = arith.muli %parallel_loop3A_85, %parallel_loop3A_179 : i32
        %parallel_loop3A_181 = arith.constant 1 : i32
        %parallel_loop3A_182 = arith.constant 7 : i32
        %parallel_loop3A_183 = arith.index_cast %parallel_loop3A_181 : i32 to index
        %parallel_loop3A_184 = arith.index_cast %parallel_loop3A_182 : i32 to index
        %parallel_loop3A_185 = arith.index_cast %parallel_loop3A_180 : i32 to index
        %parallel_loop3A_186 = tpu.vector_load %arg7[%parallel_loop3A_183, %parallel_loop3A_184, %parallel_loop3A_185] {strides = array<i32>} : memref<2x32x512xf32, #tpu.memory_space<vmem>>, vector<16xf32>,
        tpu.vector_store %arg7[%parallel_loop3A_183, %parallel_loop3A_184, %parallel_loop3A_185], %parallel_loop3A_178 {strides = array<i32>} : memref<2x32x512xf32, #tpu.memory_space<vmem>>, vector<16xf32>,
        %parallel_loop3A_187 = arith.constant 8000 : i32
        %parallel_loop3A_188 = vector.broadcast %parallel_loop3A_187 : i32 to vector<16xi32>
        %parallel_loop3A_189 = arith.addi %parallel_loop3A_90, %parallel_loop3A_188 : vector<16xi32>
        %parallel_loop3A_190 = tpu.vector_load_idx %arg5[%parallel_loop3A_189] : memref<32000xf32, #tpu.memory_space<vmem>>[vector<16xi32>], vector<16xf32>,
        %parallel_loop3A_191 = arith.constant 16 : i32
        %parallel_loop3A_192 = arith.muli %parallel_loop3A_85, %parallel_loop3A_191 : i32
        %parallel_loop3A_193 = arith.constant 1 : i32
        %parallel_loop3A_194 = arith.constant 8 : i32
        %parallel_loop3A_195 = arith.index_cast %parallel_loop3A_193 : i32 to index
        %parallel_loop3A_196 = arith.index_cast %parallel_loop3A_194 : i32 to index
        %parallel_loop3A_197 = arith.index_cast %parallel_loop3A_192 : i32 to index
        %parallel_loop3A_198 = tpu.vector_load %arg7[%parallel_loop3A_195, %parallel_loop3A_196, %parallel_loop3A_197] {strides = array<i32>} : memref<2x32x512xf32, #tpu.memory_space<vmem>>, vector<16xf32>,
        tpu.vector_store %arg7[%parallel_loop3A_195, %parallel_loop3A_196, %parallel_loop3A_197], %parallel_loop3A_190 {strides = array<i32>} : memref<2x32x512xf32, #tpu.memory_space<vmem>>, vector<16xf32>,
        %parallel_loop3A_199 = arith.constant 9000 : i32
        %parallel_loop3A_200 = vector.broadcast %parallel_loop3A_199 : i32 to vector<16xi32>
        %parallel_loop3A_201 = arith.addi %parallel_loop3A_90, %parallel_loop3A_200 : vector<16xi32>
        %parallel_loop3A_202 = tpu.vector_load_idx %arg5[%parallel_loop3A_201] : memref<32000xf32, #tpu.memory_space<vmem>>[vector<16xi32>], vector<16xf32>,
        %parallel_loop3A_203 = arith.constant 16 : i32
        %parallel_loop3A_204 = arith.muli %parallel_loop3A_85, %parallel_loop3A_203 : i32
        %parallel_loop3A_205 = arith.constant 1 : i32
        %parallel_loop3A_206 = arith.constant 9 : i32
        %parallel_loop3A_207 = arith.index_cast %parallel_loop3A_205 : i32 to index
        %parallel_loop3A_208 = arith.index_cast %parallel_loop3A_206 : i32 to index
        %parallel_loop3A_209 = arith.index_cast %parallel_loop3A_204 : i32 to index
        %parallel_loop3A_210 = tpu.vector_load %arg7[%parallel_loop3A_207, %parallel_loop3A_208, %parallel_loop3A_209] {strides = array<i32>} : memref<2x32x512xf32, #tpu.memory_space<vmem>>, vector<16xf32>,
        tpu.vector_store %arg7[%parallel_loop3A_207, %parallel_loop3A_208, %parallel_loop3A_209], %parallel_loop3A_202 {strides = array<i32>} : memref<2x32x512xf32, #tpu.memory_space<vmem>>, vector<16xf32>,
        %parallel_loop3A_211 = arith.constant 10000 : i32
        %parallel_loop3A_212 = vector.broadcast %parallel_loop3A_211 : i32 to vector<16xi32>
        %parallel_loop3A_213 = arith.addi %parallel_loop3A_90, %parallel_loop3A_212 : vector<16xi32>
        %parallel_loop3A_214 = tpu.vector_load_idx %arg5[%parallel_loop3A_213] : memref<32000xf32, #tpu.memory_space<vmem>>[vector<16xi32>], vector<16xf32>,
        %parallel_loop3A_215 = arith.constant 16 : i32
        %parallel_loop3A_216 = arith.muli %parallel_loop3A_85, %parallel_loop3A_215 : i32
        %parallel_loop3A_217 = arith.constant 1 : i32
        %parallel_loop3A_218 = arith.constant 10 : i32
        %parallel_loop3A_219 = arith.index_cast %parallel_loop3A_217 : i32 to index
        %parallel_loop3A_220 = arith.index_cast %parallel_loop3A_218 : i32 to index
        %parallel_loop3A_221 = arith.index_cast %parallel_loop3A_216 : i32 to index
        %parallel_loop3A_222 = tpu.vector_load %arg7[%parallel_loop3A_219, %parallel_loop3A_220, %parallel_loop3A_221] {strides = array<i32>} : memref<2x32x512xf32, #tpu.memory_space<vmem>>, vector<16xf32>,
        tpu.vector_store %arg7[%parallel_loop3A_219, %parallel_loop3A_220, %parallel_loop3A_221], %parallel_loop3A_214 {strides = array<i32>} : memref<2x32x512xf32, #tpu.memory_space<vmem>>, vector<16xf32>,
        %parallel_loop3A_223 = arith.constant 11000 : i32
        %parallel_loop3A_224 = vector.broadcast %parallel_loop3A_223 : i32 to vector<16xi32>
        %parallel_loop3A_225 = arith.addi %parallel_loop3A_90, %parallel_loop3A_224 : vector<16xi32>
        %parallel_loop3A_226 = tpu.vector_load_idx %arg5[%parallel_loop3A_225] : memref<32000xf32, #tpu.memory_space<vmem>>[vector<16xi32>], vector<16xf32>,
        %parallel_loop3A_227 = arith.constant 16 : i32
        %parallel_loop3A_228 = arith.muli %parallel_loop3A_85, %parallel_loop3A_227 : i32
        %parallel_loop3A_229 = arith.constant 1 : i32
        %parallel_loop3A_230 = arith.constant 11 : i32
        %parallel_loop3A_231 = arith.index_cast %parallel_loop3A_229 : i32 to index
        %parallel_loop3A_232 = arith.index_cast %parallel_loop3A_230 : i32 to index
        %parallel_loop3A_233 = arith.index_cast %parallel_loop3A_228 : i32 to index
        %parallel_loop3A_234 = tpu.vector_load %arg7[%parallel_loop3A_231, %parallel_loop3A_232, %parallel_loop3A_233] {strides = array<i32>} : memref<2x32x512xf32, #tpu.memory_space<vmem>>, vector<16xf32>,
        tpu.vector_store %arg7[%parallel_loop3A_231, %parallel_loop3A_232, %parallel_loop3A_233], %parallel_loop3A_226 {strides = array<i32>} : memref<2x32x512xf32, #tpu.memory_space<vmem>>, vector<16xf32>,
        %parallel_loop3A_235 = arith.constant 12000 : i32
        %parallel_loop3A_236 = vector.broadcast %parallel_loop3A_235 : i32 to vector<16xi32>
        %parallel_loop3A_237 = arith.addi %parallel_loop3A_90, %parallel_loop3A_236 : vector<16xi32>
        %parallel_loop3A_238 = tpu.vector_load_idx %arg5[%parallel_loop3A_237] : memref<32000xf32, #tpu.memory_space<vmem>>[vector<16xi32>], vector<16xf32>,
        %parallel_loop3A_239 = arith.constant 16 : i32
        %parallel_loop3A_240 = arith.muli %parallel_loop3A_85, %parallel_loop3A_239 : i32
        %parallel_loop3A_241 = arith.constant 1 : i32
        %parallel_loop3A_242 = arith.constant 12 : i32
        %parallel_loop3A_243 = arith.index_cast %parallel_loop3A_241 : i32 to index
        %parallel_loop3A_244 = arith.index_cast %parallel_loop3A_242 : i32 to index
        %parallel_loop3A_245 = arith.index_cast %parallel_loop3A_240 : i32 to index
        %parallel_loop3A_246 = tpu.vector_load %arg7[%parallel_loop3A_243, %parallel_loop3A_244, %parallel_loop3A_245] {strides = array<i32>} : memref<2x32x512xf32, #tpu.memory_space<vmem>>, vector<16xf32>,
        tpu.vector_store %arg7[%parallel_loop3A_243, %parallel_loop3A_244, %parallel_loop3A_245], %parallel_loop3A_238 {strides = array<i32>} : memref<2x32x512xf32, #tpu.memory_space<vmem>>, vector<16xf32>,
        %parallel_loop3A_247 = arith.constant 13000 : i32
        %parallel_loop3A_248 = vector.broadcast %parallel_loop3A_247 : i32 to vector<16xi32>
        %parallel_loop3A_249 = arith.addi %parallel_loop3A_90, %parallel_loop3A_248 : vector<16xi32>
        %parallel_loop3A_250 = tpu.vector_load_idx %arg5[%parallel_loop3A_249] : memref<32000xf32, #tpu.memory_space<vmem>>[vector<16xi32>], vector<16xf32>,
        %parallel_loop3A_251 = arith.constant 16 : i32
        %parallel_loop3A_252 = arith.muli %parallel_loop3A_85, %parallel_loop3A_251 : i32
        %parallel_loop3A_253 = arith.constant 1 : i32
        %parallel_loop3A_254 = arith.constant 13 : i32
        %parallel_loop3A_255 = arith.index_cast %parallel_loop3A_253 : i32 to index
        %parallel_loop3A_256 = arith.index_cast %parallel_loop3A_254 : i32 to index
        %parallel_loop3A_257 = arith.index_cast %parallel_loop3A_252 : i32 to index
        %parallel_loop3A_258 = tpu.vector_load %arg7[%parallel_loop3A_255, %parallel_loop3A_256, %parallel_loop3A_257] {strides = array<i32>} : memref<2x32x512xf32, #tpu.memory_space<vmem>>, vector<16xf32>,
        tpu.vector_store %arg7[%parallel_loop3A_255, %parallel_loop3A_256, %parallel_loop3A_257], %parallel_loop3A_250 {strides = array<i32>} : memref<2x32x512xf32, #tpu.memory_space<vmem>>, vector<16xf32>,
        %parallel_loop3A_259 = arith.constant 14000 : i32
        %parallel_loop3A_260 = vector.broadcast %parallel_loop3A_259 : i32 to vector<16xi32>
        %parallel_loop3A_261 = arith.addi %parallel_loop3A_90, %parallel_loop3A_260 : vector<16xi32>
        %parallel_loop3A_262 = tpu.vector_load_idx %arg5[%parallel_loop3A_261] : memref<32000xf32, #tpu.memory_space<vmem>>[vector<16xi32>], vector<16xf32>,
        %parallel_loop3A_263 = arith.constant 16 : i32
        %parallel_loop3A_264 = arith.muli %parallel_loop3A_85, %parallel_loop3A_263 : i32
        %parallel_loop3A_265 = arith.constant 1 : i32
        %parallel_loop3A_266 = arith.constant 14 : i32
        %parallel_loop3A_267 = arith.index_cast %parallel_loop3A_265 : i32 to index
        %parallel_loop3A_268 = arith.index_cast %parallel_loop3A_266 : i32 to index
        %parallel_loop3A_269 = arith.index_cast %parallel_loop3A_264 : i32 to index
        %parallel_loop3A_270 = tpu.vector_load %arg7[%parallel_loop3A_267, %parallel_loop3A_268, %parallel_loop3A_269] {strides = array<i32>} : memref<2x32x512xf32, #tpu.memory_space<vmem>>, vector<16xf32>,
        tpu.vector_store %arg7[%parallel_loop3A_267, %parallel_loop3A_268, %parallel_loop3A_269], %parallel_loop3A_262 {strides = array<i32>} : memref<2x32x512xf32, #tpu.memory_space<vmem>>, vector<16xf32>,
        %parallel_loop3A_271 = arith.constant 15000 : i32
        %parallel_loop3A_272 = vector.broadcast %parallel_loop3A_271 : i32 to vector<16xi32>
        %parallel_loop3A_273 = arith.addi %parallel_loop3A_90, %parallel_loop3A_272 : vector<16xi32>
        %parallel_loop3A_274 = tpu.vector_load_idx %arg5[%parallel_loop3A_273] : memref<32000xf32, #tpu.memory_space<vmem>>[vector<16xi32>], vector<16xf32>,
        %parallel_loop3A_275 = arith.constant 16 : i32
        %parallel_loop3A_276 = arith.muli %parallel_loop3A_85, %parallel_loop3A_275 : i32
        %parallel_loop3A_277 = arith.constant 1 : i32
        %parallel_loop3A_278 = arith.constant 15 : i32
        %parallel_loop3A_279 = arith.index_cast %parallel_loop3A_277 : i32 to index
        %parallel_loop3A_280 = arith.index_cast %parallel_loop3A_278 : i32 to index
        %parallel_loop3A_281 = arith.index_cast %parallel_loop3A_276 : i32 to index
        %parallel_loop3A_282 = tpu.vector_load %arg7[%parallel_loop3A_279, %parallel_loop3A_280, %parallel_loop3A_281] {strides = array<i32>} : memref<2x32x512xf32, #tpu.memory_space<vmem>>, vector<16xf32>,
        tpu.vector_store %arg7[%parallel_loop3A_279, %parallel_loop3A_280, %parallel_loop3A_281], %parallel_loop3A_274 {strides = array<i32>} : memref<2x32x512xf32, #tpu.memory_space<vmem>>, vector<16xf32>,
        %parallel_loop3A_283 = arith.constant 16000 : i32
        %parallel_loop3A_284 = vector.broadcast %parallel_loop3A_283 : i32 to vector<16xi32>
        %parallel_loop3A_285 = arith.addi %parallel_loop3A_90, %parallel_loop3A_284 : vector<16xi32>
        %parallel_loop3A_286 = tpu.vector_load_idx %arg5[%parallel_loop3A_285] : memref<32000xf32, #tpu.memory_space<vmem>>[vector<16xi32>], vector<16xf32>,
        %parallel_loop3A_287 = arith.constant 16 : i32
        %parallel_loop3A_288 = arith.muli %parallel_loop3A_85, %parallel_loop3A_287 : i32
        %parallel_loop3A_289 = arith.constant 1 : i32
        %parallel_loop3A_290 = arith.constant 16 : i32
        %parallel_loop3A_291 = arith.index_cast %parallel_loop3A_289 : i32 to index
        %parallel_loop3A_292 = arith.index_cast %parallel_loop3A_290 : i32 to index
        %parallel_loop3A_293 = arith.index_cast %parallel_loop3A_288 : i32 to index
        %parallel_loop3A_294 = tpu.vector_load %arg7[%parallel_loop3A_291, %parallel_loop3A_292, %parallel_loop3A_293] {strides = array<i32>} : memref<2x32x512xf32, #tpu.memory_space<vmem>>, vector<16xf32>,
        tpu.vector_store %arg7[%parallel_loop3A_291, %parallel_loop3A_292, %parallel_loop3A_293], %parallel_loop3A_286 {strides = array<i32>} : memref<2x32x512xf32, #tpu.memory_space<vmem>>, vector<16xf32>,
        %parallel_loop3A_295 = arith.constant 17000 : i32
        %parallel_loop3A_296 = vector.broadcast %parallel_loop3A_295 : i32 to vector<16xi32>
        %parallel_loop3A_297 = arith.addi %parallel_loop3A_90, %parallel_loop3A_296 : vector<16xi32>
        %parallel_loop3A_298 = tpu.vector_load_idx %arg5[%parallel_loop3A_297] : memref<32000xf32, #tpu.memory_space<vmem>>[vector<16xi32>], vector<16xf32>,
        %parallel_loop3A_299 = arith.constant 16 : i32
        %parallel_loop3A_300 = arith.muli %parallel_loop3A_85, %parallel_loop3A_299 : i32
        %parallel_loop3A_301 = arith.constant 1 : i32
        %parallel_loop3A_302 = arith.constant 17 : i32
        %parallel_loop3A_303 = arith.index_cast %parallel_loop3A_301 : i32 to index
        %parallel_loop3A_304 = arith.index_cast %parallel_loop3A_302 : i32 to index
        %parallel_loop3A_305 = arith.index_cast %parallel_loop3A_300 : i32 to index
        %parallel_loop3A_306 = tpu.vector_load %arg7[%parallel_loop3A_303, %parallel_loop3A_304, %parallel_loop3A_305] {strides = array<i32>} : memref<2x32x512xf32, #tpu.memory_space<vmem>>, vector<16xf32>,
        tpu.vector_store %arg7[%parallel_loop3A_303, %parallel_loop3A_304, %parallel_loop3A_305], %parallel_loop3A_298 {strides = array<i32>} : memref<2x32x512xf32, #tpu.memory_space<vmem>>, vector<16xf32>,
        %parallel_loop3A_307 = arith.constant 18000 : i32
        %parallel_loop3A_308 = vector.broadcast %parallel_loop3A_307 : i32 to vector<16xi32>
        %parallel_loop3A_309 = arith.addi %parallel_loop3A_90, %parallel_loop3A_308 : vector<16xi32>
        %parallel_loop3A_310 = tpu.vector_load_idx %arg5[%parallel_loop3A_309] : memref<32000xf32, #tpu.memory_space<vmem>>[vector<16xi32>], vector<16xf32>,
        %parallel_loop3A_311 = arith.constant 16 : i32
        %parallel_loop3A_312 = arith.muli %parallel_loop3A_85, %parallel_loop3A_311 : i32
        %parallel_loop3A_313 = arith.constant 1 : i32
        %parallel_loop3A_314 = arith.constant 18 : i32
        %parallel_loop3A_315 = arith.index_cast %parallel_loop3A_313 : i32 to index
        %parallel_loop3A_316 = arith.index_cast %parallel_loop3A_314 : i32 to index
        %parallel_loop3A_317 = arith.index_cast %parallel_loop3A_312 : i32 to index
        %parallel_loop3A_318 = tpu.vector_load %arg7[%parallel_loop3A_315, %parallel_loop3A_316, %parallel_loop3A_317] {strides = array<i32>} : memref<2x32x512xf32, #tpu.memory_space<vmem>>, vector<16xf32>,
        tpu.vector_store %arg7[%parallel_loop3A_315, %parallel_loop3A_316, %parallel_loop3A_317], %parallel_loop3A_310 {strides = array<i32>} : memref<2x32x512xf32, #tpu.memory_space<vmem>>, vector<16xf32>,
        %parallel_loop3A_319 = arith.constant 19000 : i32
        %parallel_loop3A_320 = vector.broadcast %parallel_loop3A_319 : i32 to vector<16xi32>
        %parallel_loop3A_321 = arith.addi %parallel_loop3A_90, %parallel_loop3A_320 : vector<16xi32>
        %parallel_loop3A_322 = tpu.vector_load_idx %arg5[%parallel_loop3A_321] : memref<32000xf32, #tpu.memory_space<vmem>>[vector<16xi32>], vector<16xf32>,
        %parallel_loop3A_323 = arith.constant 16 : i32
        %parallel_loop3A_324 = arith.muli %parallel_loop3A_85, %parallel_loop3A_323 : i32
        %parallel_loop3A_325 = arith.constant 1 : i32
        %parallel_loop3A_326 = arith.constant 19 : i32
        %parallel_loop3A_327 = arith.index_cast %parallel_loop3A_325 : i32 to index
        %parallel_loop3A_328 = arith.index_cast %parallel_loop3A_326 : i32 to index
        %parallel_loop3A_329 = arith.index_cast %parallel_loop3A_324 : i32 to index
        %parallel_loop3A_330 = tpu.vector_load %arg7[%parallel_loop3A_327, %parallel_loop3A_328, %parallel_loop3A_329] {strides = array<i32>} : memref<2x32x512xf32, #tpu.memory_space<vmem>>, vector<16xf32>,
        tpu.vector_store %arg7[%parallel_loop3A_327, %parallel_loop3A_328, %parallel_loop3A_329], %parallel_loop3A_322 {strides = array<i32>} : memref<2x32x512xf32, #tpu.memory_space<vmem>>, vector<16xf32>,
        %parallel_loop3A_331 = arith.constant 20000 : i32
        %parallel_loop3A_332 = vector.broadcast %parallel_loop3A_331 : i32 to vector<16xi32>
        %parallel_loop3A_333 = arith.addi %parallel_loop3A_90, %parallel_loop3A_332 : vector<16xi32>
        %parallel_loop3A_334 = tpu.vector_load_idx %arg5[%parallel_loop3A_333] : memref<32000xf32, #tpu.memory_space<vmem>>[vector<16xi32>], vector<16xf32>,
        %parallel_loop3A_335 = arith.constant 16 : i32
        %parallel_loop3A_336 = arith.muli %parallel_loop3A_85, %parallel_loop3A_335 : i32
        %parallel_loop3A_337 = arith.constant 1 : i32
        %parallel_loop3A_338 = arith.constant 20 : i32
        %parallel_loop3A_339 = arith.index_cast %parallel_loop3A_337 : i32 to index
        %parallel_loop3A_340 = arith.index_cast %parallel_loop3A_338 : i32 to index
        %parallel_loop3A_341 = arith.index_cast %parallel_loop3A_336 : i32 to index
        %parallel_loop3A_342 = tpu.vector_load %arg7[%parallel_loop3A_339, %parallel_loop3A_340, %parallel_loop3A_341] {strides = array<i32>} : memref<2x32x512xf32, #tpu.memory_space<vmem>>, vector<16xf32>,
        tpu.vector_store %arg7[%parallel_loop3A_339, %parallel_loop3A_340, %parallel_loop3A_341], %parallel_loop3A_334 {strides = array<i32>} : memref<2x32x512xf32, #tpu.memory_space<vmem>>, vector<16xf32>,
        %parallel_loop3A_343 = arith.constant 21000 : i32
        %parallel_loop3A_344 = vector.broadcast %parallel_loop3A_343 : i32 to vector<16xi32>
        %parallel_loop3A_345 = arith.addi %parallel_loop3A_90, %parallel_loop3A_344 : vector<16xi32>
        %parallel_loop3A_346 = tpu.vector_load_idx %arg5[%parallel_loop3A_345] : memref<32000xf32, #tpu.memory_space<vmem>>[vector<16xi32>], vector<16xf32>,
        %parallel_loop3A_347 = arith.constant 16 : i32
        %parallel_loop3A_348 = arith.muli %parallel_loop3A_85, %parallel_loop3A_347 : i32
        %parallel_loop3A_349 = arith.constant 1 : i32
        %parallel_loop3A_350 = arith.constant 21 : i32
        %parallel_loop3A_351 = arith.index_cast %parallel_loop3A_349 : i32 to index
        %parallel_loop3A_352 = arith.index_cast %parallel_loop3A_350 : i32 to index
        %parallel_loop3A_353 = arith.index_cast %parallel_loop3A_348 : i32 to index
        %parallel_loop3A_354 = tpu.vector_load %arg7[%parallel_loop3A_351, %parallel_loop3A_352, %parallel_loop3A_353] {strides = array<i32>} : memref<2x32x512xf32, #tpu.memory_space<vmem>>, vector<16xf32>,
        tpu.vector_store %arg7[%parallel_loop3A_351, %parallel_loop3A_352, %parallel_loop3A_353], %parallel_loop3A_346 {strides = array<i32>} : memref<2x32x512xf32, #tpu.memory_space<vmem>>, vector<16xf32>,
        %parallel_loop3A_355 = arith.constant 22000 : i32
        %parallel_loop3A_356 = vector.broadcast %parallel_loop3A_355 : i32 to vector<16xi32>
        %parallel_loop3A_357 = arith.addi %parallel_loop3A_90, %parallel_loop3A_356 : vector<16xi32>
        %parallel_loop3A_358 = tpu.vector_load_idx %arg5[%parallel_loop3A_357] : memref<32000xf32, #tpu.memory_space<vmem>>[vector<16xi32>], vector<16xf32>,
        %parallel_loop3A_359 = arith.constant 16 : i32
        %parallel_loop3A_360 = arith.muli %parallel_loop3A_85, %parallel_loop3A_359 : i32
        %parallel_loop3A_361 = arith.constant 1 : i32
        %parallel_loop3A_362 = arith.constant 22 : i32
        %parallel_loop3A_363 = arith.index_cast %parallel_loop3A_361 : i32 to index
        %parallel_loop3A_364 = arith.index_cast %parallel_loop3A_362 : i32 to index
        %parallel_loop3A_365 = arith.index_cast %parallel_loop3A_360 : i32 to index
        %parallel_loop3A_366 = tpu.vector_load %arg7[%parallel_loop3A_363, %parallel_loop3A_364, %parallel_loop3A_365] {strides = array<i32>} : memref<2x32x512xf32, #tpu.memory_space<vmem>>, vector<16xf32>,
        tpu.vector_store %arg7[%parallel_loop3A_363, %parallel_loop3A_364, %parallel_loop3A_365], %parallel_loop3A_358 {strides = array<i32>} : memref<2x32x512xf32, #tpu.memory_space<vmem>>, vector<16xf32>,
        %parallel_loop3A_367 = arith.constant 23000 : i32
        %parallel_loop3A_368 = vector.broadcast %parallel_loop3A_367 : i32 to vector<16xi32>
        %parallel_loop3A_369 = arith.addi %parallel_loop3A_90, %parallel_loop3A_368 : vector<16xi32>
        %parallel_loop3A_370 = tpu.vector_load_idx %arg5[%parallel_loop3A_369] : memref<32000xf32, #tpu.memory_space<vmem>>[vector<16xi32>], vector<16xf32>,
        %parallel_loop3A_371 = arith.constant 16 : i32
        %parallel_loop3A_372 = arith.muli %parallel_loop3A_85, %parallel_loop3A_371 : i32
        %parallel_loop3A_373 = arith.constant 1 : i32
        %parallel_loop3A_374 = arith.constant 23 : i32
        %parallel_loop3A_375 = arith.index_cast %parallel_loop3A_373 : i32 to index
        %parallel_loop3A_376 = arith.index_cast %parallel_loop3A_374 : i32 to index
        %parallel_loop3A_377 = arith.index_cast %parallel_loop3A_372 : i32 to index
        %parallel_loop3A_378 = tpu.vector_load %arg7[%parallel_loop3A_375, %parallel_loop3A_376, %parallel_loop3A_377] {strides = array<i32>} : memref<2x32x512xf32, #tpu.memory_space<vmem>>, vector<16xf32>,
        tpu.vector_store %arg7[%parallel_loop3A_375, %parallel_loop3A_376, %parallel_loop3A_377], %parallel_loop3A_370 {strides = array<i32>} : memref<2x32x512xf32, #tpu.memory_space<vmem>>, vector<16xf32>,
        %parallel_loop3A_379 = arith.constant 24000 : i32
        %parallel_loop3A_380 = vector.broadcast %parallel_loop3A_379 : i32 to vector<16xi32>
        %parallel_loop3A_381 = arith.addi %parallel_loop3A_90, %parallel_loop3A_380 : vector<16xi32>
        %parallel_loop3A_382 = tpu.vector_load_idx %arg5[%parallel_loop3A_381] : memref<32000xf32, #tpu.memory_space<vmem>>[vector<16xi32>], vector<16xf32>,
        %parallel_loop3A_383 = arith.constant 16 : i32
        %parallel_loop3A_384 = arith.muli %parallel_loop3A_85, %parallel_loop3A_383 : i32
        %parallel_loop3A_385 = arith.constant 1 : i32
        %parallel_loop3A_386 = arith.constant 24 : i32
        %parallel_loop3A_387 = arith.index_cast %parallel_loop3A_385 : i32 to index
        %parallel_loop3A_388 = arith.index_cast %parallel_loop3A_386 : i32 to index
        %parallel_loop3A_389 = arith.index_cast %parallel_loop3A_384 : i32 to index
        %parallel_loop3A_390 = tpu.vector_load %arg7[%parallel_loop3A_387, %parallel_loop3A_388, %parallel_loop3A_389] {strides = array<i32>} : memref<2x32x512xf32, #tpu.memory_space<vmem>>, vector<16xf32>,
        tpu.vector_store %arg7[%parallel_loop3A_387, %parallel_loop3A_388, %parallel_loop3A_389], %parallel_loop3A_382 {strides = array<i32>} : memref<2x32x512xf32, #tpu.memory_space<vmem>>, vector<16xf32>,
        %parallel_loop3A_391 = arith.constant 25000 : i32
        %parallel_loop3A_392 = vector.broadcast %parallel_loop3A_391 : i32 to vector<16xi32>
        %parallel_loop3A_393 = arith.addi %parallel_loop3A_90, %parallel_loop3A_392 : vector<16xi32>
        %parallel_loop3A_394 = tpu.vector_load_idx %arg5[%parallel_loop3A_393] : memref<32000xf32, #tpu.memory_space<vmem>>[vector<16xi32>], vector<16xf32>,
        %parallel_loop3A_395 = arith.constant 16 : i32
        %parallel_loop3A_396 = arith.muli %parallel_loop3A_85, %parallel_loop3A_395 : i32
        %parallel_loop3A_397 = arith.constant 1 : i32
        %parallel_loop3A_398 = arith.constant 25 : i32
        %parallel_loop3A_399 = arith.index_cast %parallel_loop3A_397 : i32 to index
        %parallel_loop3A_400 = arith.index_cast %parallel_loop3A_398 : i32 to index
        %parallel_loop3A_401 = arith.index_cast %parallel_loop3A_396 : i32 to index
        %parallel_loop3A_402 = tpu.vector_load %arg7[%parallel_loop3A_399, %parallel_loop3A_400, %parallel_loop3A_401] {strides = array<i32>} : memref<2x32x512xf32, #tpu.memory_space<vmem>>, vector<16xf32>,
        tpu.vector_store %arg7[%parallel_loop3A_399, %parallel_loop3A_400, %parallel_loop3A_401], %parallel_loop3A_394 {strides = array<i32>} : memref<2x32x512xf32, #tpu.memory_space<vmem>>, vector<16xf32>,
        %parallel_loop3A_403 = arith.constant 26000 : i32
        %parallel_loop3A_404 = vector.broadcast %parallel_loop3A_403 : i32 to vector<16xi32>
        %parallel_loop3A_405 = arith.addi %parallel_loop3A_90, %parallel_loop3A_404 : vector<16xi32>
        %parallel_loop3A_406 = tpu.vector_load_idx %arg5[%parallel_loop3A_405] : memref<32000xf32, #tpu.memory_space<vmem>>[vector<16xi32>], vector<16xf32>,
        %parallel_loop3A_407 = arith.constant 16 : i32
        %parallel_loop3A_408 = arith.muli %parallel_loop3A_85, %parallel_loop3A_407 : i32
        %parallel_loop3A_409 = arith.constant 1 : i32
        %parallel_loop3A_410 = arith.constant 26 : i32
        %parallel_loop3A_411 = arith.index_cast %parallel_loop3A_409 : i32 to index
        %parallel_loop3A_412 = arith.index_cast %parallel_loop3A_410 : i32 to index
        %parallel_loop3A_413 = arith.index_cast %parallel_loop3A_408 : i32 to index
        %parallel_loop3A_414 = tpu.vector_load %arg7[%parallel_loop3A_411, %parallel_loop3A_412, %parallel_loop3A_413] {strides = array<i32>} : memref<2x32x512xf32, #tpu.memory_space<vmem>>, vector<16xf32>,
        tpu.vector_store %arg7[%parallel_loop3A_411, %parallel_loop3A_412, %parallel_loop3A_413], %parallel_loop3A_406 {strides = array<i32>} : memref<2x32x512xf32, #tpu.memory_space<vmem>>, vector<16xf32>,
        %parallel_loop3A_415 = arith.constant 27000 : i32
        %parallel_loop3A_416 = vector.broadcast %parallel_loop3A_415 : i32 to vector<16xi32>
        %parallel_loop3A_417 = arith.addi %parallel_loop3A_90, %parallel_loop3A_416 : vector<16xi32>
        %parallel_loop3A_418 = tpu.vector_load_idx %arg5[%parallel_loop3A_417] : memref<32000xf32, #tpu.memory_space<vmem>>[vector<16xi32>], vector<16xf32>,
        %parallel_loop3A_419 = arith.constant 16 : i32
        %parallel_loop3A_420 = arith.muli %parallel_loop3A_85, %parallel_loop3A_419 : i32
        %parallel_loop3A_421 = arith.constant 1 : i32
        %parallel_loop3A_422 = arith.constant 27 : i32
        %parallel_loop3A_423 = arith.index_cast %parallel_loop3A_421 : i32 to index
        %parallel_loop3A_424 = arith.index_cast %parallel_loop3A_422 : i32 to index
        %parallel_loop3A_425 = arith.index_cast %parallel_loop3A_420 : i32 to index
        %parallel_loop3A_426 = tpu.vector_load %arg7[%parallel_loop3A_423, %parallel_loop3A_424, %parallel_loop3A_425] {strides = array<i32>} : memref<2x32x512xf32, #tpu.memory_space<vmem>>, vector<16xf32>,
        tpu.vector_store %arg7[%parallel_loop3A_423, %parallel_loop3A_424, %parallel_loop3A_425], %parallel_loop3A_418 {strides = array<i32>} : memref<2x32x512xf32, #tpu.memory_space<vmem>>, vector<16xf32>,
        %parallel_loop3A_427 = arith.constant 28000 : i32
        %parallel_loop3A_428 = vector.broadcast %parallel_loop3A_427 : i32 to vector<16xi32>
        %parallel_loop3A_429 = arith.addi %parallel_loop3A_90, %parallel_loop3A_428 : vector<16xi32>
        %parallel_loop3A_430 = tpu.vector_load_idx %arg5[%parallel_loop3A_429] : memref<32000xf32, #tpu.memory_space<vmem>>[vector<16xi32>], vector<16xf32>,
        %parallel_loop3A_431 = arith.constant 16 : i32
        %parallel_loop3A_432 = arith.muli %parallel_loop3A_85, %parallel_loop3A_431 : i32
        %parallel_loop3A_433 = arith.constant 1 : i32
        %parallel_loop3A_434 = arith.constant 28 : i32
        %parallel_loop3A_435 = arith.index_cast %parallel_loop3A_433 : i32 to index
        %parallel_loop3A_436 = arith.index_cast %parallel_loop3A_434 : i32 to index
        %parallel_loop3A_437 = arith.index_cast %parallel_loop3A_432 : i32 to index
        %parallel_loop3A_438 = tpu.vector_load %arg7[%parallel_loop3A_435, %parallel_loop3A_436, %parallel_loop3A_437] {strides = array<i32>} : memref<2x32x512xf32, #tpu.memory_space<vmem>>, vector<16xf32>,
        tpu.vector_store %arg7[%parallel_loop3A_435, %parallel_loop3A_436, %parallel_loop3A_437], %parallel_loop3A_430 {strides = array<i32>} : memref<2x32x512xf32, #tpu.memory_space<vmem>>, vector<16xf32>,
        %parallel_loop3A_439 = arith.constant 29000 : i32
        %parallel_loop3A_440 = vector.broadcast %parallel_loop3A_439 : i32 to vector<16xi32>
        %parallel_loop3A_441 = arith.addi %parallel_loop3A_90, %parallel_loop3A_440 : vector<16xi32>
        %parallel_loop3A_442 = tpu.vector_load_idx %arg5[%parallel_loop3A_441] : memref<32000xf32, #tpu.memory_space<vmem>>[vector<16xi32>], vector<16xf32>,
        %parallel_loop3A_443 = arith.constant 16 : i32
        %parallel_loop3A_444 = arith.muli %parallel_loop3A_85, %parallel_loop3A_443 : i32
        %parallel_loop3A_445 = arith.constant 1 : i32
        %parallel_loop3A_446 = arith.constant 29 : i32
        %parallel_loop3A_447 = arith.index_cast %parallel_loop3A_445 : i32 to index
        %parallel_loop3A_448 = arith.index_cast %parallel_loop3A_446 : i32 to index
        %parallel_loop3A_449 = arith.index_cast %parallel_loop3A_444 : i32 to index
        %parallel_loop3A_450 = tpu.vector_load %arg7[%parallel_loop3A_447, %parallel_loop3A_448, %parallel_loop3A_449] {strides = array<i32>} : memref<2x32x512xf32, #tpu.memory_space<vmem>>, vector<16xf32>,
        tpu.vector_store %arg7[%parallel_loop3A_447, %parallel_loop3A_448, %parallel_loop3A_449], %parallel_loop3A_442 {strides = array<i32>} : memref<2x32x512xf32, #tpu.memory_space<vmem>>, vector<16xf32>,
        %parallel_loop3A_451 = arith.constant 30000 : i32
        %parallel_loop3A_452 = vector.broadcast %parallel_loop3A_451 : i32 to vector<16xi32>
        %parallel_loop3A_453 = arith.addi %parallel_loop3A_90, %parallel_loop3A_452 : vector<16xi32>
        %parallel_loop3A_454 = tpu.vector_load_idx %arg5[%parallel_loop3A_453] : memref<32000xf32, #tpu.memory_space<vmem>>[vector<16xi32>], vector<16xf32>,
        %parallel_loop3A_455 = arith.constant 16 : i32
        %parallel_loop3A_456 = arith.muli %parallel_loop3A_85, %parallel_loop3A_455 : i32
        %parallel_loop3A_457 = arith.constant 1 : i32
        %parallel_loop3A_458 = arith.constant 30 : i32
        %parallel_loop3A_459 = arith.index_cast %parallel_loop3A_457 : i32 to index
        %parallel_loop3A_460 = arith.index_cast %parallel_loop3A_458 : i32 to index
        %parallel_loop3A_461 = arith.index_cast %parallel_loop3A_456 : i32 to index
        %parallel_loop3A_462 = tpu.vector_load %arg7[%parallel_loop3A_459, %parallel_loop3A_460, %parallel_loop3A_461] {strides = array<i32>} : memref<2x32x512xf32, #tpu.memory_space<vmem>>, vector<16xf32>,
        tpu.vector_store %arg7[%parallel_loop3A_459, %parallel_loop3A_460, %parallel_loop3A_461], %parallel_loop3A_454 {strides = array<i32>} : memref<2x32x512xf32, #tpu.memory_space<vmem>>, vector<16xf32>,
        %parallel_loop3A_463 = arith.constant 31000 : i32
        %parallel_loop3A_464 = vector.broadcast %parallel_loop3A_463 : i32 to vector<16xi32>
        %parallel_loop3A_465 = arith.addi %parallel_loop3A_90, %parallel_loop3A_464 : vector<16xi32>
        %parallel_loop3A_466 = tpu.vector_load_idx %arg5[%parallel_loop3A_465] : memref<32000xf32, #tpu.memory_space<vmem>>[vector<16xi32>], vector<16xf32>,
        %parallel_loop3A_467 = arith.constant 16 : i32
        %parallel_loop3A_468 = arith.muli %parallel_loop3A_85, %parallel_loop3A_467 : i32
        %parallel_loop3A_469 = arith.constant 1 : i32
        %parallel_loop3A_470 = arith.constant 31 : i32
        %parallel_loop3A_471 = arith.index_cast %parallel_loop3A_469 : i32 to index
        %parallel_loop3A_472 = arith.index_cast %parallel_loop3A_470 : i32 to index
        %parallel_loop3A_473 = arith.index_cast %parallel_loop3A_468 : i32 to index
        %parallel_loop3A_474 = tpu.vector_load %arg7[%parallel_loop3A_471, %parallel_loop3A_472, %parallel_loop3A_473] {strides = array<i32>} : memref<2x32x512xf32, #tpu.memory_space<vmem>>, vector<16xf32>,
        tpu.vector_store %arg7[%parallel_loop3A_471, %parallel_loop3A_472, %parallel_loop3A_473], %parallel_loop3A_466 {strides = array<i32>} : memref<2x32x512xf32, #tpu.memory_space<vmem>>, vector<16xf32>,
      } {sc.loop_unroll_factor = 8 : i64, sc.parallel_access}
      %add3A_70 = arith.constant 1 : i32
      %add3A_71 = arith.addi %mul3A_42, %add3A_70 : i32
      %mul3A_72 = arith.constant 32 : i32
      %mul3A_73 = arith.muli %add3A_71, %mul3A_72 : i32
      %dma_start3A_74 = arith.constant 1 : i32
      %dma_start3A_75 = arith.constant 0 : i32
      %dma_start3A_76 = arith.constant 0 : i32
      %dma_start3A_77 = tpu.memref_slice %arg7[%dma_start3A_74, %dma_start3A_75, %dma_start3A_76] : memref<2x32x512xf32, #tpu.memory_space<vmem>> -> memref<1x32x512xf32, #tpu.memory_space<vmem>>
      %dma_start3A_78 = tpu.memref_squeeze %dma_start3A_77 : memref<1x32x512xf32, #tpu.memory_space<vmem>> -> memref<32x512xf32, #tpu.memory_space<vmem>>
      %dma_start3A_79 = tpu.memref_slice %arg4[%mul3A_73, %mul3A_2] : memref<1600x16384xf32, #tpu.memory_space<hbm>> -> memref<32x512xf32, #tpu.memory_space<hbm>>
      %dma_start3A_80 = tpu.memref_slice %arg4[%mul3A_73, %mul3A_2] : memref<1600x16384xf32, #tpu.memory_space<hbm>> -> memref<32x512xf32, #tpu.memory_space<hbm>>
      %dma_start3A_81 = arith.constant 0 : i32
      %dma_start3A_82 = arith.constant 0 : i32
      %dma_start3A_83 = tpu.memref_slice %arg7[%dma_start3A_74, %dma_start3A_81, %dma_start3A_82] : memref<2x32x512xf32, #tpu.memory_space<vmem>> -> memref<1x32x512xf32, #tpu.memory_space<vmem>>
      %dma_start3A_84 = tpu.memref_squeeze %dma_start3A_83 : memref<1x32x512xf32, #tpu.memory_space<vmem>> -> memref<32x512xf32, #tpu.memory_space<vmem>>
      tpu.enqueue_dma source(%dma_start3A_84 : memref<32x512xf32, #tpu.memory_space<vmem>>) target(%dma_start3A_80 : memref<32x512xf32, #tpu.memory_space<hbm>>) target_semaphore(%arg9 : memref<!tpu.dma_semaphore, #tpu.memory_space<semaphore_mem>>)
    }
    %scan3A_13 = arith.constant 25 : i32
    %dma_wait3A_14 = arith.constant 0 : i32
    %dma_wait3A_15 = arith.constant 0 : i32
    %dma_wait3A_16 = arith.constant 0 : i32
    %dma_wait3A_17 = tpu.memref_slice %arg7[%dma_wait3A_14, %dma_wait3A_15, %dma_wait3A_16] : memref<2x32x512xf32, #tpu.memory_space<vmem>> -> memref<1x32x512xf32, #tpu.memory_space<vmem>>
    %dma_wait3A_18 = tpu.memref_squeeze %dma_wait3A_17 : memref<1x32x512xf32, #tpu.memory_space<vmem>> -> memref<32x512xf32, #tpu.memory_space<vmem>>
    %dma_wait3A_19 = arith.constant 0 : i32
    %dma_wait3A_20 = tpu.memref_slice %arg4[%dma_wait3A_19, %mul3A_2] : memref<1600x16384xf32, #tpu.memory_space<hbm>> -> memref<32x512xf32, #tpu.memory_space<hbm>>
    %dma_wait3A_21 = arith.constant 0 : i32
    %dma_wait3A_22 = tpu.memref_slice %arg4[%dma_wait3A_21, %mul3A_2] : memref<1600x16384xf32, #tpu.memory_space<hbm>> -> memref<32x512xf32, #tpu.memory_space<hbm>>
    %dma_wait3A_23 = arith.constant 0 : i32
    %dma_wait3A_24 = arith.constant 0 : i32
    %dma_wait3A_25 = tpu.memref_slice %arg7[%dma_wait3A_14, %dma_wait3A_23, %dma_wait3A_24] : memref<2x32x512xf32, #tpu.memory_space<vmem>> -> memref<1x32x512xf32, #tpu.memory_space<vmem>>
    %dma_wait3A_26 = tpu.memref_squeeze %dma_wait3A_25 : memref<1x32x512xf32, #tpu.memory_space<vmem>> -> memref<32x512xf32, #tpu.memory_space<vmem>>
    tpu.wait_dma2 semaphore(%arg8 : memref<!tpu.dma_semaphore, #tpu.memory_space<semaphore_mem>>) src(%dma_wait3A_26 : memref<32x512xf32, #tpu.memory_space<vmem>>) dst(%dma_wait3A_22 : memref<32x512xf32, #tpu.memory_space<hbm>>)
    %dma_wait3A_27 = arith.constant 0 : i32
    %dma_wait3A_28 = arith.constant 0 : i32
    %dma_wait3A_29 = arith.constant 0 : i32
    %dma_wait3A_30 = tpu.memref_slice %arg7[%dma_wait3A_27, %dma_wait3A_28, %dma_wait3A_29] : memref<2x32x512xf32, #tpu.memory_space<vmem>> -> memref<1x32x512xf32, #tpu.memory_space<vmem>>
    %dma_wait3A_31 = tpu.memref_squeeze %dma_wait3A_30 : memref<1x32x512xf32, #tpu.memory_space<vmem>> -> memref<32x512xf32, #tpu.memory_space<vmem>>
    %dma_wait3A_32 = arith.constant 0 : i32
    %dma_wait3A_33 = tpu.memref_slice %arg4[%dma_wait3A_32, %mul3A_2] : memref<1600x16384xf32, #tpu.memory_space<hbm>> -> memref<32x512xf32, #tpu.memory_space<hbm>>
    %dma_wait3A_34 = arith.constant 0 : i32
    %dma_wait3A_35 = tpu.memref_slice %arg4[%dma_wait3A_34, %mul3A_2] : memref<1600x16384xf32, #tpu.memory_space<hbm>> -> memref<32x512xf32, #tpu.memory_space<hbm>>
    %dma_wait3A_36 = arith.constant 0 : i32
    %dma_wait3A_37 = arith.constant 0 : i32
    %dma_wait3A_38 = tpu.memref_slice %arg7[%dma_wait3A_27, %dma_wait3A_36, %dma_wait3A_37] : memref<2x32x512xf32, #tpu.memory_space<vmem>> -> memref<1x32x512xf32, #tpu.memory_space<vmem>>
    %dma_wait3A_39 = tpu.memref_squeeze %dma_wait3A_38 : memref<1x32x512xf32, #tpu.memory_space<vmem>> -> memref<32x512xf32, #tpu.memory_space<vmem>>
    tpu.wait_dma2 semaphore(%arg9 : memref<!tpu.dma_semaphore, #tpu.memory_space<semaphore_mem>>) src(%dma_wait3A_39 : memref<32x512xf32, #tpu.memory_space<vmem>>) dst(%dma_wait3A_35 : memref<32x512xf32, #tpu.memory_space<hbm>>)
    return
  }
}

</mosaic_0001>

<sc_bundles>
// kernel: kernel.3.cloned.1.call-start
scs
__scs_entry_jumppad:
0x0: {  	(pc) =	sbr.rel $0x88, $3  }
0x1: {  	(tag) =	ssettag $0x0;
	lr =	simm.s32 $0x1  }
0x2: {  	[smem:$0x3F9F] =	sst lr;
	_ =	strace $0xD0000000  }
0x3: {  	_ = 	snop  }
0x4: {  	_ = 	snop  }
0x5: {  	_ = 	snop  }
0x6: {  	_ = 	snop  }
0x7: {  	_ = 	snop  }
__scs_overlays_trampoline_lowered:
0x8: {  	[smem:$0x3FAE] =	sst s0  }
0x9: {  	[smem:$0x3FAF] =	sst s1  }
0xa: {  	[smem:$0x3FB0] =	sst s2  }
0xb: {  	[smem:$0x3FB1] =	sst s3  }
0xc: {  	[smem:$0x3FB2] =	sst s4  }
0xd: {  	[smem:$0x3FB3] =	sst s5  }
0xe: {  	[smem:$0x3FB4] =	sst s6  }
0xf: {  	[smem:$0x3FB5] =	sst s7  }
0x10: {  	[smem:$0x3FB6] =	sst s8  }
0x11: {  	[smem:$0x3FB7] =	sst s9;
	s0 =	simm.s32 @!p0 $0x0  }
0x12: {  	s1 =	sld [smem:$0x3F9D];
	s0 =	simm.s32 @p0 $0x1  }
0x13: {  	[smem:$0x3FB8] =	sst s0;
	s0 =	simm.s32 @!p1 $0x0  }
0x14: {  	s2 =	sld [smem:$0x3F9C];
	s0 =	simm.s32 @p1 $0x1  }
0x15: {  	[smem:$0x3FB9] =	sst s0;
	s0 =	simm.s32 @!p2 $0x0  }
0x16: {  	s3 =	sld [smem:$0x3FDB];
	s0 =	simm.s32 @p2 $0x1  }
0x17: {  	s4 =	simm.s32 $0x1BF5;
	[smem:$0x3FBB] =	sst s0  }
0x18: {  	s0 =	sld [smem:$0x3F9E];
	_ =	swait.ge [sflag:s4], $0x0  }
0x19: {  	s7 =	sld [smem:$0x3F9F]  }
0x1a: {  	s8 =	sadd.s32 $0xFFFFE003, lr  }
0x1b: {  	s9 =	sadd.s32 $0xFFFFFEF7, lr;
	s5 =	simm.s32 $0xFFFFFFFF;
	p2 =	slt.u32 s8, $0xFFFFF086  }
0x1c: {  	p1 =	slt.u32 s9, $0xF7A;
	s5 =	simm.s32 @!p2 $0x0  }
0x1d: {  	s5 =	simm.s32 @p1 $0x1;
	p0 =	seq.s32 s7, s2  }
0x1e: {  	s7 =	smul.u32 @!p0 $0xF7A, s2;
	p2 =	seq.s32 @!p0 s5, $0x0  }
0x1f: {  	s9 =	smul.u32 $0xF7A, s1;
	s8 =	simm.s32 @!p0 $0x1BF5;
	p2 =	por !p2, p0  }
0x20: {  	[sflag:s8] =	ssyncset.s32 @!p0 $0xFFFFF086;
	s6 =	sadd.s32 @!p0 s3, s7;
	s7 =	simm.s32 @!p0 $0x108  }
0x21: {  	s3 =	sadd.s32 s3, s9;
	s6 =	sadd.s32 @!p0 $0x88, s6;
	s7 =	simm.s32 @p2 $0x1082  }
0x22: {  	[simem:s7], [sflag:s8] =	dma.local @!p0 [hbm:s6], $0xF7A  }
0x23: {  	s9 =	sor.u32 $0xD0000000, s2;
	s6 =	simm.s32 $0x108;
	_ =	swait.ge @!p0 [sflag:s8], $0x0  }
0x24: {  	s3 =	sadd.s32 $0x88, s3;
	s6 =	simm.s32 @!p1 $0x1082;
	[sflag:s4] =	ssyncset.s32 $0xFFFFF086  }
0x25: {  	[simem:s6], [sflag:s4] =	dma.local [hbm:s3], $0xF7A  }
0x26: {  	[smem:$0x3F9F] =	sst s1;
	(tag) =	ssettag s2;
	_ =	strace s9  }
0x27: {  	s1 =	sld [smem:$0x3FAF]  }
0x28: {  	s2 =	sld [smem:$0x3FB0]  }
0x29: {  	s4 =	sld [smem:$0x3FB2]  }
0x2a: {  	p0 =	seq.s32 s5, $0x0;
	s5 =	sld [smem:$0x3FB3]  }
0x2b: {  	s6 =	sld [smem:$0x3FB4]  }
0x2c: {  	s7 =	sld [smem:$0x3FB5]  }
0x2d: {  	s3 =	simm.s32 $0x108;
	s8 =	sld [smem:$0x3FB6]  }
0x2e: {  	s3 =	simm.s32 @!p0 $0x1082;
	s9 =	sld [smem:$0x3FB7]  }
0x2f: {  	lr =	sadd.s32 s0, s3;
	s0 =	sld [smem:$0x3FAE]  }
0x30: {  	s3 =	sld [smem:$0x3FB1]  }
0x31: {  	[smem:$0x3FBA] =	sst s10  }
0x32: {  	s10 =	sld [smem:$0x3FB8];
	_ =	sdelay $0x3  }
0x33: {  	p0 =	seq.s32 s10, $0x1;
	s10 =	sld [smem:$0x3FBA];
	_ =	sdelay $0x3  }
0x34: {  	[smem:$0x3FBA] =	sst s10  }
0x35: {  	s10 =	sld [smem:$0x3FB9];
	_ =	sdelay $0x3  }
0x36: {  	p1 =	seq.s32 s10, $0x1;
	s10 =	sld [smem:$0x3FBA];
	_ =	sdelay $0x3  }
0x37: {  	[smem:$0x3FBA] =	sst s10  }
0x38: {  	s10 =	sld [smem:$0x3FBB]  }
0x39: {  	_ = 	snop;
	(pc) =	sbr.ind lr, $3  }
0x3a: {  	_ = 	snop  }
0x3b: {  	_ = 	snop  }
0x3c: {  	p2 =	seq.s32 s10, $0x1;
	s10 =	sld [smem:$0x3FBA]  }
0x3d: {  	_ =	shalt  }
0x3e: {  	_ =	shalt  }
0x3f: {  	_ =	shalt  }
0x40: {  	_ =	shalt  }
0x41: {  	_ =	shalt  }
0x42: {  	_ =	shalt  }
0x43: {  	_ =	shalt  }
0x44: {  	_ =	shalt  }
0x45: {  	_ =	shalt  }
0x46: {  	_ =	shalt  }
0x47: {  	_ =	shalt  }
0x48: {  	_ =	shalt  }
0x49: {  	_ =	shalt  }
0x4a: {  	_ =	shalt  }
0x4b: {  	_ =	shalt  }
0x4c: {  	_ =	shalt  }
0x4d: {  	_ =	shalt  }
0x4e: {  	_ =	shalt  }
0x4f: {  	_ =	shalt  }
0x50: {  	_ =	shalt  }
0x51: {  	_ =	shalt  }
0x52: {  	_ =	shalt  }
0x53: {  	_ =	shalt  }
0x54: {  	_ =	shalt  }
0x55: {  	_ =	shalt  }
0x56: {  	_ =	shalt  }
0x57: {  	_ =	shalt  }
0x58: {  	_ =	shalt  }
0x59: {  	_ =	shalt  }
0x5a: {  	_ =	shalt  }
0x5b: {  	_ =	shalt  }
0x5c: {  	_ =	shalt  }
0x5d: {  	_ =	shalt  }
0x5e: {  	_ =	shalt  }
0x5f: {  	_ =	shalt  }
0x60: {  	_ =	shalt  }
0x61: {  	_ =	shalt  }
0x62: {  	_ =	shalt  }
0x63: {  	_ =	shalt  }
0x64: {  	_ =	shalt  }
0x65: {  	_ =	shalt  }
0x66: {  	_ =	shalt  }
0x67: {  	_ =	shalt  }
0x68: {  	_ =	shalt  }
0x69: {  	_ =	shalt  }
0x6a: {  	_ =	shalt  }
0x6b: {  	_ =	shalt  }
0x6c: {  	_ =	shalt  }
0x6d: {  	_ =	shalt  }
0x6e: {  	_ =	shalt  }
0x6f: {  	_ =	shalt  }
0x70: {  	_ =	shalt  }
0x71: {  	_ =	shalt  }
0x72: {  	_ =	shalt  }
0x73: {  	_ =	shalt  }
0x74: {  	_ =	shalt  }
0x75: {  	_ =	shalt  }
0x76: {  	_ =	shalt  }
0x77: {  	_ =	shalt  }
0x78: {  	_ =	shalt  }
0x79: {  	_ =	shalt  }
0x7a: {  	_ =	shalt  }
0x7b: {  	_ =	shalt  }
0x7c: {  	_ =	shalt  }
0x7d: {  	_ =	shalt  }
0x7e: {  	_ =	shalt  }
0x7f: {  	_ =	shalt  }
0x80: {  	_ =	shalt  }
0x81: {  	_ =	shalt  }
0x82: {  	_ =	shalt  }
0x83: {  	_ =	shalt  }
0x84: {  	_ =	shalt  }
0x85: {  	_ =	shalt  }
0x86: {  	_ =	shalt  }
0x87: {  	_ =	shalt  }
.Lfunc_end0:
.L_simem_size_0:
called_computation_lowered:
.L_overlay_start_0:
0x88: {  	s2 =	sld [smem:$0x3FD9]  }
0x89: {  	s3 =	sld [smem:$0x3FFE];
	_ =	sdelay $0x1  }
0x8a: {  	s1 =	srdreg.scid  }
0x8b: {  	s0 =	sand.u32 $0x1, s1  }
0x8c: {  	s17 =	sshll.u32 s0, $0xA;
	s2 =	sadd.s32 s3, s2  }
0x8d: {  	s2 =	sadd.s32 s2, s17  }
0x8e: {  	[smem:$0x3FC6] =	sst s2  }
0x8f: {  	_ = 	snop  }
0x90: {  	s2 =	sld [smem:$0x3FC9]  }
0x91: {  	s18 =	sld [smem:$0x3FD0];
	(tm) =	ssettm $0x1  }
0x92: {  	s4 =	sld [smem:$0x3FFB];
	_ =	sdelay $0x3  }
0x93: {  	_ =	strace s4  }
0x94: {  	s4 =	sld [smem:$0x3FFC];
	_ =	sdelay $0x3  }
0x95: {  	_ =	strace s4  }
0x96: {  	s4 =	sld [smem:$0x3FFD];
	_ =	sdelay $0x3  }
0x97: {  	_ =	strace s4  }
0x98: {  	_ =	strace $0x8FFFFFFF  }
0x99: {  	s19 =	sld [smem:$0x3FDB];
	_ =	sdelay $0x1  }
0x9a: {  	s5 =	simm.s32 $_scs_section_size  }
0x9b: {  	s6 =	simm.s32 $_size__tile_overlayer_lowered;
	s7 =	simm.s32 $_tile_overlayer_lowered  }
0x9c: {  	s22 =	simm.s32 $0x1BFF;
	s21 =	sshll.u32 s7, $0x1;
	s4 =	sadd.s32 s5, s19  }
0x9d: {  	s8 =	simm.s32 $0x0;
	s20 =	sshll.u32 s6, $0x1;
	s6 =	sadd.s32 s21, s4  }
0x9e: {  	[timem:s8], [sflag:s22] =	dma.local [hbm:s6], s20  }
0x9f: {  	_ =	swait.ge [sflag:s22], s20  }
0xa0: {  	s5 =	ssub.s32 $0x0, s20;
	[sflag:s22] =	ssyncset.done $0x0  }
0xa1: {  	[sflag:s22] =	ssyncadd.s32 s5;
	_ =	sdelay $0x1  }
0xa2: {  	s23 =	simm.s32 $0x1B8B  }
0xa3: {  	_ =	swait.ge [sflag:s23], $0x1  }
0xa4: {  	[sflag:s23] =	ssyncset.done $0x0  }
0xa5: {  	s25 =	simm.s32 $0x1B8E;
	s24 =	sld [smem:$0x3FFE];
	[sflag:s23] =	ssyncadd.s32 $0xFFFFFFFF  }
0xa6: {  	s26 =	simm.s32 $execute0_lowered;
	[smem:$0x3FD2] =	sst s25  }
0xa7: {  	s6 =	sshll.u32 s26, $0x1;
	_ =	strace $0x80000046;
	[dreg:$0x1] =	wrdreg $0xFFFFFFFF  }
0xa8: {  	s28 =	simm.s32 $_size_execute0_lowered;
	s4 =	sadd.s32 s4, s6;
	[dreg:$0x0] =	wrdreg $0x0  }
0xa9: {  	s6 =	sshll.u32 s28, $0x1;
	[dreg:$0x2] =	wrdreg s4  }
0xaa: {  	[dreg:$0x3] =	wrdreg s6  }
0xab: {  	[dreg:$0x4] =	wrdreg $0xC0  }
0xac: {  	_ =	task [dreg:s8], $0x5FFFF  }
0xad: {  	[dreg:$0x1] =	wrdreg $0xFFFFFFFF  }
0xae: {  	[dreg:$0x0] =	wrdreg $0x60  }
0xaf: {  	[dreg:$0x2] =	wrdreg s2  }
0xb0: {  	[dreg:$0x3] =	wrdreg s24  }
0xb1: {  	[dreg:$0x4] =	wrdreg s18  }
0xb2: {  	[dreg:$0x5] =	wrdreg $0x9  }
0xb3: {  	_ =	task.clear_ibuf [dreg:s8], $0x6FFFF;
	_ =	strace $0x90000046  }
0xb4: {  	s29 =	simm.s32 $0x9;
	_ =	strace $0x80000048  }
0xb5: {  	_ =	swait.ge [sflag:s29], $0x1  }
0xb6: {  	[sflag:s29] =	ssyncadd.s32 $0xFFFFFFFF  }
0xb7: {  	_ =	strace $0x90000048  }
0xb8: {  	_ =	sfence  }
0xb9: {  	s30 =	sld [smem:$0x0];
	_ =	sdelay $0x2  }
0xba: {  	s31 =	sshll.u32 s1, $0xD;
	s1 =	sshrl.u32 s1, $0x2  }
0xbb: {  	s3 =	sand.u32 $0x4000, s31;
	s1 =	sadd.s32 s1, s30  }
0xbc: {  	s0 =	sor.u32 s3, s0;
	s1 =	sshll.u32 s1, $0x11  }
0xbd: {  	s0 =	sor.u32 s1, s0  }
0xbe: {  	s0 =	sadd.s32 $0x8F2B, s0  }
0xbf: {  	[sflag:s0] =	ssyncadd.remote.s32 $0x1  }
0xc0: {  	_ =	sfence.sel $0xFFFF  }
0xc1: {  	[dreg:$0x0] =	wrdreg $0xFFFFFFFF;
	(pc) =	sbr.abs _section_cstart, $3  }
0xc2: {  	[dreg:$0x1] =	wrdreg $0xFFFFFFFF  }
0xc3: {  	_ =	task.clear_ibuf [dreg:s8], $0x2FFFF;
	_ =	strace $0x9FFFFFFF  }
0xc4: {  	(tm) =	ssettm $0x7FFFFFFF  }
0xc5: {  	_ =	shalt  }
tec
execute0_lowered:
.L_overlay_start_1:
0x0: {  	(tag) =	ssettag $0x1  }
0x1: {  	s6 =	rddreg [dreg:$0x0]  }
0x2: {  	s5 =	rddreg [dreg:$0x1]  }
0x3: {  	s2 =	rddreg [dreg:$0x2]  }
0x4: {  	s0 =	rddreg [dreg:$0x3];
	s4 =	srdreg.scid  }
0x5: {  	s3 =	simm.s32 $0x0;
	s1 =	stileid.u32;
	s10 =	simm.s32 $0x7D00  }
0x6: {  	s11 =	simm.s32 $0x3;
	s12 =	simm.s32 $0xED00;
	s13 =	simm.s32 $0x12D00  }
0x7: {  	s14 =	simm.s32 $0x1;
	s15 =	simm.s32 $0x2;
	s16 =	simm.s32 $0x0  }
0x8: {  	s4 =	sand.u32 $0x1, s4;
	s8 =	sshll.u32 s1, $0xD;
	[smem:$0x7FF] =	sst s3  }
0x9: {  	s5 =	sadd.s32 $0x400, s5;
	s7 =	ssub.s32 $0x2, s4;
	s4 =	sshll.u32 s4, $0xC  }
0xa: {  	_ =	strace $0x80000047;
	s9 =	sshrl.u32 s7, $0x1;
	s4 =	sor.u32 s4, s8  }
0xb: {  	s7 =	ssub.s32 s7, s9;
	s8 =	sshrl.u32 s4, $0x3;
	s9 =	simm.s32 $0x20000  }
0xc: {  	s6 =	sadd.s32 s6, s8;
	s7 =	smax.u32 s7, $0x1;
	s8 =	simm.s32 $0x1000  }
.LBB2_1:
0xd: {  	[tilespmem:s3], [sflag:$0x3] =	stream.linear.gather [hbm4b:s5+s3], $0x7D00, $0x38;
	[tilespmem:$0x16D00] =	vst v63  }
0xe: {  	_ = 	snop  }
0xf: {  	[tilespmem:s10], [sflag:$0x3] =	stream.strided.gather [hbm4b:s6+s8], $0x7000, s9, s8, $0x38;
	[tilespmem:$0x16D00] =	vst v63  }
0x10: {  	_ =	swait.ge [sflag:s11], $0x7D00  }
0x11: {  	[sflag:s11] =	ssyncset.done $0x0  }
0x12: {  	[sflag:s11] =	ssyncadd.s32 $0xFFFF8300  }
0x13: {  	_ =	swait.ge [sflag:s11], $0x7000  }
0x14: {  	[sflag:s11] =	ssyncset.done $0x0  }
0x15: {  	s17 =	simm.s32 $0x0;
	[sflag:s11] =	ssyncadd.s32 $0xFFFF9000  }
.LBB2_2:
0x16: {  	s18 =	sshll.u32 s17, $0xA  }
0x17: {  	s19 =	sshll.u32 s17, $0x8;
	s18 =	sand.u32 $0x7000, s18  }
0x18: {  	s19 =	sand.u32 $0x300, s19;
	s18 =	sadd.s32 $0x7D00, s18  }
0x19: {  	s19 =	sadd.s32 s19, s18  }
0x1a: {  	p0 =	seq.s32 s17, $0x0;
	v7 =	vmov s19  }
0x1b: {  	s19 =	simm.s32 @!p0 $0x1  }
0x1c: {  	_ =	swait.ge @!p0 [sflag:s19], $0x4000  }
0x1d: {  	[sflag:s19] =	ssyncset.done @!p0 $0x0  }
0x1e: {  	s20 =	simm.s32 $0x0;
	[sflag:s19] =	ssyncadd.s32 @!p0 $0xFFFFC000  }
0x1f: {  	v0 =	vld.idx.msk [tilespmem:v7+s20+$0x0 ss:$0x1], $0xffff;
	_ =	sdelay $0x7  }
0x20: {  	v1 =	vld.idx.msk [tilespmem:v0+s3+$0x0], $0xffff  }
0x21: {  	v2 =	vadd.s32 $0x3E8, v0;
	_ =	sdelay $0x3  }
0x22: {  	[tilespmem:s20+$0xED00] =	vst v1  }
0x23: {  	v1 =	vld.idx.msk [tilespmem:v2+s3+$0x0], $0xffff  }
0x24: {  	v2 =	vadd.s32 $0x7D0, v0;
	_ =	sdelay $0x3  }
0x25: {  	[tilespmem:s20+$0xED80] =	vst v1  }
0x26: {  	v1 =	vld.idx.msk [tilespmem:v2+s3+$0x0], $0xffff  }
0x27: {  	v2 =	vadd.s32 $0xBB8, v0;
	_ =	sdelay $0x3  }
0x28: {  	[tilespmem:s20+$0xEE00] =	vst v1  }
0x29: {  	v1 =	vld.idx.msk [tilespmem:v2+s3+$0x0], $0xffff  }
0x2a: {  	v2 =	vadd.s32 $0xFA0, v0;
	_ =	sdelay $0x3  }
0x2b: {  	[tilespmem:s20+$0xEE80] =	vst v1  }
0x2c: {  	v1 =	vld.idx.msk [tilespmem:v2+s3+$0x0], $0xffff  }
0x2d: {  	v2 =	vadd.s32 $0x1388, v0;
	_ =	sdelay $0x3  }
0x2e: {  	[tilespmem:s20+$0xEF00] =	vst v1  }
0x2f: {  	v1 =	vld.idx.msk [tilespmem:v2+s3+$0x0], $0xffff  }
0x30: {  	v2 =	vadd.s32 $0x1770, v0;
	_ =	sdelay $0x3  }
0x31: {  	[tilespmem:s20+$0xEF80] =	vst v1  }
0x32: {  	v1 =	vld.idx.msk [tilespmem:v2+s3+$0x0], $0xffff  }
0x33: {  	v2 =	vadd.s32 $0x1B58, v0;
	_ =	sdelay $0x3  }
0x34: {  	[tilespmem:s20+$0xF000] =	vst v1  }
0x35: {  	v1 =	vld.idx.msk [tilespmem:v2+s3+$0x0], $0xffff  }
0x36: {  	v2 =	vadd.s32 $0x1F40, v0;
	_ =	sdelay $0x3  }
0x37: {  	[tilespmem:s20+$0xF080] =	vst v1  }
0x38: {  	v1 =	vld.idx.msk [tilespmem:v2+s3+$0x0], $0xffff  }
0x39: {  	v2 =	vadd.s32 $0x2328, v0;
	_ =	sdelay $0x3  }
0x3a: {  	[tilespmem:s20+$0xFD00] =	vst v1  }
0x3b: {  	v5 =	vld.idx.msk [tilespmem:v2+s3+$0x0], $0xffff  }
0x3c: {  	v48 =	vld.idx.msk [tilespmem:v7+s20+$0x70 ss:$0x1], $0xffff  }
0x3d: {  	v4 =	vld.idx.msk [tilespmem:v7+s20+$0x20 ss:$0x1], $0xffff  }
0x3e: {  	v6 =	vadd.s32 $0x2710, v0;
	v2 =	vld.idx.msk [tilespmem:v7+s20+$0x10 ss:$0x1], $0xffff  }
0x3f: {  	v23 =	vld.idx.msk [tilespmem:v7+s20+$0x30 ss:$0x1], $0xffff  }
0x40: {  	v3 =	vld.idx.msk [tilespmem:v7+s20+$0x40 ss:$0x1], $0xffff;
	[tilespmem:s20+$0xFD80] =	vst v5  }
0x41: {  	v15 =	vld.idx.msk [tilespmem:v7+s20+$0x50 ss:$0x1], $0xffff;
	[tilespmem:$0x1FF20] =	vst v7  }
0x42: {  	v25 =	vld.idx.msk [tilespmem:v7+s20+$0x60 ss:$0x1], $0xffff  }
0x43: {  	v5 =	vld.idx.msk [tilespmem:v6+s3+$0x0], $0xffff  }
0x44: {  	v6 =	vld.idx.msk [tilespmem:v48+s3+$0x0], $0xffff  }
0x45: {  	v8 =	vld.idx.msk [tilespmem:v4+s3+$0x0], $0xffff  }
0x46: {  	v9 =	vadd.s32 $0x3E8, v48;
	v7 =	vld.idx.msk [tilespmem:v2+s3+$0x0], $0xffff  }
0x47: {  	v12 =	vadd.s32 $0x3E8, v4  }
0x48: {  	v10 =	vadd.s32 $0x3E8, v2;
	v11 =	vld.idx.msk [tilespmem:v23+s3+$0x0], $0xffff;
	[tilespmem:s20+$0xFE00] =	vst v5  }
0x49: {  	v13 =	vld.idx.msk [tilespmem:v3+s3+$0x0], $0xffff;
	[tilespmem:s20+$0xED70] =	vst v6  }
0x4a: {  	v14 =	vadd.s32 $0x3E8, v23;
	v5 =	vld.idx.msk [tilespmem:v15+s3+$0x0], $0xffff;
	[tilespmem:s20+$0xED20] =	vst v8  }
0x4b: {  	v16 =	vadd.s32 $0x3E8, v3;
	[tilespmem:s20+$0xED10] =	vst v7;
	v7 =	vld.idx.msk [tilespmem:v9+s3+$0x0], $0xffff  }
0x4c: {  	v6 =	vadd.s32 $0x3E8, v15;
	v8 =	vld.idx.msk [tilespmem:v12+s3+$0x0], $0xffff  }
0x4d: {  	[tilespmem:s20+$0xED30] =	vst v11;
	v11 =	vadd.s32 $0x7D0, v48;
	v10 =	vld.idx.msk [tilespmem:v10+s3+$0x0], $0xffff  }
0x4e: {  	[tilespmem:s20+$0xED40] =	vst v13;
	v13 =	vadd.s32 $0x7D0, v4;
	v17 =	vld.idx.msk [tilespmem:v25+s3+$0x0], $0xffff  }
0x4f: {  	v12 =	vadd.s32 $0x7D0, v2;
	v14 =	vld.idx.msk [tilespmem:v14+s3+$0x0], $0xffff;
	[tilespmem:s20+$0xED50] =	vst v5  }
0x50: {  	v9 =	vadd.s32 $0x3E8, v25;
	v16 =	vld.idx.msk [tilespmem:v16+s3+$0x0], $0xffff;
	[tilespmem:s20+$0xEDF0] =	vst v7  }
0x51: {  	v5 =	vadd.s32 $0x7D0, v23;
	v6 =	vld.idx.msk [tilespmem:v6+s3+$0x0], $0xffff;
	[tilespmem:s20+$0xEDA0] =	vst v8  }
0x52: {  	v7 =	vadd.s32 $0x7D0, v15;
	[tilespmem:s20+$0xED90] =	vst v10;
	v10 =	vld.idx.msk [tilespmem:v11+s3+$0x0], $0xffff  }
0x53: {  	v8 =	vld.idx.msk [tilespmem:v13+s3+$0x0], $0xffff;
	[tilespmem:s20+$0xED60] =	vst v17;
	v17 =	vadd.s32 $0x7D0, v3  }
0x54: {  	[tilespmem:s20+$0xEDB0] =	vst v14;
	v13 =	vadd.s32 $0xBB8, v48;
	v12 =	vld.idx.msk [tilespmem:v12+s3+$0x0], $0xffff  }
0x55: {  	[tilespmem:s20+$0xEDC0] =	vst v16;
	v16 =	vadd.s32 $0xBB8, v4;
	v9 =	vld.idx.msk [tilespmem:v9+s3+$0x0], $0xffff  }
0x56: {  	v14 =	vadd.s32 $0xBB8, v2;
	v5 =	vld.idx.msk [tilespmem:v5+s3+$0x0], $0xffff;
	[tilespmem:s20+$0xEDD0] =	vst v6  }
0x57: {  	v11 =	vadd.s32 $0x7D0, v25;
	v7 =	vld.idx.msk [tilespmem:v7+s3+$0x0], $0xffff;
	[tilespmem:s20+$0xEE70] =	vst v10  }
0x58: {  	v6 =	vadd.s32 $0xBB8, v23;
	[tilespmem:s20+$0xEE20] =	vst v8;
	v17 =	vld.idx.msk [tilespmem:v17+s3+$0x0], $0xffff  }
0x59: {  	v10 =	vadd.s32 $0xBB8, v15;
	[tilespmem:s20+$0xEE10] =	vst v12;
	v12 =	vld.idx.msk [tilespmem:v13+s3+$0x0], $0xffff  }
0x5a: {  	v8 =	vld.idx.msk [tilespmem:v16+s3+$0x0], $0xffff;
	[tilespmem:s20+$0xEDE0] =	vst v9;
	v9 =	vadd.s32 $0xBB8, v3  }
0x5b: {  	v14 =	vld.idx.msk [tilespmem:v14+s3+$0x0], $0xffff;
	[tilespmem:s20+$0xEE30] =	vst v5;
	v5 =	vadd.s32 $0xFA0, v48  }
0x5c: {  	v16 =	vadd.s32 $0xFA0, v2;
	v11 =	vld.idx.msk [tilespmem:v11+s3+$0x0], $0xffff;
	[tilespmem:s20+$0xEE50] =	vst v7  }
0x5d: {  	v13 =	vadd.s32 $0xBB8, v25;
	v6 =	vld.idx.msk [tilespmem:v6+s3+$0x0], $0xffff;
	[tilespmem:s20+$0xEE40] =	vst v17  }
0x5e: {  	v7 =	vadd.s32 $0xFA0, v23;
	v10 =	vld.idx.msk [tilespmem:v10+s3+$0x0], $0xffff;
	[tilespmem:s20+$0xEEF0] =	vst v12  }
0x5f: {  	v17 =	vadd.s32 $0xFA0, v4;
	[tilespmem:s20+$0xEEA0] =	vst v8;
	v9 =	vld.idx.msk [tilespmem:v9+s3+$0x0], $0xffff  }
0x60: {  	v12 =	vadd.s32 $0xFA0, v15;
	[tilespmem:s20+$0xEE90] =	vst v14;
	v5 =	vld.idx.msk [tilespmem:v5+s3+$0x0], $0xffff  }
0x61: {  	[tilespmem:s20+$0xEE60] =	vst v11;
	v11 =	vadd.s32 $0xFA0, v3;
	v16 =	vld.idx.msk [tilespmem:v16+s3+$0x0], $0xffff  }
0x62: {  	v13 =	vld.idx.msk [tilespmem:v13+s3+$0x0], $0xffff;
	[tilespmem:s20+$0xEEB0] =	vst v6;
	v6 =	vadd.s32 $0x1388, v48  }
0x63: {  	v14 =	vadd.s32 $0xFA0, v25;
	v7 =	vld.idx.msk [tilespmem:v7+s3+$0x0], $0xffff;
	[tilespmem:s20+$0xEED0] =	vst v10  }
0x64: {  	v8 =	vld.idx.msk [tilespmem:v17+s3+$0x0], $0xffff;
	v17 =	vadd.s32 $0x1388, v2;
	[tilespmem:s20+$0xEEC0] =	vst v9  }
0x65: {  	v10 =	vadd.s32 $0x1388, v23;
	v12 =	vld.idx.msk [tilespmem:v12+s3+$0x0], $0xffff;
	[tilespmem:s20+$0xEF70] =	vst v5  }
0x66: {  	v9 =	vadd.s32 $0x1388, v4;
	v11 =	vld.idx.msk [tilespmem:v11+s3+$0x0], $0xffff;
	[tilespmem:s20+$0xEF10] =	vst v16  }
0x67: {  	v5 =	vadd.s32 $0x1388, v15;
	[tilespmem:s20+$0xEEE0] =	vst v13;
	v6 =	vld.idx.msk [tilespmem:v6+s3+$0x0], $0xffff  }
0x68: {  	v13 =	vadd.s32 $0x1388, v3;
	v14 =	vld.idx.msk [tilespmem:v14+s3+$0x0], $0xffff;
	[tilespmem:s20+$0xEF30] =	vst v7  }
0x69: {  	v7 =	vadd.s32 $0x1770, v48;
	v17 =	vld.idx.msk [tilespmem:v17+s3+$0x0], $0xffff;
	[tilespmem:s20+$0xEF20] =	vst v8  }
0x6a: {  	v16 =	vadd.s32 $0x1388, v25;
	v10 =	vld.idx.msk [tilespmem:v10+s3+$0x0], $0xffff;
	[tilespmem:s20+$0xEF50] =	vst v12  }
0x6b: {  	v8 =	vld.idx.msk [tilespmem:v9+s3+$0x0], $0xffff;
	v9 =	vadd.s32 $0x1770, v2;
	[tilespmem:s20+$0xEF40] =	vst v11  }
0x6c: {  	v12 =	vadd.s32 $0x1770, v23;
	v5 =	vld.idx.msk [tilespmem:v5+s3+$0x0], $0xffff;
	[tilespmem:s20+$0xEFF0] =	vst v6  }
0x6d: {  	v11 =	vadd.s32 $0x1770, v4;
	v13 =	vld.idx.msk [tilespmem:v13+s3+$0x0], $0xffff;
	[tilespmem:s20+$0xEF60] =	vst v14  }
0x6e: {  	v6 =	vadd.s32 $0x1770, v15;
	v7 =	vld.idx.msk [tilespmem:v7+s3+$0x0], $0xffff;
	[tilespmem:s20+$0xEF90] =	vst v17  }
0x6f: {  	v14 =	vadd.s32 $0x1770, v3;
	v16 =	vld.idx.msk [tilespmem:v16+s3+$0x0], $0xffff;
	[tilespmem:s20+$0xEFB0] =	vst v10  }
0x70: {  	v17 =	vadd.s32 $0x1770, v25;
	v9 =	vld.idx.msk [tilespmem:v9+s3+$0x0], $0xffff;
	[tilespmem:s20+$0xEFA0] =	vst v8  }
0x71: {  	v10 =	vadd.s32 $0x1B58, v48;
	v12 =	vld.idx.msk [tilespmem:v12+s3+$0x0], $0xffff;
	[tilespmem:s20+$0xEFD0] =	vst v5  }
0x72: {  	v8 =	vld.idx.msk [tilespmem:v11+s3+$0x0], $0xffff;
	v11 =	vadd.s32 $0x1B58, v2;
	[tilespmem:s20+$0xEFC0] =	vst v13  }
0x73: {  	v5 =	vadd.s32 $0x1B58, v23;
	v6 =	vld.idx.msk [tilespmem:v6+s3+$0x0], $0xffff;
	[tilespmem:s20+$0xF070] =	vst v7  }
0x74: {  	v13 =	vadd.s32 $0x1B58, v4;
	v14 =	vld.idx.msk [tilespmem:v14+s3+$0x0], $0xffff;
	[tilespmem:s20+$0xEFE0] =	vst v16  }
0x75: {  	v7 =	vadd.s32 $0x1B58, v15;
	v17 =	vld.idx.msk [tilespmem:v17+s3+$0x0], $0xffff;
	[tilespmem:s20+$0xF010] =	vst v9  }
0x76: {  	v16 =	vadd.s32 $0x1B58, v3;
	v9 =	vld.idx.msk [tilespmem:v10+s3+$0x0], $0xffff;
	[tilespmem:s20+$0xF030] =	vst v12  }
0x77: {  	v10 =	vadd.s32 $0x1B58, v25;
	v11 =	vld.idx.msk [tilespmem:v11+s3+$0x0], $0xffff;
	[tilespmem:s20+$0xF020] =	vst v8  }
0x78: {  	v12 =	vadd.s32 $0x1F40, v48;
	v5 =	vld.idx.msk [tilespmem:v5+s3+$0x0], $0xffff;
	[tilespmem:s20+$0xF050] =	vst v6  }
0x79: {  	v8 =	vld.idx.msk [tilespmem:v13+s3+$0x0], $0xffff;
	v13 =	vadd.s32 $0x1F40, v2;
	[tilespmem:s20+$0xF040] =	vst v14  }
0x7a: {  	v6 =	vadd.s32 $0x1F40, v23;
	v7 =	vld.idx.msk [tilespmem:v7+s3+$0x0], $0xffff;
	[tilespmem:s20+$0xF060] =	vst v17  }
0x7b: {  	v14 =	vadd.s32 $0x1F40, v4;
	v16 =	vld.idx.msk [tilespmem:v16+s3+$0x0], $0xffff;
	[tilespmem:s20+$0xF0F0] =	vst v9  }
0x7c: {  	v17 =	vadd.s32 $0x1F40, v3;
	v10 =	vld.idx.msk [tilespmem:v10+s3+$0x0], $0xffff;
	[tilespmem:s20+$0xF090] =	vst v11  }
0x7d: {  	v9 =	vadd.s32 $0x1F40, v15;
	v11 =	vld.idx.msk [tilespmem:v12+s3+$0x0], $0xffff;
	[tilespmem:s20+$0xF0B0] =	vst v5  }
0x7e: {  	v12 =	vadd.s32 $0x1F40, v25;
	v13 =	vld.idx.msk [tilespmem:v13+s3+$0x0], $0xffff;
	[tilespmem:s20+$0xF0A0] =	vst v8  }
0x7f: {  	v5 =	vadd.s32 $0x2328, v48;
	v6 =	vld.idx.msk [tilespmem:v6+s3+$0x0], $0xffff;
	[tilespmem:s20+$0xF0D0] =	vst v7  }
0x80: {  	v8 =	vld.idx.msk [tilespmem:v14+s3+$0x0], $0xffff;
	v14 =	vadd.s32 $0x2328, v2;
	[tilespmem:s20+$0xF0C0] =	vst v16  }
0x81: {  	v7 =	vadd.s32 $0x2328, v23;
	v17 =	vld.idx.msk [tilespmem:v17+s3+$0x0], $0xffff;
	[tilespmem:s20+$0xF0E0] =	vst v10  }
0x82: {  	v16 =	vadd.s32 $0x2328, v4;
	v9 =	vld.idx.msk [tilespmem:v9+s3+$0x0], $0xffff;
	[tilespmem:s20+$0xFD70] =	vst v11  }
0x83: {  	v10 =	vadd.s32 $0x2328, v3;
	v12 =	vld.idx.msk [tilespmem:v12+s3+$0x0], $0xffff;
	[tilespmem:s20+$0xFD10] =	vst v13  }
0x84: {  	v11 =	vadd.s32 $0x2328, v15;
	v5 =	vld.idx.msk [tilespmem:v5+s3+$0x0], $0xffff;
	[tilespmem:s20+$0xFD30] =	vst v6  }
0x85: {  	v13 =	vadd.s32 $0x2328, v25;
	v14 =	vld.idx.msk [tilespmem:v14+s3+$0x0], $0xffff;
	[tilespmem:s20+$0xFD20] =	vst v8  }
0x86: {  	v6 =	vadd.s32 $0x2710, v48;
	v7 =	vld.idx.msk [tilespmem:v7+s3+$0x0], $0xffff;
	[tilespmem:s20+$0xFD40] =	vst v17  }
0x87: {  	v8 =	vld.idx.msk [tilespmem:v16+s3+$0x0], $0xffff;
	v16 =	vadd.s32 $0x2710, v2;
	[tilespmem:s20+$0xFD50] =	vst v9  }
0x88: {  	v17 =	vadd.s32 $0x2710, v4;
	v10 =	vld.idx.msk [tilespmem:v10+s3+$0x0], $0xffff;
	[tilespmem:s20+$0xFD60] =	vst v12  }
0x89: {  	v9 =	vadd.s32 $0x2710, v23;
	v11 =	vld.idx.msk [tilespmem:v11+s3+$0x0], $0xffff;
	[tilespmem:s20+$0xFDF0] =	vst v5  }
0x8a: {  	v12 =	vadd.s32 $0x2710, v3;
	v13 =	vld.idx.msk [tilespmem:v13+s3+$0x0], $0xffff;
	[tilespmem:s20+$0xFD90] =	vst v14  }
0x8b: {  	v5 =	vadd.s32 $0x2710, v15;
	v6 =	vld.idx.msk [tilespmem:v6+s3+$0x0], $0xffff;
	[tilespmem:s20+$0xFDB0] =	vst v7  }
0x8c: {  	v14 =	vadd.s32 $0x2710, v25;
	v16 =	vld.idx.msk [tilespmem:v16+s3+$0x0], $0xffff;
	[tilespmem:s20+$0xFDA0] =	vst v8  }
0x8d: {  	v7 =	vadd.s32 $0x2AF8, v48;
	v8 =	vld.idx.msk [tilespmem:v17+s3+$0x0], $0xffff;
	[tilespmem:s20+$0xFDC0] =	vst v10  }
0x8e: {  	v17 =	vadd.s32 $0x2AF8, v2;
	v9 =	vld.idx.msk [tilespmem:v9+s3+$0x0], $0xffff;
	[tilespmem:s20+$0xFDD0] =	vst v11  }
0x8f: {  	v10 =	vadd.s32 $0x2AF8, v4;
	v12 =	vld.idx.msk [tilespmem:v12+s3+$0x0], $0xffff;
	[tilespmem:s20+$0xFDE0] =	vst v13  }
0x90: {  	v11 =	vadd.s32 $0x2AF8, v23;
	v5 =	vld.idx.msk [tilespmem:v5+s3+$0x0], $0xffff;
	[tilespmem:s20+$0xFE70] =	vst v6  }
0x91: {  	v13 =	vadd.s32 $0x2AF8, v3;
	v14 =	vld.idx.msk [tilespmem:v14+s3+$0x0], $0xffff;
	[tilespmem:s20+$0xFE10] =	vst v16  }
0x92: {  	v6 =	vadd.s32 $0x2AF8, v15;
	v7 =	vld.idx.msk [tilespmem:v7+s3+$0x0], $0xffff;
	[tilespmem:s20+$0xFE20] =	vst v8  }
0x93: {  	v16 =	vadd.s32 $0x2AF8, v25;
	v17 =	vld.idx.msk [tilespmem:v17+s3+$0x0], $0xffff;
	[tilespmem:s20+$0xFE30] =	vst v9  }
0x94: {  	v9 =	vadd.s32 $0x2EE0, v48;
	v8 =	vld.idx.msk [tilespmem:v10+s3+$0x0], $0xffff;
	[tilespmem:s20+$0xFE40] =	vst v12  }
0x95: {  	v10 =	vadd.s32 $0x2AF8, v0;
	v11 =	vld.idx.msk [tilespmem:v11+s3+$0x0], $0xffff;
	[tilespmem:s20+$0xFE50] =	vst v5  }
0x96: {  	v12 =	vadd.s32 $0x2EE0, v2;
	v13 =	vld.idx.msk [tilespmem:v13+s3+$0x0], $0xffff;
	[tilespmem:s20+$0xFE60] =	vst v14  }
0x97: {  	v5 =	vadd.s32 $0x2EE0, v4;
	v6 =	vld.idx.msk [tilespmem:v6+s3+$0x0], $0xffff;
	[tilespmem:s20+$0xFEF0] =	vst v7  }
0x98: {  	v14 =	vadd.s32 $0x2EE0, v23;
	v16 =	vld.idx.msk [tilespmem:v16+s3+$0x0], $0xffff;
	[tilespmem:s20+$0xFE90] =	vst v17  }
0x99: {  	v7 =	vadd.s32 $0x2EE0, v3;
	v9 =	vld.idx.msk [tilespmem:v9+s3+$0x0], $0xffff;
	[tilespmem:s20+$0xFEA0] =	vst v8  }
0x9a: {  	v17 =	vadd.s32 $0x2EE0, v15;
	v10 =	vld.idx.msk [tilespmem:v10+s3+$0x0], $0xffff;
	[tilespmem:s20+$0xFEB0] =	vst v11  }
0x9b: {  	v11 =	vadd.s32 $0x32C8, v48;
	v8 =	vld.idx.msk [tilespmem:v12+s3+$0x0], $0xffff;
	[tilespmem:s20+$0xFEC0] =	vst v13  }
0x9c: {  	v12 =	vadd.s32 $0x2EE0, v25;
	v5 =	vld.idx.msk [tilespmem:v5+s3+$0x0], $0xffff;
	[tilespmem:s20+$0xFED0] =	vst v6  }
0x9d: {  	v13 =	vadd.s32 $0x2EE0, v0;
	v14 =	vld.idx.msk [tilespmem:v14+s3+$0x0], $0xffff;
	[tilespmem:s20+$0xFEE0] =	vst v16  }
0x9e: {  	v6 =	vadd.s32 $0x32C8, v2;
	v7 =	vld.idx.msk [tilespmem:v7+s3+$0x0], $0xffff;
	[tilespmem:s20+$0xFF70] =	vst v9  }
0x9f: {  	v16 =	vadd.s32 $0x32C8, v4;
	v17 =	vld.idx.msk [tilespmem:v17+s3+$0x0], $0xffff;
	[tilespmem:s20+$0xFE80] =	vst v10  }
0xa0: {  	v9 =	vadd.s32 $0x32C8, v23;
	v10 =	vld.idx.msk [tilespmem:v11+s3+$0x0], $0xffff;
	[tilespmem:s20+$0xFF10] =	vst v8  }
0xa1: {  	v11 =	vadd.s32 $0x32C8, v3;
	v8 =	vld.idx.msk [tilespmem:v12+s3+$0x0], $0xffff;
	[tilespmem:s20+$0xFF20] =	vst v5  }
0xa2: {  	v5 =	vadd.s32 $0x36B0, v48;
	v12 =	vld.idx.msk [tilespmem:v13+s3+$0x0], $0xffff;
	[tilespmem:s20+$0xFF30] =	vst v14  }
0xa3: {  	v13 =	vadd.s32 $0x32C8, v15;
	v6 =	vld.idx.msk [tilespmem:v6+s3+$0x0], $0xffff;
	[tilespmem:s20+$0xFF40] =	vst v7  }
0xa4: {  	v14 =	vadd.s32 $0x32C8, v25;
	v16 =	vld.idx.msk [tilespmem:v16+s3+$0x0], $0xffff;
	[tilespmem:s20+$0xFF50] =	vst v17  }
0xa5: {  	v7 =	vadd.s32 $0x32C8, v0;
	v9 =	vld.idx.msk [tilespmem:v9+s3+$0x0], $0xffff;
	[tilespmem:s20+$0xFFF0] =	vst v10  }
0xa6: {  	v17 =	vadd.s32 $0x36B0, v2;
	v11 =	vld.idx.msk [tilespmem:v11+s3+$0x0], $0xffff;
	[tilespmem:s20+$0xFF60] =	vst v8  }
0xa7: {  	v10 =	vadd.s32 $0x36B0, v4;
	v5 =	vld.idx.msk [tilespmem:v5+s3+$0x0], $0xffff;
	[tilespmem:s20+$0xFF00] =	vst v12  }
0xa8: {  	v8 =	vadd.s32 $0x36B0, v23;
	v12 =	vld.idx.msk [tilespmem:v13+s3+$0x0], $0xffff;
	[tilespmem:s20+$0xFF90] =	vst v6  }
0xa9: {  	v13 =	vadd.s32 $0x3A98, v48;
	v6 =	vld.idx.msk [tilespmem:v14+s3+$0x0], $0xffff;
	[tilespmem:s20+$0xFFA0] =	vst v16  }
0xaa: {  	v14 =	vadd.s32 $0x36B0, v3;
	v7 =	vld.idx.msk [tilespmem:v7+s3+$0x0], $0xffff;
	[tilespmem:s20+$0xFFB0] =	vst v9  }
0xab: {  	v16 =	vadd.s32 $0x36B0, v15;
	v17 =	vld.idx.msk [tilespmem:v17+s3+$0x0], $0xffff;
	[tilespmem:s20+$0xFFC0] =	vst v11  }
0xac: {  	v9 =	vadd.s32 $0x36B0, v25;
	v10 =	vld.idx.msk [tilespmem:v10+s3+$0x0], $0xffff;
	[tilespmem:s20+$0x10070] =	vst v5  }
0xad: {  	v11 =	vadd.s32 $0x36B0, v0;
	v8 =	vld.idx.msk [tilespmem:v8+s3+$0x0], $0xffff;
	[tilespmem:s20+$0xFFD0] =	vst v12  }
0xae: {  	v5 =	vadd.s32 $0x3A98, v2;
	v12 =	vld.idx.msk [tilespmem:v13+s3+$0x0], $0xffff;
	[tilespmem:s20+$0xFFE0] =	vst v6  }
0xaf: {  	v13 =	vadd.s32 $0x3A98, v4;
	v14 =	vld.idx.msk [tilespmem:v14+s3+$0x0], $0xffff;
	[tilespmem:s20+$0xFF80] =	vst v7  }
0xb0: {  	v7 =	vadd.s32 $0x3E80, v48;
	v6 =	vld.idx.msk [tilespmem:v16+s3+$0x0], $0xffff;
	[tilespmem:s20+$0x10010] =	vst v17  }
0xb1: {  	v16 =	vadd.s32 $0x3A98, v23;
	v9 =	vld.idx.msk [tilespmem:v9+s3+$0x0], $0xffff;
	[tilespmem:s20+$0x10020] =	vst v10  }
0xb2: {  	v17 =	vadd.s32 $0x3A98, v3;
	v11 =	vld.idx.msk [tilespmem:v11+s3+$0x0], $0xffff;
	[tilespmem:s20+$0x10030] =	vst v8  }
0xb3: {  	v10 =	vadd.s32 $0x3A98, v15;
	v5 =	vld.idx.msk [tilespmem:v5+s3+$0x0], $0xffff;
	[tilespmem:s20+$0x100F0] =	vst v12  }
0xb4: {  	v8 =	vadd.s32 $0x3A98, v25;
	v13 =	vld.idx.msk [tilespmem:v13+s3+$0x0], $0xffff;
	[tilespmem:s20+$0x10040] =	vst v14  }
0xb5: {  	v12 =	vadd.s32 $0x3A98, v0;
	v7 =	vld.idx.msk [tilespmem:v7+s3+$0x0], $0xffff;
	[tilespmem:s20+$0x10050] =	vst v6  }
0xb6: {  	v14 =	vadd.s32 $0x3E80, v2;
	v16 =	vld.idx.msk [tilespmem:v16+s3+$0x0], $0xffff;
	[tilespmem:s20+$0x10060] =	vst v9  }
0xb7: {  	v6 =	vld.idx.msk [tilespmem:v17+s3+$0x0], $0xffff;
	v9 =	vadd.s32 $0x4268, v48;
	[tilespmem:s20+$0x10000] =	vst v11  }
0xb8: {  	v17 =	vadd.s32 $0x3E80, v4;
	v10 =	vld.idx.msk [tilespmem:v10+s3+$0x0], $0xffff;
	[tilespmem:s20+$0x10090] =	vst v5  }
0xb9: {  	v11 =	vadd.s32 $0x3E80, v23;
	v5 =	vld.idx.msk [tilespmem:v8+s3+$0x0], $0xffff;
	[tilespmem:s20+$0x100A0] =	vst v13  }
0xba: {  	v8 =	vadd.s32 $0x3E80, v3;
	v12 =	vld.idx.msk [tilespmem:v12+s3+$0x0], $0xffff;
	[tilespmem:s20+$0x10D70] =	vst v7  }
0xbb: {  	v13 =	vadd.s32 $0x3E80, v15;
	v14 =	vld.idx.msk [tilespmem:v14+s3+$0x0], $0xffff;
	[tilespmem:s20+$0x100B0] =	vst v16  }
0xbc: {  	v7 =	vadd.s32 $0x3E80, v25;
	v9 =	vld.idx.msk [tilespmem:v9+s3+$0x0], $0xffff;
	[tilespmem:s20+$0x100C0] =	vst v6  }
0xbd: {  	v16 =	vadd.s32 $0x3E80, v0;
	v17 =	vld.idx.msk [tilespmem:v17+s3+$0x0], $0xffff;
	[tilespmem:s20+$0x100D0] =	vst v10  }
0xbe: {  	v6 =	vld.idx.msk [tilespmem:v11+s3+$0x0], $0xffff;
	v10 =	vadd.s32 $0x4650, v48;
	[tilespmem:s20+$0x100E0] =	vst v5  }
0xbf: {  	v11 =	vadd.s32 $0x4268, v2;
	v8 =	vld.idx.msk [tilespmem:v8+s3+$0x0], $0xffff;
	[tilespmem:s20+$0x10080] =	vst v12  }
0xc0: {  	v5 =	vadd.s32 $0x4268, v4;
	v12 =	vld.idx.msk [tilespmem:v13+s3+$0x0], $0xffff;
	[tilespmem:s20+$0x10D10] =	vst v14  }
0xc1: {  	v13 =	vadd.s32 $0x4268, v23;
	v7 =	vld.idx.msk [tilespmem:v7+s3+$0x0], $0xffff;
	[tilespmem:s20+$0x10DF0] =	vst v9  }
0xc2: {  	v14 =	vadd.s32 $0x4268, v3;
	v16 =	vld.idx.msk [tilespmem:v16+s3+$0x0], $0xffff;
	[tilespmem:s20+$0x10D20] =	vst v17  }
0xc3: {  	v9 =	vadd.s32 $0x4268, v15;
	v10 =	vld.idx.msk [tilespmem:v10+s3+$0x0], $0xffff;
	[tilespmem:s20+$0x10D30] =	vst v6  }
0xc4: {  	v17 =	vadd.s32 $0x4268, v25;
	v11 =	vld.idx.msk [tilespmem:v11+s3+$0x0], $0xffff;
	[tilespmem:s20+$0x10D40] =	vst v8  }
0xc5: {  	v6 =	vadd.s32 $0x4A38, v48;
	v5 =	vld.idx.msk [tilespmem:v5+s3+$0x0], $0xffff;
	[tilespmem:s20+$0x10D50] =	vst v12  }
0xc6: {  	v8 =	vadd.s32 $0x4268, v0;
	v13 =	vld.idx.msk [tilespmem:v13+s3+$0x0], $0xffff;
	[tilespmem:s20+$0x10D60] =	vst v7  }
0xc7: {  	v12 =	vadd.s32 $0x4650, v2;
	v14 =	vld.idx.msk [tilespmem:v14+s3+$0x0], $0xffff;
	[tilespmem:s20+$0x10D00] =	vst v16  }
0xc8: {  	v7 =	vadd.s32 $0x4650, v4;
	v9 =	vld.idx.msk [tilespmem:v9+s3+$0x0], $0xffff;
	[tilespmem:s20+$0x10E70] =	vst v10  }
0xc9: {  	v16 =	vadd.s32 $0x4650, v23;
	v17 =	vld.idx.msk [tilespmem:v17+s3+$0x0], $0xffff;
	[tilespmem:s20+$0x10D90] =	vst v11  }
0xca: {  	v10 =	vadd.s32 $0x4650, v3;
	v6 =	vld.idx.msk [tilespmem:v6+s3+$0x0], $0xffff;
	[tilespmem:s20+$0x10DA0] =	vst v5  }
0xcb: {  	v11 =	vadd.s32 $0x4650, v15;
	v8 =	vld.idx.msk [tilespmem:v8+s3+$0x0], $0xffff;
	[tilespmem:s20+$0x10DB0] =	vst v13  }
0xcc: {  	v5 =	vld.idx.msk [tilespmem:v12+s3+$0x0], $0xffff;
	v12 =	vadd.s32 $0x4E20, v48;
	[tilespmem:s20+$0x10DC0] =	vst v14  }
0xcd: {  	v13 =	vadd.s32 $0x4650, v25;
	v7 =	vld.idx.msk [tilespmem:v7+s3+$0x0], $0xffff;
	[tilespmem:s20+$0x10DD0] =	vst v9  }
0xce: {  	v14 =	vadd.s32 $0x4650, v0;
	v16 =	vld.idx.msk [tilespmem:v16+s3+$0x0], $0xffff;
	[tilespmem:s20+$0x10DE0] =	vst v17  }
0xcf: {  	v9 =	vadd.s32 $0x4A38, v2;
	v10 =	vld.idx.msk [tilespmem:v10+s3+$0x0], $0xffff;
	[tilespmem:s20+$0x10EF0] =	vst v6  }
0xd0: {  	v17 =	vadd.s32 $0x4A38, v4;
	v11 =	vld.idx.msk [tilespmem:v11+s3+$0x0], $0xffff;
	[tilespmem:s20+$0x10D80] =	vst v8  }
0xd1: {  	v6 =	vadd.s32 $0x4A38, v23;
	v8 =	vld.idx.msk [tilespmem:v12+s3+$0x0], $0xffff;
	[tilespmem:s20+$0x10E10] =	vst v5  }
0xd2: {  	v12 =	vadd.s32 $0x4A38, v3;
	v5 =	vld.idx.msk [tilespmem:v13+s3+$0x0], $0xffff;
	[tilespmem:s20+$0x10E20] =	vst v7  }
0xd3: {  	v13 =	vld.idx.msk [tilespmem:v14+s3+$0x0], $0xffff;
	v7 =	vadd.s32 $0x5208, v48;
	[tilespmem:s20+$0x10E30] =	vst v16  }
0xd4: {  	v14 =	vadd.s32 $0x4A38, v15;
	v9 =	vld.idx.msk [tilespmem:v9+s3+$0x0], $0xffff;
	[tilespmem:s20+$0x10E40] =	vst v10  }
0xd5: {  	v16 =	vadd.s32 $0x4A38, v25;
	v17 =	vld.idx.msk [tilespmem:v17+s3+$0x0], $0xffff;
	[tilespmem:s20+$0x10E50] =	vst v11  }
0xd6: {  	v6 =	vld.idx.msk [tilespmem:v6+s3+$0x0], $0xffff;
	[tilespmem:s20+$0x10F70] =	vst v8  }
0xd7: {  	v10 =	vadd.s32 $0x4A38, v0;
	v12 =	vld.idx.msk [tilespmem:v12+s3+$0x0], $0xffff;
	[tilespmem:s20+$0x10E60] =	vst v5  }
0xd8: {  	v5 =	vld.idx.msk [tilespmem:v7+s3+$0x0], $0xffff;
	[tilespmem:s20+$0x10E00] =	vst v13  }
0xd9: {  	v1 =	vadd.s32 $0x5DC0, v0;
	v11 =	vadd.s32 $0x4E20, v2;
	v13 =	vld.idx.msk [tilespmem:v14+s3+$0x0], $0xffff;
	[tilespmem:s20+$0x10E90] =	vst v9  }
0xda: {  	v8 =	vadd.s32 $0x4E20, v4;
	v9 =	vld.idx.msk [tilespmem:v16+s3+$0x0], $0xffff;
	[tilespmem:$0x1FF30] =	vst v1  }
0xdb: {  	v18 =	vadd.s32 $0x4E20, v23;
	v1 =	vadd.s32 $0x61A8, v0;
	[tilespmem:s20+$0x10EA0] =	vst v17  }
0xdc: {  	v20 =	vadd.s32 $0x5208, v0;
	v14 =	vadd.s32 $0x55F0, v48;
	v10 =	vld.idx.msk [tilespmem:v10+s3+$0x0], $0xffff;
	[tilespmem:$0x1FF40] =	vst v1  }
0xdd: {  	v22 =	vadd.s32 $0x55F0, v0;
	v47 =	vadd.s32 $0x59D8, v0;
	v16 =	vadd.s32 $0x4E20, v3;
	[tilespmem:s20+$0x10EB0] =	vst v6  }
0xde: {  	v43 =	vadd.s32 $0x6590, v0;
	v58 =	vadd.s32 $0x6978, v0;
	v17 =	vadd.s32 $0x4E20, v15;
	v11 =	vld.idx.msk [tilespmem:v11+s3+$0x0], $0xffff;
	[tilespmem:s20+$0x10EC0] =	vst v12  }
0xdf: {  	v41 =	vadd.s32 $0x6D60, v0;
	v40 =	vadd.s32 $0x7148, v0;
	v7 =	vadd.s32 $0x4E20, v0;
	v8 =	vld.idx.msk [tilespmem:v8+s3+$0x0], $0xffff;
	[tilespmem:s20+$0x10FF0] =	vst v5  }
0xe0: {  	v39 =	vadd.s32 $0x7530, v0;
	v38 =	vadd.s32 $0x7918, v0;
	v6 =	vadd.s32 $0x4E20, v25;
	[tilespmem:s20+$0x10ED0] =	vst v13;
	v0 =	vld.idx.msk [tilespmem:v18+s3+$0x0], $0xffff  }
0xe1: {  	v5 =	vadd.s32 $0x5208, v2;
	v24 =	vld.idx.msk [tilespmem:v14+s3+$0x0], $0xffff;
	[tilespmem:s20+$0x10EE0] =	vst v9  }
0xe2: {  	v12 =	vadd.s32 $0x5208, v4;
	v30 =	vld.idx.msk [tilespmem:v16+s3+$0x0], $0xffff;
	[tilespmem:s20+$0x10E80] =	vst v10  }
0xe3: {  	v32 =	vadd.s32 $0x59D8, v48;
	v10 =	vld.idx.msk [tilespmem:v17+s3+$0x0], $0xffff;
	[tilespmem:s20+$0x10F10] =	vst v11  }
0xe4: {  	v21 =	vadd.s32 $0x5208, v23;
	v7 =	vld.idx.msk [tilespmem:v7+s3+$0x0], $0xffff;
	[tilespmem:s20+$0x10F20] =	vst v8  }
0xe5: {  	v6 =	vld.idx.msk [tilespmem:v6+s3+$0x0], $0xffff;
	[tilespmem:s20+$0x10F30] =	vst v0  }
0xe6: {  	v27 =	vadd.s32 $0x5208, v3;
	v5 =	vld.idx.msk [tilespmem:v5+s3+$0x0], $0xffff;
	[tilespmem:s20+$0x11070] =	vst v24  }
0xe7: {  	v0 =	vld.idx.msk [tilespmem:v12+s3+$0x0], $0xffff;
	[tilespmem:s20+$0x10F40] =	vst v30  }
0xe8: {  	v1 =	vadd.s32 $0x6590, v2;
	v8 =	vld.idx.msk [tilespmem:v32+s3+$0x0], $0xffff;
	[tilespmem:s20+$0x10F50] =	vst v10  }
0xe9: {  	v21 =	vld.idx.msk [tilespmem:v21+s3+$0x0], $0xffff;
	[tilespmem:$0x1FF50] =	vst v1  }
0xea: {  	v28 =	vadd.s32 $0x5208, v15;
	v1 =	vadd.s32 $0x6590, v4;
	[tilespmem:s20+$0x10F60] =	vst v6  }
0xeb: {  	v10 =	vld.idx.msk [tilespmem:v27+s3+$0x0], $0xffff;
	[tilespmem:$0x1FF60] =	vst v1;
	v1 =	vadd.s32 $0x6590, v23  }
0xec: {  	[tilespmem:$0x1FF70] =	vst v1;
	v1 =	vadd.s32 $0x6590, v3  }
0xed: {  	[tilespmem:$0x1FF80] =	vst v1  }
0xee: {  	v29 =	vadd.s32 $0x5208, v25;
	v1 =	vadd.s32 $0x6978, v2;
	[tilespmem:s20+$0x10F00] =	vst v7  }
0xef: {  	v31 =	vadd.s32 $0x55F0, v4;
	v33 =	vadd.s32 $0x55F0, v23;
	v7 =	vld.idx.msk [tilespmem:v28+s3+$0x0], $0xffff;
	[tilespmem:$0x1FF90] =	vst v1;
	v1 =	vadd.s32 $0x6590, v15  }
0xf0: {  	v34 =	vadd.s32 $0x55F0, v3;
	v35 =	vadd.s32 $0x55F0, v15;
	[tilespmem:$0x1FFA0] =	vst v1;
	v1 =	vadd.s32 $0x6978, v4  }
0xf1: {  	v19 =	vadd.s32 $0x59D8, v4;
	v26 =	vadd.s32 $0x59D8, v23;
	v60 =	vadd.s32 $0x61A8, v4;
	[tilespmem:$0x1FFB0] =	vst v1  }
0xf2: {  	v61 =	vadd.s32 $0x61A8, v23;
	v59 =	vadd.s32 $0x61A8, v3;
	v1 =	vadd.s32 $0x6978, v23;
	[tilespmem:s20+$0x10F90] =	vst v5  }
0xf3: {  	v42 =	vadd.s32 $0x61A8, v15;
	v9 =	vadd.s32 $0x55F0, v2;
	v5 =	vld.idx.msk [tilespmem:v29+s3+$0x0], $0xffff;
	[tilespmem:$0x1FFC0] =	vst v1;
	v1 =	vadd.s32 $0x6978, v3  }
0xf4: {  	v46 =	vadd.s32 $0x6D60, v4;
	v57 =	vadd.s32 $0x6D60, v23;
	v56 =	vadd.s32 $0x6D60, v3;
	[tilespmem:$0x1FFD0] =	vst v1  }
0xf5: {  	v55 =	vadd.s32 $0x6D60, v15;
	v6 =	vadd.s32 $0x5DC0, v48;
	[tilespmem:s20+$0x10FA0] =	vst v0;
	v0 =	vadd.s32 $0x6978, v15  }
0xf6: {  	v53 =	vadd.s32 $0x7148, v4;
	v52 =	vadd.s32 $0x7148, v23;
	v51 =	vadd.s32 $0x7148, v15;
	v24 =	vld.idx.msk [tilespmem:v20+s3+$0x0], $0xffff;
	[tilespmem:$0x1FFE0] =	vst v0  }
0xf7: {  	v50 =	vadd.s32 $0x7530, v15;
	v36 =	vadd.s32 $0x59D8, v2;
	v62 =	vadd.s32 $0x61A8, v2;
	[tilespmem:s20+$0x110F0] =	vst v8  }
0xf8: {  	v54 =	vadd.s32 $0x6D60, v2;
	v45 =	vadd.s32 $0x7148, v2;
	v49 =	vadd.s32 $0x7530, v2;
	v9 =	vld.idx.msk [tilespmem:v9+s3+$0x0], $0xffff;
	[tilespmem:s20+$0x10FB0] =	vst v21  }
0xf9: {  	v37 =	vadd.s32 $0x55F0, v25;
	v44 =	vadd.s32 $0x59D8, v25;
	v63 =	vadd.s32 $0x6590, v25;
	v8 =	vld.idx.msk [tilespmem:v31+s3+$0x0], $0xffff;
	[tilespmem:s20+$0x10FC0] =	vst v10  }
0xfa: {  	v13 =	vadd.s32 $0x5DC0, v23;
	v18 =	vadd.s32 $0x59D8, v3;
	v16 =	vadd.s32 $0x5DC0, v2;
	[tilespmem:s20+$0x10FD0] =	vst v7;
	v6 =	vld.idx.msk [tilespmem:v6+s3+$0x0], $0xffff  }
0xfb: {  	v14 =	vadd.s32 $0x5DC0, v4;
	v17 =	vadd.s32 $0x59D8, v15;
	v7 =	vadd.s32 $0x61A8, v48;
	[tilespmem:s20+$0x10FE0] =	vst v5;
	v10 =	vld.idx.msk [tilespmem:v33+s3+$0x0], $0xffff  }
0xfc: {  	v11 =	vadd.s32 $0x5DC0, v15;
	v12 =	vadd.s32 $0x5DC0, v3;
	v30 =	vadd.s32 $0x7148, v3;
	v0 =	vld.idx.msk [tilespmem:v34+s3+$0x0], $0xffff;
	[tilespmem:s20+$0x10F80] =	vst v24  }
0xfd: {  	v32 =	vadd.s32 $0x7530, v23;
	v28 =	vadd.s32 $0x7530, v4;
	v21 =	vadd.s32 $0x7918, v4;
	v4 =	vld.idx.msk [tilespmem:v35+s3+$0x0], $0xffff;
	[tilespmem:s20+$0x11010] =	vst v9  }
0xfe: {  	v29 =	vadd.s32 $0x7530, v3;
	v31 =	vadd.s32 $0x7918, v23;
	v23 =	vadd.s32 $0x7918, v3;
	v3 =	vld.idx.msk [tilespmem:v37+s3+$0x0], $0xffff;
	[tilespmem:s20+$0x11020] =	vst v8  }
0xff: {  	v1 =	vadd.s32 $0x6978, v25;
	v20 =	vadd.s32 $0x7918, v2;
	v5 =	vadd.s32 $0x7918, v15;
	[tilespmem:s20+$0x11D70] =	vst v6;
	v6 =	vld.idx.msk [tilespmem:v22+s3+$0x0], $0xffff  }
0x100: {  	v15 =	vadd.s32 $0x61A8, v25;
	v37 =	vadd.s32 $0x5DC0, v25;
	v35 =	vadd.s32 $0x6D60, v25;
	v7 =	vld.idx.msk [tilespmem:v7+s3+$0x0], $0xffff;
	[tilespmem:$0x1FFF0] =	vst v1  }
0x101: {  	s21 =	simm.s32 $0x8;
	s19 =	sshll.u32 s17, $0x1;
	v34 =	vadd.s32 $0x7148, v25;
	v33 =	vadd.s32 $0x7530, v25;
	v25 =	vadd.s32 $0x7918, v25;
	[tilespmem:s20+$0x11030] =	vst v10;
	v8 =	vld.idx.msk [tilespmem:v36+s3+$0x0], $0xffff  }
.LBB2_3:
0x102: {  	v27 =	vld [tilespmem:$0x1FF20];
	_ =	sdelay $0x6  }
0x103: {  	s22 =	sshll.u32 s21, $0x7  }
0x104: {  	v2 =	vld.idx.msk [tilespmem:v27+s22+$0x0 ss:$0x1], $0xffff;
	_ =	sdelay $0x1  }
0x105: {  	[tilespmem:s20+$0x11050] =	vst v4  }
0x106: {  	[tilespmem:s20+$0x11040] =	vst v0  }
0x107: {  	[tilespmem:s20+$0x11060] =	vst v3  }
0x108: {  	[tilespmem:s20+$0x11000] =	vst v6;
	v1 =	vadd.s32 $0x2AF8, v2  }
0x109: {  	[tilespmem:$0x1FA20] =	vst v1;
	v1 =	vadd.s32 $0x2EE0, v2  }
0x10a: {  	[tilespmem:$0x1FAA0] =	vst v1;
	v1 =	vadd.s32 $0x32C8, v2  }
0x10b: {  	[tilespmem:$0x1FB10] =	vst v1;
	v1 =	vadd.s32 $0x36B0, v2  }
0x10c: {  	[tilespmem:$0x1FB80] =	vst v1;
	v1 =	vadd.s32 $0x3A98, v2  }
0x10d: {  	[tilespmem:$0x1FBF0] =	vst v1;
	v1 =	vadd.s32 $0x3E80, v2  }
0x10e: {  	[tilespmem:$0x1FC60] =	vst v1;
	v1 =	vadd.s32 $0x4268, v2  }
0x10f: {  	[tilespmem:$0x1FCD0] =	vst v1;
	v1 =	vadd.s32 $0x4650, v2  }
0x110: {  	[tilespmem:$0x1FD40] =	vst v1;
	v1 =	vadd.s32 $0x4A38, v2  }
0x111: {  	v9 =	vld.idx.msk [tilespmem:v19+s3+$0x0], $0xffff;
	[tilespmem:$0x1FDB0] =	vst v1;
	v1 =	vadd.s32 $0x4E20, v2  }
0x112: {  	v4 =	vld.idx.msk [tilespmem:v26+s3+$0x0], $0xffff;
	[tilespmem:$0x1FE20] =	vst v1;
	v1 =	vadd.s32 $0x5208, v2  }
0x113: {  	v3 =	vld.idx.msk [tilespmem:v18+s3+$0x0], $0xffff;
	[tilespmem:$0x1FE90] =	vst v1;
	v1 =	vadd.s32 $0x55F0, v2  }
0x114: {  	v6 =	vld.idx.msk [tilespmem:v17+s3+$0x0], $0xffff;
	[tilespmem:$0x1FF00] =	vst v1;
	v1 =	vadd.s32 $0x59D8, v2  }
0x115: {  	[tilespmem:$0x1F940] =	vst v1;
	v1 =	vld [tilespmem:$0x1FF30]  }
0x116: {  	v0 =	vadd.s32 $0x6590, v48;
	[tilespmem:s20+$0x110A0] =	vst v9;
	v9 =	vld.idx.msk [tilespmem:v47+s3+$0x0], $0xffff  }
0x117: {  	[tilespmem:s20+$0x11DF0] =	vst v7;
	v17 =	vld.idx.msk [tilespmem:v2+s3+$0x0], $0xffff  }
0x118: {  	[tilespmem:s20+$0x11090] =	vst v8;
	v14 =	vld.idx.msk [tilespmem:v14+s3+$0x0], $0xffff  }
0x119: {  	v8 =	vld.idx.msk [tilespmem:v44+s3+$0x0], $0xffff;
	[tilespmem:s20+$0x110B0] =	vst v4  }
0x11a: {  	v13 =	vld.idx.msk [tilespmem:v13+s3+$0x0], $0xffff;
	[tilespmem:s20+$0x110C0] =	vst v3;
	v18 =	vadd.s32 $0x3E8, v2  }
0x11b: {  	v7 =	vld.idx.msk [tilespmem:v0+s3+$0x0], $0xffff;
	[tilespmem:s20+$0x11080] =	vst v9  }
0x11c: {  	v19 =	vadd.s32 $0x5DC0, v2;
	v9 =	vld.idx.msk [tilespmem:v12+s3+$0x0], $0xffff;
	[tilespmem:s22+$0xED00] =	vst v17  }
0x11d: {  	[tilespmem:s20+$0x11D20] =	vst v14;
	v14 =	vld.idx.msk [tilespmem:v1+s3+$0x0], $0xffff;
	v1 =	vmov v19  }
0x11e: {  	[tilespmem:$0x1FF30] =	vst v1;
	v1 =	vld [tilespmem:$0x1FF40]  }
0x11f: {  	[tilespmem:s20+$0x110E0] =	vst v8;
	v17 =	vld.idx.msk [tilespmem:v18+s3+$0x0], $0xffff  }
0x120: {  	[tilespmem:s20+$0x11D30] =	vst v13;
	v13 =	vadd.s32 $0x7D0, v2  }
0x121: {  	[tilespmem:s20+$0x11D40] =	vst v9;
	v9 =	vld.idx.msk [tilespmem:v60+s3+$0x0], $0xffff  }
0x122: {  	[tilespmem:s20+$0x110D0] =	vst v6  }
0x123: {  	v10 =	vadd.s32 $0x6978, v48;
	v16 =	vld.idx.msk [tilespmem:v16+s3+$0x0], $0xffff;
	[tilespmem:s20+$0x11E70] =	vst v7  }
0x124: {  	v11 =	vld.idx.msk [tilespmem:v11+s3+$0x0], $0xffff;
	[tilespmem:s22+$0xED80] =	vst v17  }
0x125: {  	v22 =	vadd.s32 $0x61A8, v2;
	v13 =	vld.idx.msk [tilespmem:v13+s3+$0x0], $0xffff;
	[tilespmem:s20+$0x11D00] =	vst v14  }
0x126: {  	[tilespmem:s20+$0x11DA0] =	vst v9;
	v9 =	vld.idx.msk [tilespmem:v1+s3+$0x0], $0xffff;
	v1 =	vmov v22  }
0x127: {  	[tilespmem:$0x1FF40] =	vst v1;
	v1 =	vld [tilespmem:$0x1FF50]  }
0x128: {  	[tilespmem:s20+$0x11D10] =	vst v16;
	v8 =	vld.idx.msk [tilespmem:v10+s3+$0x0], $0xffff  }
0x129: {  	v12 =	vadd.s32 $0x6D60, v48;
	v18 =	vld.idx.msk [tilespmem:v62+s3+$0x0], $0xffff  }
0x12a: {  	[tilespmem:s20+$0x11D50] =	vst v11;
	v11 =	vld.idx.msk [tilespmem:v61+s3+$0x0], $0xffff;
	_ =	sdelay $0x2  }
0x12b: {  	v16 =	vld.idx.msk [tilespmem:v37+s3+$0x0], $0xffff;
	[tilespmem:s20+$0x11EF0] =	vst v8  }
0x12c: {  	v8 =	vld.idx.msk [tilespmem:v12+s3+$0x0], $0xffff;
	[tilespmem:s20+$0x11D90] =	vst v18  }
0x12d: {  	[tilespmem:s20+$0x11DB0] =	vst v11;
	v11 =	vld.idx.msk [tilespmem:v1+s3+$0x0], $0xffff  }
0x12e: {  	v1 =	vld [tilespmem:$0x1FF60]  }
0x12f: {  	v12 =	vadd.s32 $0x7148, v48  }
0x130: {  	[tilespmem:s20+$0x11D60] =	vst v16;
	v16 =	vld.idx.msk [tilespmem:v59+s3+$0x0], $0xffff;
	v17 =	vadd.s32 $0xBB8, v2;
	_ =	sdelay $0x2  }
0x131: {  	v15 =	vld.idx.msk [tilespmem:v15+s3+$0x0], $0xffff;
	[tilespmem:s20+$0x11F70] =	vst v8  }
0x132: {  	v8 =	vld.idx.msk [tilespmem:v12+s3+$0x0], $0xffff;
	[tilespmem:s22+$0xEE00] =	vst v13  }
0x133: {  	[tilespmem:s20+$0x11DC0] =	vst v16;
	v16 =	vld.idx.msk [tilespmem:v17+s3+$0x0], $0xffff  }
0x134: {  	v12 =	vadd.s32 $0x7530, v48;
	v13 =	vld.idx.msk [tilespmem:v1+s3+$0x0], $0xffff  }
0x135: {  	v1 =	vld [tilespmem:$0x1FF70]  }
0x136: {  	[tilespmem:s20+$0x11DE0] =	vst v15;
	v15 =	vadd.s32 $0xFA0, v2  }
0x137: {  	[tilespmem:s20+$0x11FF0] =	vst v8  }
0x138: {  	v14 =	vld.idx.msk [tilespmem:v42+s3+$0x0], $0xffff;
	[tilespmem:s20+$0x11D80] =	vst v9  }
0x139: {  	v8 =	vld.idx.msk [tilespmem:v12+s3+$0x0], $0xffff;
	[tilespmem:s22+$0xEE80] =	vst v16  }
0x13a: {  	v10 =	vadd.s32 $0x6590, v2;
	v12 =	vld.idx.msk [tilespmem:v43+s3+$0x0], $0xffff  }
0x13b: {  	[tilespmem:s20+$0x11E20] =	vst v13;
	v13 =	vmov v10;
	v10 =	vld.idx.msk [tilespmem:v15+s3+$0x0], $0xffff  }
0x13c: {  	v15 =	vld [tilespmem:$0x1FFB0]  }
0x13d: {  	[tilespmem:s20+$0x11DD0] =	vst v14;
	v14 =	vld.idx.msk [tilespmem:v1+s3+$0x0], $0xffff  }
0x13e: {  	v1 =	vld [tilespmem:$0x1FF80];
	_ =	sdelay $0x1  }
0x13f: {  	[tilespmem:s20+$0x12070] =	vst v8;
	v8 =	vld [tilespmem:$0x1FFC0];
	_ =	sdelay $0x1  }
0x140: {  	[tilespmem:s20+$0x11E10] =	vst v11;
	v11 =	vld.idx.msk [tilespmem:v63+s3+$0x0], $0xffff  }
0x141: {  	[tilespmem:s20+$0x11E00] =	vst v12;
	v12 =	vld [tilespmem:$0x1FFF0]  }
0x142: {  	[tilespmem:$0x1FA90] =	vst v13;
	v13 =	vld [tilespmem:$0x1FF90]  }
0x143: {  	v15 =	vld.idx.msk [tilespmem:v15+s3+$0x0], $0xffff  }
0x144: {  	v17 =	vld.idx.msk [tilespmem:v1+s3+$0x0], $0xffff  }
0x145: {  	[tilespmem:s20+$0x11E30] =	vst v14;
	v1 =	vld [tilespmem:$0x1FFA0]  }
0x146: {  	v8 =	vld.idx.msk [tilespmem:v8+s3+$0x0], $0xffff;
	_ =	sdelay $0x2  }
0x147: {  	[tilespmem:s20+$0x11E60] =	vst v11  }
0x148: {  	v14 =	vadd.s32 $0x1388, v2;
	v13 =	vld.idx.msk [tilespmem:v13+s3+$0x0], $0xffff;
	[tilespmem:s20+$0x11EA0] =	vst v15  }
0x149: {  	[tilespmem:s20+$0x11EB0] =	vst v8;
	v8 =	vld.idx.msk [tilespmem:v46+s3+$0x0], $0xffff  }
0x14a: {  	v12 =	vld.idx.msk [tilespmem:v12+s3+$0x0], $0xffff  }
0x14b: {  	v9 =	vld.idx.msk [tilespmem:v1+s3+$0x0], $0xffff;
	v1 =	vadd.s32 $0x7918, v48  }
0x14c: {  	[tilespmem:s22+$0xEF00] =	vst v10;
	v10 =	vld [tilespmem:$0x1FFE0]  }
0x14d: {  	v7 =	vadd.s32 $0x6D60, v2;
	v11 =	vld.idx.msk [tilespmem:v14+s3+$0x0], $0xffff;
	[tilespmem:s20+$0x11E90] =	vst v13  }
0x14e: {  	v14 =	vld.idx.msk [tilespmem:v58+s3+$0x0], $0xffff;
	v13 =	vadd.s32 $0x1770, v2;
	[tilespmem:s20+$0x11F20] =	vst v8;
	v8 =	vmov v7  }
0x14f: {  	[tilespmem:$0x1F960] =	vst v8;
	v8 =	vld.idx.msk [tilespmem:v53+s3+$0x0], $0xffff  }
0x150: {  	[tilespmem:s20+$0x11EE0] =	vst v12;
	v1 =	vld.idx.msk [tilespmem:v1+s3+$0x0], $0xffff  }
0x151: {  	[tilespmem:s20+$0x11E50] =	vst v9;
	v9 =	vld [tilespmem:$0x1FFD0]  }
0x152: {  	[tilespmem:s22+$0xEF80] =	vst v11  }
0x153: {  	v6 =	vadd.s32 $0x7148, v2;
	v11 =	vld.idx.msk [tilespmem:v13+s3+$0x0], $0xffff;
	[tilespmem:s20+$0x11E80] =	vst v14  }
0x154: {  	v10 =	vld.idx.msk [tilespmem:v10+s3+$0x0], $0xffff;
	[tilespmem:s20+$0x11FA0] =	vst v8;
	v8 =	vmov v6  }
0x155: {  	v24 =	vadd.s32 $0x6978, v2;
	[tilespmem:$0x1F9D0] =	vst v8;
	v8 =	vld.idx.msk [tilespmem:v28+s3+$0x0], $0xffff  }
0x156: {  	v14 =	vld.idx.msk [tilespmem:v41+s3+$0x0], $0xffff;
	[tilespmem:s20+$0x120F0] =	vst v1;
	v1 =	vmov v24  }
0x157: {  	[tilespmem:$0x1FA70] =	vst v1;
	v1 =	vld.idx.msk [tilespmem:v54+s3+$0x0], $0xffff  }
0x158: {  	[tilespmem:s20+$0x11E40] =	vst v17;
	v48 =	vld.idx.msk [tilespmem:v27+s22+$0x70 ss:$0x1], $0xffff  }
0x159: {  	[tilespmem:s20+$0x11ED0] =	vst v10;
	v9 =	vld.idx.msk [tilespmem:v9+s3+$0x0], $0xffff  }
0x15a: {  	v4 =	vadd.s32 $0x7530, v2;
	v12 =	vld.idx.msk [tilespmem:v55+s3+$0x0], $0xffff;
	[tilespmem:s20+$0x12020] =	vst v8  }
0x15b: {  	[tilespmem:s22+$0xF000] =	vst v11;
	v8 =	vmov v4;
	v4 =	vld.idx.msk [tilespmem:v21+s3+$0x0], $0xffff  }
0x15c: {  	[tilespmem:s20+$0x11F10] =	vst v1;
	v1 =	vld.idx.msk [tilespmem:v35+s3+$0x0], $0xffff  }
0x15d: {  	[tilespmem:$0x1F9A0] =	vst v8;
	v7 =	vld.idx.msk [tilespmem:v45+s3+$0x0], $0xffff  }
0x15e: {  	[tilespmem:s20+$0x11EC0] =	vst v9;
	v9 =	vld.idx.msk [tilespmem:v57+s3+$0x0], $0xffff  }
0x15f: {  	v13 =	vadd.s32 $0x1B58, v2;
	[tilespmem:s20+$0x11F50] =	vst v12;
	v10 =	vld.idx.msk [tilespmem:v56+s3+$0x0], $0xffff  }
0x160: {  	v12 =	vld.idx.msk [tilespmem:v51+s3+$0x0], $0xffff;
	[tilespmem:s20+$0x120A0] =	vst v4  }
0x161: {  	v21 =	vld.idx.msk [tilespmem:v27+s22+$0x20 ss:$0x1], $0xffff;
	[tilespmem:s20+$0x11F60] =	vst v1  }
0x162: {  	[tilespmem:s20+$0x11F90] =	vst v7;
	v7 =	vld.idx.msk [tilespmem:v34+s3+$0x0], $0xffff  }
0x163: {  	[tilespmem:s20+$0x11F30] =	vst v9;
	v6 =	vld.idx.msk [tilespmem:v49+s3+$0x0], $0xffff  }
0x164: {  	[tilespmem:s20+$0x11F40] =	vst v10;
	v10 =	vld.idx.msk [tilespmem:v13+s3+$0x0], $0xffff  }
0x165: {  	v1 =	vadd.s32 $0x1F40, v2;
	[tilespmem:s20+$0x11FD0] =	vst v12;
	v9 =	vld.idx.msk [tilespmem:v52+s3+$0x0], $0xffff  }
0x166: {  	[tilespmem:s20+$0x11F00] =	vst v14;
	v11 =	vld.idx.msk [tilespmem:v30+s3+$0x0], $0xffff  }
0x167: {  	[tilespmem:s20+$0x11FE0] =	vst v7;
	v7 =	vld.idx.msk [tilespmem:v50+s3+$0x0], $0xffff  }
0x168: {  	v13 =	vld.idx.msk [tilespmem:v40+s3+$0x0], $0xffff;
	[tilespmem:s20+$0x12010] =	vst v6  }
0x169: {  	v6 =	vld.idx.msk [tilespmem:v33+s3+$0x0], $0xffff;
	[tilespmem:s22+$0xF080] =	vst v10  }
0x16a: {  	[tilespmem:s20+$0x11FB0] =	vst v9;
	v1 =	vld.idx.msk [tilespmem:v1+s3+$0x0], $0xffff  }
0x16b: {  	v0 =	vadd.s32 $0x2710, v2;
	v3 =	vadd.s32 $0x7918, v2;
	v2 =	vadd.s32 $0x2328, v2;
	[tilespmem:s20+$0x11FC0] =	vst v11;
	v9 =	vld.idx.msk [tilespmem:v32+s3+$0x0], $0xffff  }
0x16c: {  	v10 =	vld.idx.msk [tilespmem:v29+s3+$0x0], $0xffff;
	[tilespmem:s20+$0x12050] =	vst v7  }
0x16d: {  	[tilespmem:s20+$0x11F80] =	vst v13;
	v5 =	vld.idx.msk [tilespmem:v5+s3+$0x0], $0xffff  }
0x16e: {  	v11 =	vld.idx.msk [tilespmem:v39+s3+$0x0], $0xffff;
	[tilespmem:s20+$0x12060] =	vst v6  }
0x16f: {  	[tilespmem:s22+$0xFD00] =	vst v1;
	v1 =	vld.idx.msk [tilespmem:v20+s3+$0x0], $0xffff  }
0x170: {  	[tilespmem:s20+$0x12030] =	vst v9;
	v2 =	vld.idx.msk [tilespmem:v2+s3+$0x0], $0xffff  }
0x171: {  	[tilespmem:s20+$0x12040] =	vst v10;
	v8 =	vld.idx.msk [tilespmem:v31+s3+$0x0], $0xffff  }
0x172: {  	v7 =	vld.idx.msk [tilespmem:v23+s3+$0x0], $0xffff;
	[tilespmem:s20+$0x120D0] =	vst v5  }
0x173: {  	[tilespmem:s20+$0x12000] =	vst v11;
	v5 =	vld.idx.msk [tilespmem:v27+s22+$0x50 ss:$0x1], $0xffff  }
0x174: {  	v6 =	vld.idx.msk [tilespmem:v25+s3+$0x0], $0xffff;
	[tilespmem:s20+$0x12090] =	vst v1  }
0x175: {  	[tilespmem:s22+$0xFD80] =	vst v2;
	v20 =	vld.idx.msk [tilespmem:v27+s22+$0x10 ss:$0x1], $0xffff  }
0x176: {  	v2 =	vld.idx.msk [tilespmem:v38+s3+$0x0], $0xffff  }
0x177: {  	v11 =	vld.idx.msk [tilespmem:v48+s3+$0x0], $0xffff;
	[tilespmem:s20+$0x120B0] =	vst v8  }
0x178: {  	[tilespmem:s20+$0x120C0] =	vst v7;
	v25 =	vld.idx.msk [tilespmem:v27+s22+$0x30 ss:$0x1], $0xffff  }
0x179: {  	v23 =	vld.idx.msk [tilespmem:v27+s22+$0x40 ss:$0x1], $0xffff  }
0x17a: {  	v16 =	vadd.s32 $0x3E8, v48;
	v14 =	vld.idx.msk [tilespmem:v21+s3+$0x0], $0xffff;
	[tilespmem:s20+$0x120E0] =	vst v6  }
0x17b: {  	[tilespmem:s20+$0x12080] =	vst v2;
	s20 =	smov.u32 s22;
	v30 =	vld.idx.msk [tilespmem:v5+s3+$0x0], $0xffff  }
0x17c: {  	v4 =	vld.idx.msk [tilespmem:v27+s20+$0x60 ss:$0x1], $0xffff  }
0x17d: {  	v9 =	vadd.s32 $0x3E8, v21;
	v2 =	vld.idx.msk [tilespmem:v0+s3+$0x0], $0xffff  }
0x17e: {  	v1 =	vmov v3;
	v27 =	vadd.s32 $0x3E8, v5;
	[tilespmem:s20+$0xED70] =	vst v11;
	v12 =	vld.idx.msk [tilespmem:v20+s3+$0x0], $0xffff  }
0x17f: {  	[tilespmem:$0x1F980] =	vst v1;
	v3 =	vadd.s32 $0x3E8, v20;
	v1 =	vadd.s32 $0x2328, v20;
	v36 =	vld.idx.msk [tilespmem:v16+s3+$0x0], $0xffff  }
0x180: {  	[tilespmem:$0x1F950] =	vst v1;
	v17 =	vld.idx.msk [tilespmem:v25+s3+$0x0], $0xffff  }
0x181: {  	v13 =	vadd.s32 $0x3E8, v25;
	[tilespmem:s20+$0xED20] =	vst v14;
	v28 =	vld.idx.msk [tilespmem:v23+s3+$0x0], $0xffff  }
0x182: {  	v15 =	vadd.s32 $0x3E8, v23;
	v38 =	vld.idx.msk [tilespmem:v9+s3+$0x0], $0xffff;
	[tilespmem:s20+$0xED50] =	vst v30  }
0x183: {  	v9 =	vadd.s32 $0x7D0, v48;
	v27 =	vld.idx.msk [tilespmem:v27+s3+$0x0], $0xffff;
	[tilespmem:s20+$0xED10] =	vst v12  }
0x184: {  	v10 =	vadd.s32 $0x7D0, v21;
	[tilespmem:s20+$0xFE00] =	vst v2;
	v3 =	vld.idx.msk [tilespmem:v3+s3+$0x0], $0xffff  }
0x185: {  	v7 =	vadd.s32 $0x7D0, v20;
	[tilespmem:s20+$0xED30] =	vst v17;
	v31 =	vld.idx.msk [tilespmem:v4+s3+$0x0], $0xffff  }
0x186: {  	v29 =	vadd.s32 $0x3E8, v4;
	v39 =	vld.idx.msk [tilespmem:v13+s3+$0x0], $0xffff;
	[tilespmem:s20+$0xED40] =	vst v28  }
0x187: {  	[tilespmem:s20+$0xEDF0] =	vst v36;
	v28 =	vld.idx.msk [tilespmem:v15+s3+$0x0], $0xffff  }
0x188: {  	[tilespmem:s20+$0xEDA0] =	vst v38;
	v36 =	vld.idx.msk [tilespmem:v9+s3+$0x0], $0xffff  }
0x189: {  	v1 =	vld.idx.msk [tilespmem:v10+s3+$0x0], $0xffff;
	[tilespmem:s20+$0xED90] =	vst v3  }
0x18a: {  	[tilespmem:s20+$0xED60] =	vst v31;
	v0 =	vld.idx.msk [tilespmem:v7+s3+$0x0], $0xffff  }
0x18b: {  	v47 =	vld.idx.msk [tilespmem:v29+s3+$0x0], $0xffff;
	[tilespmem:s20+$0xEDB0] =	vst v39  }
0x18c: {  	v2 =	vadd.s32 $0x2710, v20;
	[tilespmem:s20+$0xEDC0] =	vst v28  }
0x18d: {  	[tilespmem:$0x1F970] =	vst v2  }
0x18e: {  	[tilespmem:s20+$0xEDD0] =	vst v27  }
0x18f: {  	[tilespmem:s20+$0xEE70] =	vst v36  }
0x190: {  	v2 =	vadd.s32 $0x2710, v21;
	[tilespmem:s20+$0xEE20] =	vst v1  }
0x191: {  	v28 =	vadd.s32 $0x2AF8, v20;
	[tilespmem:$0x1F990] =	vst v2  }
0x192: {  	v1 =	vadd.s32 $0x2EE0, v21;
	[tilespmem:$0x1F9C0] =	vst v28  }
0x193: {  	v2 =	vadd.s32 $0x2710, v25;
	[tilespmem:$0x1FA40] =	vst v1  }
0x194: {  	v22 =	vadd.s32 $0x7D0, v25;
	v28 =	vadd.s32 $0x2AF8, v21;
	[tilespmem:$0x1F9B0] =	vst v2  }
0x195: {  	v1 =	vadd.s32 $0x2EE0, v25;
	[tilespmem:$0x1F9E0] =	vst v28  }
0x196: {  	v24 =	vadd.s32 $0x7D0, v23;
	[tilespmem:$0x1FA50] =	vst v1;
	v1 =	vadd.s32 $0x2EE0, v23  }
0x197: {  	v41 =	vadd.s32 $0xBB8, v48;
	[tilespmem:$0x1FA60] =	vst v1  }
0x198: {  	v8 =	vadd.s32 $0xBB8, v21;
	v1 =	vadd.s32 $0x2EE0, v5;
	[tilespmem:s20+$0xEE10] =	vst v0  }
0x199: {  	v42 =	vld.idx.msk [tilespmem:v22+s3+$0x0], $0xffff;
	[tilespmem:$0x1FA80] =	vst v1  }
0x19a: {  	v34 =	vadd.s32 $0x7D0, v5;
	v0 =	vadd.s32 $0x2AF8, v5;
	[tilespmem:s20+$0xEDE0] =	vst v47  }
0x19b: {  	v43 =	vld.idx.msk [tilespmem:v24+s3+$0x0], $0xffff;
	v1 =	vadd.s32 $0x32C8, v20;
	[tilespmem:$0x1FA00] =	vst v0  }
0x19c: {  	v41 =	vld.idx.msk [tilespmem:v41+s3+$0x0], $0xffff;
	v0 =	vadd.s32 $0x2AF8, v4;
	[tilespmem:$0x1FAB0] =	vst v1  }
0x19d: {  	v8 =	vld.idx.msk [tilespmem:v8+s3+$0x0], $0xffff;
	[tilespmem:$0x1FA10] =	vst v0  }
0x19e: {  	v1 =	vadd.s32 $0x32C8, v21;
	[tilespmem:s20+$0xEE30] =	vst v42  }
0x19f: {  	v35 =	vadd.s32 $0x7D0, v4;
	v2 =	vld.idx.msk [tilespmem:v34+s3+$0x0], $0xffff;
	[tilespmem:$0x1FAC0] =	vst v1  }
0x1a0: {  	v33 =	vadd.s32 $0xBB8, v20;
	[tilespmem:s20+$0xEE40] =	vst v43  }
0x1a1: {  	[tilespmem:s20+$0xEEF0] =	vst v41  }
0x1a2: {  	v1 =	vadd.s32 $0x32C8, v25;
	[tilespmem:s20+$0xEEA0] =	vst v8  }
0x1a3: {  	v19 =	vadd.s32 $0xBB8, v25;
	[tilespmem:$0x1FAD0] =	vst v1  }
0x1a4: {  	v6 =	vadd.s32 $0xBB8, v23;
	v49 =	vld.idx.msk [tilespmem:v35+s3+$0x0], $0xffff;
	v1 =	vadd.s32 $0x32C8, v23;
	[tilespmem:s20+$0xEE50] =	vst v2  }
0x1a5: {  	v61 =	vadd.s32 $0xFA0, v21;
	v0 =	vld.idx.msk [tilespmem:v33+s3+$0x0], $0xffff;
	[tilespmem:$0x1FAE0] =	vst v1;
	v1 =	vadd.s32 $0x32C8, v5  }
0x1a6: {  	[tilespmem:$0x1FAF0] =	vst v1;
	v1 =	vadd.s32 $0x36B0, v20  }
0x1a7: {  	[tilespmem:$0x1FB20] =	vst v1;
	v1 =	vadd.s32 $0x36B0, v21  }
0x1a8: {  	v63 =	vadd.s32 $0xBB8, v5;
	v19 =	vld.idx.msk [tilespmem:v19+s3+$0x0], $0xffff;
	[tilespmem:$0x1FB30] =	vst v1  }
0x1a9: {  	v6 =	vld.idx.msk [tilespmem:v6+s3+$0x0], $0xffff;
	[tilespmem:s20+$0xEE60] =	vst v49  }
0x1aa: {  	v8 =	vld.idx.msk [tilespmem:v61+s3+$0x0], $0xffff;
	v1 =	vadd.s32 $0x32C8, v4;
	[tilespmem:s20+$0xEE90] =	vst v0  }
0x1ab: {  	v0 =	vadd.s32 $0x3A98, v20;
	[tilespmem:$0x1FB00] =	vst v1  }
0x1ac: {  	[tilespmem:$0x1FB90] =	vst v0  }
0x1ad: {  	v2 =	vld.idx.msk [tilespmem:v63+s3+$0x0], $0xffff;
	[tilespmem:s20+$0xEEB0] =	vst v19  }
0x1ae: {  	v18 =	vadd.s32 $0xBB8, v4;
	[tilespmem:s20+$0xEEC0] =	vst v6  }
0x1af: {  	v62 =	vadd.s32 $0xFA0, v20;
	v1 =	vadd.s32 $0x36B0, v25;
	[tilespmem:s20+$0xEF20] =	vst v8  }
0x1b0: {  	v0 =	vadd.s32 $0x3A98, v21;
	[tilespmem:$0x1FB40] =	vst v1  }
0x1b1: {  	v60 =	vadd.s32 $0xFA0, v25;
	[tilespmem:$0x1FBA0] =	vst v0  }
0x1b2: {  	v59 =	vadd.s32 $0xFA0, v23;
	v1 =	vadd.s32 $0x36B0, v23;
	[tilespmem:s20+$0xEED0] =	vst v2  }
0x1b3: {  	v26 =	vadd.s32 $0x1388, v21;
	v18 =	vld.idx.msk [tilespmem:v18+s3+$0x0], $0xffff;
	v0 =	vadd.s32 $0x36B0, v4;
	[tilespmem:$0x1FB50] =	vst v1  }
0x1b4: {  	v35 =	vld.idx.msk [tilespmem:v62+s3+$0x0], $0xffff;
	v1 =	vadd.s32 $0x36B0, v5;
	[tilespmem:$0x1FB70] =	vst v0  }
0x1b5: {  	v34 =	vadd.s32 $0xFA0, v48;
	[tilespmem:$0x1FB60] =	vst v1;
	v1 =	vadd.s32 $0x3A98, v25  }
0x1b6: {  	v57 =	vadd.s32 $0xFA0, v5;
	v49 =	vld.idx.msk [tilespmem:v60+s3+$0x0], $0xffff;
	[tilespmem:$0x1FBB0] =	vst v1;
	v1 =	vadd.s32 $0x3A98, v23  }
0x1b7: {  	v6 =	vld.idx.msk [tilespmem:v59+s3+$0x0], $0xffff;
	[tilespmem:$0x1FBC0] =	vst v1  }
0x1b8: {  	v8 =	vld.idx.msk [tilespmem:v26+s3+$0x0], $0xffff;
	[tilespmem:s20+$0xEEE0] =	vst v18  }
0x1b9: {  	v1 =	vadd.s32 $0x3A98, v5;
	[tilespmem:s20+$0xEF10] =	vst v35  }
0x1ba: {  	v0 =	vld.idx.msk [tilespmem:v34+s3+$0x0], $0xffff;
	[tilespmem:$0x1FBD0] =	vst v1  }
0x1bb: {  	v2 =	vld.idx.msk [tilespmem:v57+s3+$0x0], $0xffff;
	[tilespmem:s20+$0xEF30] =	vst v49  }
0x1bc: {  	[tilespmem:s20+$0xEF40] =	vst v6  }
0x1bd: {  	v1 =	vadd.s32 $0x3E80, v20;
	[tilespmem:s20+$0xEFA0] =	vst v8  }
0x1be: {  	v58 =	vadd.s32 $0xFA0, v4;
	[tilespmem:$0x1FC00] =	vst v1  }
0x1bf: {  	[tilespmem:s20+$0xEF70] =	vst v0  }
0x1c0: {  	v44 =	vadd.s32 $0x1388, v25;
	v1 =	vadd.s32 $0x3A98, v4;
	[tilespmem:s20+$0xEF50] =	vst v2  }
0x1c1: {  	v11 =	vadd.s32 $0x1388, v23;
	v0 =	vadd.s32 $0x4650, v21;
	[tilespmem:$0x1FBE0] =	vst v1  }
0x1c2: {  	v1 =	vadd.s32 $0x3E80, v21;
	[tilespmem:$0x1FCF0] =	vst v0  }
0x1c3: {  	v12 =	vadd.s32 $0x1388, v5;
	v18 =	vld.idx.msk [tilespmem:v58+s3+$0x0], $0xffff;
	v0 =	vadd.s32 $0x4650, v25;
	[tilespmem:$0x1FC10] =	vst v1  }
0x1c4: {  	v1 =	vadd.s32 $0x3E80, v25;
	[tilespmem:$0x1FD00] =	vst v0  }
0x1c5: {  	v57 =	vld.idx.msk [tilespmem:v44+s3+$0x0], $0xffff;
	v0 =	vadd.s32 $0x4650, v23;
	[tilespmem:$0x1FC20] =	vst v1  }
0x1c6: {  	v19 =	vadd.s32 $0x1388, v48;
	v6 =	vld.idx.msk [tilespmem:v11+s3+$0x0], $0xffff;
	v1 =	vadd.s32 $0x3E80, v23;
	[tilespmem:$0x1FD10] =	vst v0  }
0x1c7: {  	v55 =	vadd.s32 $0x1388, v20;
	[tilespmem:$0x1FC30] =	vst v1  }
0x1c8: {  	v2 =	vld.idx.msk [tilespmem:v12+s3+$0x0], $0xffff;
	v1 =	vadd.s32 $0x4268, v20;
	[tilespmem:s20+$0xEF60] =	vst v18  }
0x1c9: {  	[tilespmem:$0x1FC70] =	vst v1  }
0x1ca: {  	[tilespmem:s20+$0xEFB0] =	vst v57  }
0x1cb: {  	v0 =	vld.idx.msk [tilespmem:v19+s3+$0x0], $0xffff;
	v1 =	vadd.s32 $0x3E80, v5;
	[tilespmem:s20+$0xEFC0] =	vst v6  }
0x1cc: {  	v17 =	vadd.s32 $0x1388, v4;
	v19 =	vld.idx.msk [tilespmem:v55+s3+$0x0], $0xffff;
	[tilespmem:$0x1FC40] =	vst v1  }
0x1cd: {  	v1 =	vadd.s32 $0x3E80, v4;
	[tilespmem:s20+$0xEFD0] =	vst v2  }
0x1ce: {  	[tilespmem:$0x1FC50] =	vst v1;
	v1 =	vadd.s32 $0x4268, v21  }
0x1cf: {  	v13 =	vadd.s32 $0x1770, v25;
	[tilespmem:$0x1FC80] =	vst v1  }
0x1d0: {  	[tilespmem:s20+$0xEFF0] =	vst v0  }
0x1d1: {  	v15 =	vadd.s32 $0x1770, v5;
	v11 =	vld.idx.msk [tilespmem:v17+s3+$0x0], $0xffff;
	v1 =	vadd.s32 $0x4268, v25;
	[tilespmem:s20+$0xEF90] =	vst v19  }
0x1d2: {  	v0 =	vadd.s32 $0x5208, v23;
	[tilespmem:$0x1FC90] =	vst v1  }
0x1d3: {  	v1 =	vadd.s32 $0x4268, v23;
	[tilespmem:$0x1FE60] =	vst v0  }
0x1d4: {  	v14 =	vadd.s32 $0x1770, v20;
	v55 =	vld.idx.msk [tilespmem:v13+s3+$0x0], $0xffff;
	v0 =	vadd.s32 $0x5208, v5;
	[tilespmem:$0x1FCA0] =	vst v1  }
0x1d5: {  	[tilespmem:$0x1FE70] =	vst v0  }
0x1d6: {  	v2 =	vld.idx.msk [tilespmem:v15+s3+$0x0], $0xffff;
	v1 =	vadd.s32 $0x4650, v20;
	[tilespmem:s20+$0xEFE0] =	vst v11  }
0x1d7: {  	v37 =	vadd.s32 $0x1770, v4;
	v0 =	vadd.s32 $0x5208, v4;
	[tilespmem:$0x1FCE0] =	vst v1  }
0x1d8: {  	[tilespmem:$0x1FE80] =	vst v0  }
0x1d9: {  	v58 =	vld.idx.msk [tilespmem:v14+s3+$0x0], $0xffff;
	v1 =	vadd.s32 $0x4268, v5;
	[tilespmem:s20+$0xF030] =	vst v55  }
0x1da: {  	v31 =	vadd.s32 $0x1B58, v5;
	[tilespmem:$0x1FCB0] =	vst v1  }
0x1db: {  	v1 =	vadd.s32 $0x4268, v4;
	[tilespmem:s20+$0xF050] =	vst v2  }
0x1dc: {  	v49 =	vld.idx.msk [tilespmem:v37+s3+$0x0], $0xffff;
	[tilespmem:$0x1FCC0] =	vst v1;
	v1 =	vadd.s32 $0x4A38, v20  }
0x1dd: {  	v54 =	vadd.s32 $0x1B58, v20;
	[tilespmem:$0x1FD50] =	vst v1  }
0x1de: {  	v1 =	vadd.s32 $0x4650, v5;
	[tilespmem:s20+$0xF010] =	vst v58  }
0x1df: {  	v2 =	vld.idx.msk [tilespmem:v31+s3+$0x0], $0xffff;
	[tilespmem:$0x1FD20] =	vst v1;
	v1 =	vadd.s32 $0x4650, v4  }
0x1e0: {  	v56 =	vadd.s32 $0x1B58, v4;
	[tilespmem:$0x1FD30] =	vst v1  }
0x1e1: {  	v1 =	vadd.s32 $0x4A38, v21;
	[tilespmem:s20+$0xF060] =	vst v49  }
0x1e2: {  	v54 =	vld.idx.msk [tilespmem:v54+s3+$0x0], $0xffff;
	[tilespmem:$0x1FD60] =	vst v1;
	v1 =	vadd.s32 $0x4A38, v25  }
0x1e3: {  	[tilespmem:$0x1FD70] =	vst v1  }
0x1e4: {  	v1 =	vadd.s32 $0x4A38, v23;
	[tilespmem:s20+$0xF0D0] =	vst v2  }
0x1e5: {  	v31 =	vld.idx.msk [tilespmem:v56+s3+$0x0], $0xffff;
	[tilespmem:$0x1FD80] =	vst v1;
	v1 =	vadd.s32 $0x4A38, v5  }
0x1e6: {  	[tilespmem:$0x1FD90] =	vst v1  }
0x1e7: {  	v1 =	vadd.s32 $0x4A38, v4;
	[tilespmem:s20+$0xF090] =	vst v54  }
0x1e8: {  	[tilespmem:$0x1FDA0] =	vst v1;
	v1 =	vadd.s32 $0x4E20, v20  }
0x1e9: {  	[tilespmem:$0x1FDC0] =	vst v1  }
0x1ea: {  	v1 =	vadd.s32 $0x4E20, v21;
	[tilespmem:s20+$0xF0E0] =	vst v31  }
0x1eb: {  	[tilespmem:$0x1FDD0] =	vst v1;
	v1 =	vadd.s32 $0x4E20, v25  }
0x1ec: {  	[tilespmem:$0x1FDE0] =	vst v1;
	v1 =	vadd.s32 $0x4E20, v23  }
0x1ed: {  	[tilespmem:$0x1FDF0] =	vst v1;
	v1 =	vadd.s32 $0x4E20, v5  }
0x1ee: {  	[tilespmem:$0x1FE00] =	vst v1;
	v1 =	vadd.s32 $0x4E20, v4  }
0x1ef: {  	[tilespmem:$0x1FE10] =	vst v1;
	v1 =	vadd.s32 $0x5208, v20  }
0x1f0: {  	[tilespmem:$0x1FE30] =	vst v1;
	v1 =	vadd.s32 $0x5208, v21  }
0x1f1: {  	[tilespmem:$0x1FE40] =	vst v1;
	v1 =	vadd.s32 $0x5208, v25  }
0x1f2: {  	[tilespmem:$0x1FE50] =	vst v1;
	v1 =	vadd.s32 $0x55F0, v20  }
0x1f3: {  	[tilespmem:$0x1FEA0] =	vst v1;
	v1 =	vadd.s32 $0x55F0, v21  }
0x1f4: {  	[tilespmem:$0x1FEB0] =	vst v1;
	v1 =	vadd.s32 $0x55F0, v25  }
0x1f5: {  	v52 =	vadd.s32 $0x1F40, v20;
	[tilespmem:$0x1FEC0] =	vst v1;
	v1 =	vadd.s32 $0x55F0, v23  }
0x1f6: {  	v53 =	vadd.s32 $0x1B58, v25;
	v51 =	vadd.s32 $0x1F40, v25;
	[tilespmem:$0x1FED0] =	vst v1;
	v1 =	vadd.s32 $0x55F0, v5  }
0x1f7: {  	v32 =	vadd.s32 $0x1770, v23;
	v16 =	vadd.s32 $0x1770, v21;
	[tilespmem:$0x1FEE0] =	vst v1;
	v1 =	vadd.s32 $0x59D8, v20  }
0x1f8: {  	v30 =	vadd.s32 $0x1B58, v21;
	v40 =	vadd.s32 $0x2710, v4;
	[tilespmem:$0x1FF10] =	vst v1;
	v1 =	vadd.s32 $0x55F0, v4  }
0x1f9: {  	v38 =	vadd.s32 $0x2328, v25;
	v7 =	vadd.s32 $0x1F40, v4;
	[tilespmem:$0x1FEF0] =	vst v1;
	v1 =	vadd.s32 $0x6590, v20  }
0x1fa: {  	v29 =	vadd.s32 $0x1F40, v5;
	v26 =	vadd.s32 $0x1770, v48;
	[tilespmem:$0x1FF50] =	vst v1;
	v1 =	vadd.s32 $0x6590, v21  }
0x1fb: {  	v39 =	vadd.s32 $0x2328, v4;
	v28 =	vadd.s32 $0x2AF8, v25;
	[tilespmem:$0x1FF60] =	vst v1;
	v1 =	vadd.s32 $0x6590, v25  }
0x1fc: {  	v43 =	vadd.s32 $0x2EE0, v4;
	v33 =	vadd.s32 $0x7530, v4;
	[tilespmem:$0x1FF70] =	vst v1;
	v1 =	vadd.s32 $0x6590, v23  }
0x1fd: {  	v61 =	vadd.s32 $0x61A8, v25;
	v63 =	vadd.s32 $0x6590, v4;
	v8 =	vld.idx.msk [tilespmem:v16+s3+$0x0], $0xffff;
	[tilespmem:$0x1FF80] =	vst v1;
	v1 =	vadd.s32 $0x6978, v20  }
0x1fe: {  	v34 =	vadd.s32 $0x7148, v4;
	v35 =	vadd.s32 $0x6D60, v4;
	v6 =	vld.idx.msk [tilespmem:v32+s3+$0x0], $0xffff;
	[tilespmem:$0x1FF90] =	vst v1;
	v1 =	vadd.s32 $0x6590, v5  }
0x1ff: {  	v44 =	vadd.s32 $0x59D8, v4;
	v57 =	vadd.s32 $0x6D60, v25;
	v0 =	vld.idx.msk [tilespmem:v26+s3+$0x0], $0xffff;
	[tilespmem:$0x1FFA0] =	vst v1;
	v1 =	vadd.s32 $0x6978, v21  }
0x200: {  	v13 =	vadd.s32 $0x5DC0, v25;
	v32 =	vadd.s32 $0x7530, v25;
	v47 =	vld.idx.msk [tilespmem:v53+s3+$0x0], $0xffff;
	[tilespmem:$0x1FFB0] =	vst v1;
	v1 =	vadd.s32 $0x6978, v25  }
0x201: {  	v15 =	vadd.s32 $0x61A8, v4;
	v26 =	vadd.s32 $0x59D8, v25;
	v2 =	vld.idx.msk [tilespmem:v29+s3+$0x0], $0xffff;
	[tilespmem:$0x1FFC0] =	vst v1;
	v1 =	vadd.s32 $0x6978, v23  }
0x202: {  	v37 =	vadd.s32 $0x5DC0, v4;
	v54 =	vld.idx.msk [tilespmem:v52+s3+$0x0], $0xffff;
	v52 =	vadd.s32 $0x7148, v25;
	[tilespmem:$0x1FFD0] =	vst v1;
	v1 =	vadd.s32 $0x6978, v5  }
0x203: {  	v31 =	vadd.s32 $0x7918, v25;
	v25 =	vadd.s32 $0x7918, v4;
	[tilespmem:$0x1FFE0] =	vst v1;
	v1 =	vadd.s32 $0x6978, v4;
	v4 =	vld [tilespmem:$0x1F950]  }
0x204: {  	v29 =	vld.idx.msk [tilespmem:v7+s3+$0x0], $0xffff  }
0x205: {  	[tilespmem:s20+$0xF0B0] =	vst v47  }
0x206: {  	v45 =	vadd.s32 $0x7148, v5;
	v56 =	vadd.s32 $0x7148, v20;
	v41 =	vld.idx.msk [tilespmem:v51+s3+$0x0], $0xffff;
	v51 =	vadd.s32 $0x7530, v23  }
0x207: {  	[tilespmem:s20+$0xF020] =	vst v8  }
0x208: {  	v8 =	vld.idx.msk [tilespmem:v30+s3+$0x0], $0xffff;
	[tilespmem:$0x1FFF0] =	vst v1;
	v1 =	vadd.s32 $0x6D60, v23  }
0x209: {  	v3 =	vadd.s32 $0x1F40, v21;
	[tilespmem:s20+$0xFD60] =	vst v29;
	v29 =	vmovc v51;
	v51 =	vmovc v45;
	v45 =	vmov v56;
	v56 =	vmov v1;
	v1 =	vld [tilespmem:$0x1F970]  }
0x20a: {  	[tilespmem:s20+$0xFD10] =	vst v54  }
0x20b: {  	v59 =	vadd.s32 $0x1B58, v48;
	v4 =	vld.idx.msk [tilespmem:v4+s3+$0x0], $0xffff;
	_ =	sdelay $0x1  }
0x20c: {  	[tilespmem:s20+$0xF0A0] =	vst v8  }
0x20d: {  	v3 =	vld.idx.msk [tilespmem:v3+s3+$0x0], $0xffff  }
0x20e: {  	v10 =	vadd.s32 $0x2328, v21;
	[tilespmem:s20+$0xF070] =	vst v0  }
0x20f: {  	v0 =	vld.idx.msk [tilespmem:v59+s3+$0x0], $0xffff;
	[tilespmem:s20+$0xFD90] =	vst v4  }
0x210: {  	v55 =	vadd.s32 $0x1F40, v48;
	v4 =	vld.idx.msk [tilespmem:v1+s3+$0x0], $0xffff  }
0x211: {  	v1 =	vld [tilespmem:$0x1F990]  }
0x212: {  	[tilespmem:s20+$0xFD20] =	vst v3  }
0x213: {  	v3 =	vld.idx.msk [tilespmem:v10+s3+$0x0], $0xffff  }
0x214: {  	[tilespmem:s20+$0xF0F0] =	vst v0  }
0x215: {  	v0 =	vld.idx.msk [tilespmem:v55+s3+$0x0], $0xffff  }
0x216: {  	v8 =	vadd.s32 $0x2328, v48;
	_ =	sdelay $0x1  }
0x217: {  	[tilespmem:s20+$0xFDA0] =	vst v3  }
0x218: {  	v3 =	vld.idx.msk [tilespmem:v1+s3+$0x0], $0xffff  }
0x219: {  	[tilespmem:s20+$0xFD70] =	vst v0;
	v1 =	vld [tilespmem:$0x1F9B0]  }
0x21a: {  	[tilespmem:s20+$0xFD30] =	vst v41;
	v0 =	vld.idx.msk [tilespmem:v8+s3+$0x0], $0xffff  }
0x21b: {  	v8 =	vld.idx.msk [tilespmem:v38+s3+$0x0], $0xffff;
	_ =	sdelay $0x4  }
0x21c: {  	[tilespmem:s20+$0xFDB0] =	vst v8  }
0x21d: {  	v8 =	vld.idx.msk [tilespmem:v1+s3+$0x0], $0xffff  }
0x21e: {  	v1 =	vld [tilespmem:$0x1F9C0];
	_ =	sdelay $0x6  }
0x21f: {  	[tilespmem:s20+$0xFE10] =	vst v4  }
0x220: {  	v4 =	vld.idx.msk [tilespmem:v1+s3+$0x0], $0xffff  }
0x221: {  	v1 =	vld [tilespmem:$0x1F9E0];
	_ =	sdelay $0x1  }
0x222: {  	v46 =	vadd.s32 $0x1B58, v23;
	_ =	sdelay $0x3  }
0x223: {  	[tilespmem:s20+$0xF040] =	vst v6  }
0x224: {  	v6 =	vld.idx.msk [tilespmem:v46+s3+$0x0], $0xffff;
	[tilespmem:s20+$0xFE20] =	vst v3  }
0x225: {  	[tilespmem:$0x1F9F0] =	vst v28;
	v3 =	vld.idx.msk [tilespmem:v1+s3+$0x0], $0xffff  }
0x226: {  	v22 =	vadd.s32 $0x2328, v5;
	v1 =	vld [tilespmem:$0x1F9F0]  }
0x227: {  	v50 =	vadd.s32 $0x1F40, v23;
	_ =	sdelay $0x2  }
0x228: {  	[tilespmem:s20+$0xFD50] =	vst v2  }
0x229: {  	[tilespmem:s20+$0xF0C0] =	vst v6;
	v2 =	vld.idx.msk [tilespmem:v22+s3+$0x0], $0xffff  }
0x22a: {  	v27 =	vadd.s32 $0x2710, v5;
	v6 =	vld.idx.msk [tilespmem:v50+s3+$0x0], $0xffff  }
0x22b: {  	v9 =	vadd.s32 $0x2328, v23;
	[tilespmem:s20+$0xFE30] =	vst v8  }
0x22c: {  	v8 =	vld.idx.msk [tilespmem:v1+s3+$0x0], $0xffff  }
0x22d: {  	v1 =	vld [tilespmem:$0x1FA00]  }
0x22e: {  	[tilespmem:s20+$0xFDD0] =	vst v2  }
0x22f: {  	[tilespmem:s20+$0xFD40] =	vst v6;
	v2 =	vld.idx.msk [tilespmem:v27+s3+$0x0], $0xffff  }
0x230: {  	v6 =	vld.idx.msk [tilespmem:v9+s3+$0x0], $0xffff  }
0x231: {  	v9 =	vld.idx.msk [tilespmem:v39+s3+$0x0], $0xffff;
	_ =	sdelay $0x2  }
0x232: {  	[tilespmem:s20+$0xFE50] =	vst v2  }
0x233: {  	v2 =	vld.idx.msk [tilespmem:v1+s3+$0x0], $0xffff  }
0x234: {  	v24 =	vadd.s32 $0x2710, v23;
	[tilespmem:s20+$0xFDE0] =	vst v9;
	v1 =	vld [tilespmem:$0x1FA10]  }
0x235: {  	v7 =	vadd.s32 $0x2710, v48;
	v9 =	vld.idx.msk [tilespmem:v40+s3+$0x0], $0xffff;
	_ =	sdelay $0x2  }
0x236: {  	[tilespmem:s20+$0xFDC0] =	vst v6  }
0x237: {  	v6 =	vld.idx.msk [tilespmem:v24+s3+$0x0], $0xffff;
	[tilespmem:s20+$0xFDF0] =	vst v0  }
0x238: {  	v0 =	vld.idx.msk [tilespmem:v7+s3+$0x0], $0xffff;
	[tilespmem:s20+$0xFE60] =	vst v9  }
0x239: {  	[tilespmem:s20+$0xFEB0] =	vst v8;
	v8 =	vld [tilespmem:$0x1FA80]  }
0x23a: {  	v36 =	vadd.s32 $0x2AF8, v23;
	v9 =	vld.idx.msk [tilespmem:v1+s3+$0x0], $0xffff  }
0x23b: {  	v7 =	vadd.s32 $0x2AF8, v48;
	v1 =	vld [tilespmem:$0x1FA20];
	_ =	sdelay $0x2  }
0x23c: {  	[tilespmem:s20+$0xFE40] =	vst v6  }
0x23d: {  	v6 =	vld.idx.msk [tilespmem:v36+s3+$0x0], $0xffff;
	[tilespmem:s20+$0xFE70] =	vst v0  }
0x23e: {  	v0 =	vld.idx.msk [tilespmem:v7+s3+$0x0], $0xffff  }
0x23f: {  	v28 =	vadd.s32 $0x2EE0, v20;
	[tilespmem:s20+$0xFED0] =	vst v2;
	v2 =	vld [tilespmem:$0x1FA60]  }
0x240: {  	[tilespmem:$0x1FA30] =	vst v28;
	v8 =	vld.idx.msk [tilespmem:v8+s3+$0x0], $0xffff  }
0x241: {  	[tilespmem:s20+$0xFE90] =	vst v4;
	v4 =	vld.idx.msk [tilespmem:v1+s3+$0x0], $0xffff  }
0x242: {  	v1 =	vld [tilespmem:$0x1FA30]  }
0x243: {  	v7 =	vadd.s32 $0x2EE0, v48;
	_ =	sdelay $0x1  }
0x244: {  	[tilespmem:s20+$0xFF50] =	vst v8;
	v8 =	vld [tilespmem:$0x1FAE0]  }
0x245: {  	[tilespmem:s20+$0xFEC0] =	vst v6;
	v6 =	vld [tilespmem:$0x1FA50]  }
0x246: {  	[tilespmem:s20+$0xFEF0] =	vst v0;
	v2 =	vld.idx.msk [tilespmem:v2+s3+$0x0], $0xffff  }
0x247: {  	v0 =	vld.idx.msk [tilespmem:v7+s3+$0x0], $0xffff  }
0x248: {  	v7 =	vadd.s32 $0x32C8, v48  }
0x249: {  	[tilespmem:s20+$0xFEA0] =	vst v3;
	v3 =	vld.idx.msk [tilespmem:v1+s3+$0x0], $0xffff  }
0x24a: {  	v1 =	vld [tilespmem:$0x1FA40]  }
0x24b: {  	[tilespmem:s20+$0xFF40] =	vst v2;
	v2 =	vld [tilespmem:$0x1FAD0]  }
0x24c: {  	[tilespmem:s20+$0xFF70] =	vst v0;
	v8 =	vld.idx.msk [tilespmem:v8+s3+$0x0], $0xffff  }
0x24d: {  	v0 =	vld.idx.msk [tilespmem:v7+s3+$0x0], $0xffff  }
0x24e: {  	v6 =	vld.idx.msk [tilespmem:v6+s3+$0x0], $0xffff  }
0x24f: {  	[tilespmem:s20+$0xFE80] =	vst v4;
	v4 =	vld [tilespmem:$0x1FAA0]  }
0x250: {  	v7 =	vld [tilespmem:$0x1FAB0]  }
0x251: {  	[tilespmem:s20+$0xFFC0] =	vst v8;
	v8 =	vld [tilespmem:$0x1FB40]  }
0x252: {  	v1 =	vld.idx.msk [tilespmem:v1+s3+$0x0], $0xffff  }
0x253: {  	[tilespmem:s20+$0xFF30] =	vst v6  }
0x254: {  	v2 =	vld.idx.msk [tilespmem:v2+s3+$0x0], $0xffff  }
0x255: {  	v6 =	vld [tilespmem:$0x1FAC0];
	[tilespmem:s20+$0xFEE0] =	vst v9  }
0x256: {  	[tilespmem:s20+$0xFF10] =	vst v3;
	v3 =	vld.idx.msk [tilespmem:v43+s3+$0x0], $0xffff  }
0x257: {  	v4 =	vld.idx.msk [tilespmem:v4+s3+$0x0], $0xffff;
	[tilespmem:s20+$0xFF20] =	vst v1;
	v1 =	vadd.s32 $0x36B0, v48  }
0x258: {  	v7 =	vld.idx.msk [tilespmem:v7+s3+$0x0], $0xffff  }
0x259: {  	[tilespmem:s20+$0xFFB0] =	vst v2;
	v2 =	vld [tilespmem:$0x1FB30]  }
0x25a: {  	[tilespmem:s20+$0xFFF0] =	vst v0;
	v8 =	vld.idx.msk [tilespmem:v8+s3+$0x0], $0xffff  }
0x25b: {  	[tilespmem:s20+$0xFF60] =	vst v3;
	v3 =	vld [tilespmem:$0x1FB00]  }
0x25c: {  	v0 =	vld.idx.msk [tilespmem:v1+s3+$0x0], $0xffff  }
0x25d: {  	v1 =	vld [tilespmem:$0x1FAF0]  }
0x25e: {  	[tilespmem:s20+$0xFF90] =	vst v7;
	v7 =	vld [tilespmem:$0x1FB10]  }
0x25f: {  	v6 =	vld.idx.msk [tilespmem:v6+s3+$0x0], $0xffff;
	_ =	sdelay $0x1  }
0x260: {  	v47 =	vld [tilespmem:$0x1F940]  }
0x261: {  	[tilespmem:s20+$0x10030] =	vst v8;
	v8 =	vld [tilespmem:$0x1FBA0]  }
0x262: {  	[tilespmem:s20+$0xFF00] =	vst v4;
	v3 =	vld.idx.msk [tilespmem:v3+s3+$0x0], $0xffff  }
0x263: {  	v4 =	vadd.s32 $0x3A98, v48;
	[tilespmem:s20+$0xFFA0] =	vst v6;
	v6 =	vld [tilespmem:$0x1FB20]  }
0x264: {  	v1 =	vld.idx.msk [tilespmem:v1+s3+$0x0], $0xffff  }
0x265: {  	v7 =	vld.idx.msk [tilespmem:v7+s3+$0x0], $0xffff  }
0x266: {  	v2 =	vld.idx.msk [tilespmem:v2+s3+$0x0], $0xffff;
	[tilespmem:s20+$0x10070] =	vst v0  }
0x267: {  	[tilespmem:s20+$0xFFE0] =	vst v3;
	v3 =	vld [tilespmem:$0x1FB60]  }
0x268: {  	v0 =	vld.idx.msk [tilespmem:v4+s3+$0x0], $0xffff  }
0x269: {  	v4 =	vadd.s32 $0x3E80, v48;
	[tilespmem:s20+$0xFFD0] =	vst v1;
	v1 =	vld [tilespmem:$0x1FB50]  }
0x26a: {  	[tilespmem:s20+$0xFF80] =	vst v7;
	v7 =	vld [tilespmem:$0x1FB80]  }
0x26b: {  	v6 =	vld.idx.msk [tilespmem:v6+s3+$0x0], $0xffff  }
0x26c: {  	[tilespmem:s20+$0x10020] =	vst v2;
	v2 =	vld [tilespmem:$0x1FB90]  }
0x26d: {  	v8 =	vld.idx.msk [tilespmem:v8+s3+$0x0], $0xffff;
	[tilespmem:s20+$0x100F0] =	vst v0  }
0x26e: {  	v0 =	vld.idx.msk [tilespmem:v4+s3+$0x0], $0xffff  }
0x26f: {  	v3 =	vld.idx.msk [tilespmem:v3+s3+$0x0], $0xffff  }
0x270: {  	[tilespmem:s20+$0x10010] =	vst v6;
	v6 =	vld [tilespmem:$0x1FB70]  }
0x271: {  	v1 =	vld.idx.msk [tilespmem:v1+s3+$0x0], $0xffff  }
0x272: {  	v7 =	vld.idx.msk [tilespmem:v7+s3+$0x0], $0xffff  }
0x273: {  	[tilespmem:s20+$0x100A0] =	vst v8;
	v8 =	vld [tilespmem:$0x1FC00]  }
0x274: {  	v4 =	vadd.s32 $0x4268, v48;
	[tilespmem:s20+$0x10050] =	vst v3;
	v3 =	vld [tilespmem:$0x1FBC0]  }
0x275: {  	v2 =	vld.idx.msk [tilespmem:v2+s3+$0x0], $0xffff  }
0x276: {  	[tilespmem:s20+$0x10040] =	vst v1;
	v1 =	vld [tilespmem:$0x1FBB0]  }
0x277: {  	[tilespmem:s20+$0x10000] =	vst v7;
	v7 =	vld [tilespmem:$0x1FBF0]  }
0x278: {  	[tilespmem:s20+$0x10D70] =	vst v0;
	v6 =	vld.idx.msk [tilespmem:v6+s3+$0x0], $0xffff  }
0x279: {  	v0 =	vld.idx.msk [tilespmem:v4+s3+$0x0], $0xffff  }
0x27a: {  	[tilespmem:s20+$0x10090] =	vst v2;
	v2 =	vld [tilespmem:$0x1FBE0]  }
0x27b: {  	v8 =	vld.idx.msk [tilespmem:v8+s3+$0x0], $0xffff  }
0x27c: {  	v3 =	vld.idx.msk [tilespmem:v3+s3+$0x0], $0xffff  }
0x27d: {  	[tilespmem:s20+$0x10060] =	vst v6;
	v6 =	vld [tilespmem:$0x1FBD0]  }
0x27e: {  	v1 =	vld.idx.msk [tilespmem:v1+s3+$0x0], $0xffff  }
0x27f: {  	v7 =	vld.idx.msk [tilespmem:v7+s3+$0x0], $0xffff  }
0x280: {  	[tilespmem:s20+$0x10D10] =	vst v8;
	v8 =	vld [tilespmem:$0x1FC60]  }
0x281: {  	v4 =	vadd.s32 $0x4650, v48;
	[tilespmem:s20+$0x100C0] =	vst v3;
	v3 =	vld [tilespmem:$0x1FC20]  }
0x282: {  	v2 =	vld.idx.msk [tilespmem:v2+s3+$0x0], $0xffff  }
0x283: {  	[tilespmem:s20+$0x100B0] =	vst v1;
	v1 =	vld [tilespmem:$0x1FC10]  }
0x284: {  	[tilespmem:s20+$0x10080] =	vst v7;
	v7 =	vld [tilespmem:$0x1FC50]  }
0x285: {  	[tilespmem:s20+$0x10DF0] =	vst v0;
	v6 =	vld.idx.msk [tilespmem:v6+s3+$0x0], $0xffff  }
0x286: {  	v0 =	vld.idx.msk [tilespmem:v4+s3+$0x0], $0xffff  }
0x287: {  	[tilespmem:s20+$0x100E0] =	vst v2;
	v2 =	vld [tilespmem:$0x1FC40]  }
0x288: {  	v8 =	vld.idx.msk [tilespmem:v8+s3+$0x0], $0xffff  }
0x289: {  	v3 =	vld.idx.msk [tilespmem:v3+s3+$0x0], $0xffff  }
0x28a: {  	[tilespmem:s20+$0x100D0] =	vst v6;
	v6 =	vld [tilespmem:$0x1FC30]  }
0x28b: {  	v1 =	vld.idx.msk [tilespmem:v1+s3+$0x0], $0xffff  }
0x28c: {  	v7 =	vld.idx.msk [tilespmem:v7+s3+$0x0], $0xffff  }
0x28d: {  	[tilespmem:s20+$0x10D00] =	vst v8;
	v8 =	vld [tilespmem:$0x1FCC0]  }
0x28e: {  	v4 =	vadd.s32 $0x4A38, v48;
	[tilespmem:s20+$0x10D30] =	vst v3;
	v3 =	vld [tilespmem:$0x1FC80]  }
0x28f: {  	v2 =	vld.idx.msk [tilespmem:v2+s3+$0x0], $0xffff  }
0x290: {  	[tilespmem:s20+$0x10D20] =	vst v1;
	v1 =	vld [tilespmem:$0x1FC70]  }
0x291: {  	[tilespmem:s20+$0x10D60] =	vst v7;
	v7 =	vld [tilespmem:$0x1FCB0]  }
0x292: {  	[tilespmem:s20+$0x10E70] =	vst v0;
	v6 =	vld.idx.msk [tilespmem:v6+s3+$0x0], $0xffff  }
0x293: {  	v0 =	vld.idx.msk [tilespmem:v4+s3+$0x0], $0xffff  }
0x294: {  	[tilespmem:s20+$0x10D50] =	vst v2;
	v2 =	vld [tilespmem:$0x1FCA0]  }
0x295: {  	v8 =	vld.idx.msk [tilespmem:v8+s3+$0x0], $0xffff  }
0x296: {  	v3 =	vld.idx.msk [tilespmem:v3+s3+$0x0], $0xffff  }
0x297: {  	[tilespmem:s20+$0x10D40] =	vst v6;
	v6 =	vld [tilespmem:$0x1FC90]  }
0x298: {  	v1 =	vld.idx.msk [tilespmem:v1+s3+$0x0], $0xffff  }
0x299: {  	v7 =	vld.idx.msk [tilespmem:v7+s3+$0x0], $0xffff  }
0x29a: {  	[tilespmem:s20+$0x10DE0] =	vst v8;
	v8 =	vld [tilespmem:$0x1FD20]  }
0x29b: {  	[tilespmem:s20+$0x10DA0] =	vst v3;
	v3 =	vld [tilespmem:$0x1FCE0]  }
0x29c: {  	v2 =	vld.idx.msk [tilespmem:v2+s3+$0x0], $0xffff  }
0x29d: {  	v4 =	vadd.s32 $0x4E20, v48;
	[tilespmem:s20+$0x10D90] =	vst v1;
	v1 =	vld [tilespmem:$0x1FCD0]  }
0x29e: {  	[tilespmem:s20+$0x10DD0] =	vst v7;
	v7 =	vld [tilespmem:$0x1FD10]  }
0x29f: {  	v6 =	vld.idx.msk [tilespmem:v6+s3+$0x0], $0xffff  }
0x2a0: {  	v41 =	vld [tilespmem:$0x1F960];
	[tilespmem:s20+$0x10EF0] =	vst v0  }
0x2a1: {  	[tilespmem:s20+$0x10DC0] =	vst v2;
	v2 =	vld [tilespmem:$0x1FD00]  }
0x2a2: {  	v0 =	vld.idx.msk [tilespmem:v4+s3+$0x0], $0xffff  }
0x2a3: {  	v3 =	vld.idx.msk [tilespmem:v3+s3+$0x0], $0xffff  }
0x2a4: {  	[tilespmem:s20+$0x10DB0] =	vst v6;
	v6 =	vld [tilespmem:$0x1FCF0]  }
0x2a5: {  	v1 =	vld.idx.msk [tilespmem:v1+s3+$0x0], $0xffff  }
0x2a6: {  	v8 =	vld.idx.msk [tilespmem:v8+s3+$0x0], $0xffff  }
0x2a7: {  	v7 =	vld.idx.msk [tilespmem:v7+s3+$0x0], $0xffff  }
0x2a8: {  	v4 =	vadd.s32 $0x5208, v48;
	[tilespmem:s20+$0x10E10] =	vst v3;
	v3 =	vld [tilespmem:$0x1FD40]  }
0x2a9: {  	v2 =	vld.idx.msk [tilespmem:v2+s3+$0x0], $0xffff  }
0x2aa: {  	[tilespmem:s20+$0x10D80] =	vst v1;
	v1 =	vld [tilespmem:$0x1FD30]  }
0x2ab: {  	[tilespmem:s20+$0x10E50] =	vst v8;
	v8 =	vld [tilespmem:$0x1FD80]  }
0x2ac: {  	[tilespmem:s20+$0x10F70] =	vst v0;
	v6 =	vld.idx.msk [tilespmem:v6+s3+$0x0], $0xffff  }
0x2ad: {  	v0 =	vld.idx.msk [tilespmem:v4+s3+$0x0], $0xffff  }
0x2ae: {  	[tilespmem:s20+$0x10E30] =	vst v2;
	v2 =	vld [tilespmem:$0x1FD60]  }
0x2af: {  	[tilespmem:s20+$0x10E40] =	vst v7;
	v7 =	vld [tilespmem:$0x1FD70]  }
0x2b0: {  	v3 =	vld.idx.msk [tilespmem:v3+s3+$0x0], $0xffff  }
0x2b1: {  	[tilespmem:s20+$0x10E20] =	vst v6;
	v6 =	vld [tilespmem:$0x1FD50]  }
0x2b2: {  	v58 =	vadd.s32 $0x6D60, v20;
	v1 =	vld.idx.msk [tilespmem:v1+s3+$0x0], $0xffff  }
0x2b3: {  	v54 =	vmov v58;
	v58 =	vld [tilespmem:$0x1FA70];
	v4 =	vadd.s32 $0x55F0, v48  }
0x2b4: {  	v8 =	vld.idx.msk [tilespmem:v8+s3+$0x0], $0xffff  }
0x2b5: {  	[tilespmem:s20+$0x10E00] =	vst v3;
	v3 =	vld [tilespmem:$0x1FDA0]  }
0x2b6: {  	[tilespmem:s20+$0x10FF0] =	vst v0;
	v2 =	vld.idx.msk [tilespmem:v2+s3+$0x0], $0xffff  }
0x2b7: {  	[tilespmem:s20+$0x10E60] =	vst v1;
	v1 =	vld [tilespmem:$0x1FD90]  }
0x2b8: {  	v0 =	vld.idx.msk [tilespmem:v4+s3+$0x0], $0xffff  }
0x2b9: {  	v6 =	vld.idx.msk [tilespmem:v6+s3+$0x0], $0xffff  }
0x2ba: {  	v7 =	vld.idx.msk [tilespmem:v7+s3+$0x0], $0xffff  }
0x2bb: {  	[tilespmem:s20+$0x10EA0] =	vst v2;
	v2 =	vld [tilespmem:$0x1FDC0]  }
0x2bc: {  	[tilespmem:s20+$0x10EC0] =	vst v8;
	v8 =	vld [tilespmem:$0x1FDE0]  }
0x2bd: {  	v3 =	vld.idx.msk [tilespmem:v3+s3+$0x0], $0xffff  }
0x2be: {  	[tilespmem:s20+$0x10E90] =	vst v6;
	v6 =	vld [tilespmem:$0x1FDB0]  }
0x2bf: {  	v1 =	vld.idx.msk [tilespmem:v1+s3+$0x0], $0xffff  }
0x2c0: {  	v4 =	vadd.s32 $0x59D8, v48;
	[tilespmem:s20+$0x10EB0] =	vst v7;
	v7 =	vld [tilespmem:$0x1FDD0]  }
0x2c1: {  	v38 =	vld [tilespmem:$0x1F980]  }
0x2c2: {  	[tilespmem:s20+$0x10EE0] =	vst v3;
	v3 =	vld [tilespmem:$0x1FE00]  }
0x2c3: {  	[tilespmem:s20+$0x11070] =	vst v0;
	v2 =	vld.idx.msk [tilespmem:v2+s3+$0x0], $0xffff  }
0x2c4: {  	[tilespmem:s20+$0x10ED0] =	vst v1;
	v1 =	vld [tilespmem:$0x1FDF0]  }
0x2c5: {  	v0 =	vld.idx.msk [tilespmem:v4+s3+$0x0], $0xffff  }
0x2c6: {  	v6 =	vld.idx.msk [tilespmem:v6+s3+$0x0], $0xffff  }
0x2c7: {  	v8 =	vld.idx.msk [tilespmem:v8+s3+$0x0], $0xffff  }
0x2c8: {  	v7 =	vld.idx.msk [tilespmem:v7+s3+$0x0], $0xffff  }
0x2c9: {  	[tilespmem:s20+$0x10F10] =	vst v2;
	v2 =	vld [tilespmem:$0x1FE10]  }
0x2ca: {  	v3 =	vld.idx.msk [tilespmem:v3+s3+$0x0], $0xffff  }
0x2cb: {  	[tilespmem:s20+$0x10E80] =	vst v6;
	v6 =	vld [tilespmem:$0x1FE20]  }
0x2cc: {  	v1 =	vld.idx.msk [tilespmem:v1+s3+$0x0], $0xffff  }
0x2cd: {  	[tilespmem:s20+$0x10F30] =	vst v8;
	v8 =	vld [tilespmem:$0x1FE40]  }
0x2ce: {  	[tilespmem:s20+$0x10F20] =	vst v7;
	v7 =	vld [tilespmem:$0x1FE30]  }
0x2cf: {  	[tilespmem:s20+$0x10F50] =	vst v3;
	v3 =	vld [tilespmem:$0x1FE60]  }
0x2d0: {  	v4 =	vld [tilespmem:$0x1FE70]  }
0x2d1: {  	[tilespmem:s20+$0x10F40] =	vst v1;
	v1 =	vld [tilespmem:$0x1FE50]  }
0x2d2: {  	[tilespmem:s20+$0x110F0] =	vst v0;
	v0 =	vld [tilespmem:$0x1FEB0]  }
0x2d3: {  	v6 =	vld.idx.msk [tilespmem:v6+s3+$0x0], $0xffff  }
0x2d4: {  	v2 =	vld.idx.msk [tilespmem:v2+s3+$0x0], $0xffff  }
0x2d5: {  	v8 =	vld.idx.msk [tilespmem:v8+s3+$0x0], $0xffff  }
0x2d6: {  	v7 =	vld.idx.msk [tilespmem:v7+s3+$0x0], $0xffff  }
0x2d7: {  	v3 =	vld.idx.msk [tilespmem:v3+s3+$0x0], $0xffff  }
0x2d8: {  	[tilespmem:s20+$0x10F00] =	vst v6;
	v6 =	vld [tilespmem:$0x1FE80]  }
0x2d9: {  	[tilespmem:s20+$0x10F60] =	vst v2;
	v2 =	vadd.s32 $0x5DC0, v48;
	v1 =	vld.idx.msk [tilespmem:v1+s3+$0x0], $0xffff  }
0x2da: {  	v39 =	vld [tilespmem:$0x1F9A0]  }
0x2db: {  	[tilespmem:s20+$0x10F90] =	vst v7;
	v7 =	vld [tilespmem:$0x1FE90]  }
0x2dc: {  	[tilespmem:s20+$0x10FC0] =	vst v3;
	v3 =	vld [tilespmem:$0x1FEE0]  }
0x2dd: {  	[tilespmem:s20+$0x10FA0] =	vst v8;
	v4 =	vld.idx.msk [tilespmem:v4+s3+$0x0], $0xffff  }
0x2de: {  	[tilespmem:s20+$0x10FB0] =	vst v1;
	v1 =	vld.idx.msk [tilespmem:v2+s3+$0x0], $0xffff  }
0x2df: {  	v2 =	vld.idx.msk [tilespmem:v0+s3+$0x0], $0xffff  }
0x2e0: {  	v0 =	vld [tilespmem:$0x1FEC0]  }
0x2e1: {  	v6 =	vld.idx.msk [tilespmem:v6+s3+$0x0], $0xffff  }
0x2e2: {  	v8 =	vld [tilespmem:$0x1FEA0]  }
0x2e3: {  	[tilespmem:s20+$0x10FD0] =	vst v4;
	v7 =	vld.idx.msk [tilespmem:v7+s3+$0x0], $0xffff  }
0x2e4: {  	v4 =	vld.idx.msk [tilespmem:v3+s3+$0x0], $0xffff  }
0x2e5: {  	v3 =	vld [tilespmem:$0x1FEF0]  }
0x2e6: {  	[tilespmem:s20+$0x10FE0] =	vst v6;
	v6 =	vld [tilespmem:$0x1FF00]  }
0x2e7: {  	[tilespmem:s20+$0x11D70] =	vst v1;
	v1 =	vld [tilespmem:$0x1FF10]  }
0x2e8: {  	v10 =	vadd.s32 $0x61A8, v48;
	v9 =	vld.idx.msk [tilespmem:v0+s3+$0x0], $0xffff  }
0x2e9: {  	v0 =	vld [tilespmem:$0x1FED0]  }
0x2ea: {  	v28 =	vadd.s32 $0x7530, v21;
	v8 =	vld.idx.msk [tilespmem:v8+s3+$0x0], $0xffff  }
0x2eb: {  	v42 =	vadd.s32 $0x61A8, v5;
	v62 =	vadd.s32 $0x61A8, v20;
	v60 =	vadd.s32 $0x61A8, v21;
	v40 =	vld [tilespmem:$0x1F9D0]  }
0x2ec: {  	p1 =	slt.u32 s21, $0x18;
	v16 =	vadd.s32 $0x5DC0, v20;
	v12 =	vadd.s32 $0x5DC0, v23;
	v18 =	vadd.s32 $0x59D8, v23;
	v43 =	vld [tilespmem:$0x1FA90]  }
.Ltmp0:
0x2ed: {  	v17 =	vadd.s32 $0x59D8, v5;
	v30 =	vadd.s32 $0x7148, v23;
	v19 =	vadd.s32 $0x59D8, v21;
	[tilespmem:s20+$0x10F80] =	vst v7;
	v7 =	vld.idx.msk [tilespmem:v10+s3+$0x0], $0xffff;
	(pc) =	sbr.rel @p1 .LBB2_3-.Ltmp0, $4  }
0x2ee: {  	v14 =	vadd.s32 $0x5DC0, v21;
	v11 =	vadd.s32 $0x5DC0, v5;
	v46 =	vadd.s32 $0x6D60, v21;
	v3 =	vld.idx.msk [tilespmem:v3+s3+$0x0], $0xffff  }
0x2ef: {  	v53 =	vadd.s32 $0x7148, v21;
	v49 =	vadd.s32 $0x7530, v20;
	v59 =	vadd.s32 $0x61A8, v23;
	[tilespmem:s20+$0x11010] =	vst v8;
	v6 =	vld.idx.msk [tilespmem:v6+s3+$0x0], $0xffff  }
0x2f0: {  	v50 =	vadd.s32 $0x7530, v5;
	v55 =	vadd.s32 $0x6D60, v5;
	v20 =	vadd.s32 $0x7918, v20;
	[tilespmem:s20+$0x11020] =	vst v2;
	v8 =	vld.idx.msk [tilespmem:v1+s3+$0x0], $0xffff  }
0x2f1: {  	s21 =	sadd.s32 $0x8, s21;
	v21 =	vadd.s32 $0x7918, v21;
	v5 =	vadd.s32 $0x7918, v5;
	v23 =	vadd.s32 $0x7918, v23;
	[tilespmem:s20+$0x11030] =	vst v9;
	v0 =	vld.idx.msk [tilespmem:v0+s3+$0x0], $0xffff  }
0x2f2: {  	_ =	sdelay $0x2  }
0x2f3: {  	[tilespmem:s20+$0x11050] =	vst v4  }
0x2f4: {  	v1 =	vld.idx.msk [tilespmem:v19+s3+$0x0], $0xffff;
	[tilespmem:s20+$0x11DF0] =	vst v7  }
0x2f5: {  	v2 =	vld.idx.msk [tilespmem:v26+s3+$0x0], $0xffff;
	[tilespmem:s20+$0x11060] =	vst v3  }
0x2f6: {  	v4 =	vld.idx.msk [tilespmem:v17+s3+$0x0], $0xffff;
	[tilespmem:s20+$0x11040] =	vst v0;
	v0 =	vadd.s32 $0x6590, v48  }
0x2f7: {  	[tilespmem:s20+$0x11000] =	vst v6;
	v3 =	vld.idx.msk [tilespmem:v18+s3+$0x0], $0xffff  }
0x2f8: {  	[tilespmem:s20+$0x11090] =	vst v8;
	v7 =	vld.idx.msk [tilespmem:v47+s3+$0x0], $0xffff  }
0x2f9: {  	[tilespmem:s20+$0x110A0] =	vst v1;
	v1 =	vld.idx.msk [tilespmem:v44+s3+$0x0], $0xffff  }
0x2fa: {  	[tilespmem:s20+$0x110B0] =	vst v2;
	v2 =	vld.idx.msk [tilespmem:v16+s3+$0x0], $0xffff  }
0x2fb: {  	[tilespmem:s20+$0x110D0] =	vst v4;
	v0 =	vld.idx.msk [tilespmem:v0+s3+$0x0], $0xffff  }
0x2fc: {  	[tilespmem:s20+$0x110C0] =	vst v3;
	v3 =	vld.idx.msk [tilespmem:v14+s3+$0x0], $0xffff  }
0x2fd: {  	[tilespmem:s20+$0x11080] =	vst v7  }
0x2fe: {  	v6 =	vadd.s32 $0x6978, v48;
	[tilespmem:s20+$0x110E0] =	vst v1  }
0x2ff: {  	[tilespmem:s20+$0x11D10] =	vst v2  }
0x300: {  	v4 =	vld.idx.msk [tilespmem:v13+s3+$0x0], $0xffff;
	[tilespmem:s20+$0x11E70] =	vst v0  }
0x301: {  	v1 =	vld.idx.msk [tilespmem:v12+s3+$0x0], $0xffff;
	[tilespmem:s20+$0x11D20] =	vst v3  }
0x302: {  	v3 =	vld [tilespmem:$0x1FF30]  }
0x303: {  	v0 =	vld.idx.msk [tilespmem:v6+s3+$0x0], $0xffff  }
0x304: {  	v6 =	vadd.s32 $0x6D60, v48  }
0x305: {  	v2 =	vld.idx.msk [tilespmem:v11+s3+$0x0], $0xffff  }
0x306: {  	v7 =	vld.idx.msk [tilespmem:v37+s3+$0x0], $0xffff;
	[tilespmem:s20+$0x11D30] =	vst v4  }
0x307: {  	v4 =	vld.idx.msk [tilespmem:v62+s3+$0x0], $0xffff;
	[tilespmem:s20+$0x11D40] =	vst v1  }
0x308: {  	v1 =	vld.idx.msk [tilespmem:v60+s3+$0x0], $0xffff;
	[tilespmem:s20+$0x11EF0] =	vst v0  }
0x309: {  	v0 =	vld.idx.msk [tilespmem:v6+s3+$0x0], $0xffff  }
0x30a: {  	[tilespmem:s20+$0x11D50] =	vst v2;
	v3 =	vld.idx.msk [tilespmem:v3+s3+$0x0], $0xffff  }
0x30b: {  	[tilespmem:s20+$0x11D60] =	vst v7  }
0x30c: {  	[tilespmem:s20+$0x11D90] =	vst v4  }
0x30d: {  	[tilespmem:s20+$0x11DA0] =	vst v1  }
0x30e: {  	[tilespmem:s20+$0x11F70] =	vst v0  }
0x30f: {  	[tilespmem:s20+$0x11D00] =	vst v3  }
0x310: {  	v1 =	vld [tilespmem:$0x1FF40]  }
0x311: {  	v2 =	vadd.s32 $0x7148, v48;
	_ =	sdelay $0x1  }
0x312: {  	v6 =	vld.idx.msk [tilespmem:v61+s3+$0x0], $0xffff  }
0x313: {  	v7 =	vld.idx.msk [tilespmem:v59+s3+$0x0], $0xffff  }
0x314: {  	v4 =	vld.idx.msk [tilespmem:v15+s3+$0x0], $0xffff  }
0x315: {  	v0 =	vld.idx.msk [tilespmem:v2+s3+$0x0], $0xffff  }
0x316: {  	v3 =	vld.idx.msk [tilespmem:v42+s3+$0x0], $0xffff  }
0x317: {  	v1 =	vld.idx.msk [tilespmem:v1+s3+$0x0], $0xffff;
	[tilespmem:s20+$0x11DB0] =	vst v6  }
0x318: {  	v6 =	vld [tilespmem:$0x1FF50];
	_ =	sdelay $0x1  }
0x319: {  	[tilespmem:s20+$0x11DC0] =	vst v7  }
0x31a: {  	v7 =	vld [tilespmem:$0x1FF60];
	[tilespmem:s20+$0x11DD0] =	vst v3  }
0x31b: {  	v3 =	vld [tilespmem:$0x1FF70];
	[tilespmem:s20+$0x11DE0] =	vst v4  }
0x31c: {  	v4 =	vld [tilespmem:$0x1FF80];
	_ =	sdelay $0x2  }
0x31d: {  	v6 =	vld.idx.msk [tilespmem:v6+s3+$0x0], $0xffff;
	_ =	sdelay $0x2  }
0x31e: {  	[tilespmem:s20+$0x11FF0] =	vst v0;
	v7 =	vld.idx.msk [tilespmem:v7+s3+$0x0], $0xffff  }
0x31f: {  	[tilespmem:s20+$0x11D80] =	vst v1;
	v3 =	vld.idx.msk [tilespmem:v3+s3+$0x0], $0xffff  }
0x320: {  	v4 =	vld.idx.msk [tilespmem:v4+s3+$0x0], $0xffff;
	[tilespmem:s20+$0x11E10] =	vst v6  }
0x321: {  	v1 =	vld [tilespmem:$0x1FFA0];
	_ =	sdelay $0x1  }
0x322: {  	v2 =	vadd.s32 $0x7530, v48;
	[tilespmem:s20+$0x11E20] =	vst v7  }
0x323: {  	[tilespmem:s20+$0x11E30] =	vst v3  }
0x324: {  	v3 =	vld [tilespmem:$0x1FF90];
	[tilespmem:s20+$0x11E40] =	vst v4  }
0x325: {  	v4 =	vld [tilespmem:$0x1FFB0];
	_ =	sdelay $0x1  }
0x326: {  	v0 =	vld.idx.msk [tilespmem:v2+s3+$0x0], $0xffff  }
0x327: {  	v1 =	vld.idx.msk [tilespmem:v1+s3+$0x0], $0xffff  }
0x328: {  	v6 =	vld.idx.msk [tilespmem:v63+s3+$0x0], $0xffff  }
0x329: {  	v2 =	vadd.s32 $0x7918, v48;
	v7 =	vld.idx.msk [tilespmem:v43+s3+$0x0], $0xffff;
	_ =	sdelay $0x1  }
0x32a: {  	[tilespmem:s20+$0x12070] =	vst v0;
	v3 =	vld.idx.msk [tilespmem:v3+s3+$0x0], $0xffff  }
0x32b: {  	v4 =	vld.idx.msk [tilespmem:v4+s3+$0x0], $0xffff;
	[tilespmem:s20+$0x11E50] =	vst v1  }
0x32c: {  	v1 =	vld [tilespmem:$0x1FFC0];
	[tilespmem:s20+$0x11E60] =	vst v6  }
0x32d: {  	v0 =	vld.idx.msk [tilespmem:v2+s3+$0x0], $0xffff;
	[tilespmem:s20+$0x11E00] =	vst v7  }
0x32e: {  	v2 =	vld [tilespmem:$0x1FFD0]  }
0x32f: {  	v6 =	vld [tilespmem:$0x1FFE0]  }
0x330: {  	[tilespmem:s20+$0x11EA0] =	vst v4;
	v4 =	vld.idx.msk [tilespmem:v58+s3+$0x0], $0xffff  }
0x331: {  	[tilespmem:s20+$0x11E90] =	vst v3  }
0x332: {  	v3 =	vld [tilespmem:$0x1FFF0];
	_ =	sdelay $0x2  }
0x333: {  	[tilespmem:s20+$0x11E80] =	vst v4;
	v1 =	vld.idx.msk [tilespmem:v1+s3+$0x0], $0xffff  }
0x334: {  	v4 =	vld.idx.msk [tilespmem:v41+s3+$0x0], $0xffff  }
0x335: {  	v2 =	vld.idx.msk [tilespmem:v2+s3+$0x0], $0xffff  }
0x336: {  	[tilespmem:s20+$0x120F0] =	vst v0;
	v0 =	vld.idx.msk [tilespmem:v54+s3+$0x0], $0xffff  }
0x337: {  	v6 =	vld.idx.msk [tilespmem:v6+s3+$0x0], $0xffff  }
0x338: {  	v3 =	vld.idx.msk [tilespmem:v3+s3+$0x0], $0xffff;
	[tilespmem:s20+$0x11EB0] =	vst v1  }
0x339: {  	v1 =	vld.idx.msk [tilespmem:v46+s3+$0x0], $0xffff;
	[tilespmem:s20+$0x11F00] =	vst v4  }
0x33a: {  	[tilespmem:s20+$0x11EC0] =	vst v2;
	v2 =	vld.idx.msk [tilespmem:v57+s3+$0x0], $0xffff  }
0x33b: {  	[tilespmem:s20+$0x11F10] =	vst v0;
	v4 =	vld.idx.msk [tilespmem:v40+s3+$0x0], $0xffff  }
0x33c: {  	[tilespmem:s20+$0x11ED0] =	vst v6;
	v6 =	vld.idx.msk [tilespmem:v56+s3+$0x0], $0xffff  }
0x33d: {  	[tilespmem:s20+$0x11EE0] =	vst v3;
	v3 =	vld.idx.msk [tilespmem:v55+s3+$0x0], $0xffff  }
0x33e: {  	v0 =	vld.idx.msk [tilespmem:v35+s3+$0x0], $0xffff;
	[tilespmem:s20+$0x11F20] =	vst v1  }
0x33f: {  	v1 =	vld.idx.msk [tilespmem:v45+s3+$0x0], $0xffff;
	[tilespmem:s20+$0x11F30] =	vst v2  }
0x340: {  	v2 =	vld.idx.msk [tilespmem:v53+s3+$0x0], $0xffff;
	[tilespmem:s20+$0x11F80] =	vst v4  }
0x341: {  	[tilespmem:s20+$0x11F40] =	vst v6;
	v6 =	vld.idx.msk [tilespmem:v52+s3+$0x0], $0xffff  }
0x342: {  	v4 =	vld.idx.msk [tilespmem:v39+s3+$0x0], $0xffff;
	[tilespmem:s20+$0x11F50] =	vst v3  }
0x343: {  	v3 =	vld.idx.msk [tilespmem:v30+s3+$0x0], $0xffff;
	[tilespmem:s20+$0x11F60] =	vst v0  }
0x344: {  	v0 =	vld.idx.msk [tilespmem:v51+s3+$0x0], $0xffff;
	[tilespmem:s20+$0x11F90] =	vst v1  }
0x345: {  	v1 =	vld.idx.msk [tilespmem:v34+s3+$0x0], $0xffff;
	[tilespmem:s20+$0x11FA0] =	vst v2  }
0x346: {  	v2 =	vld.idx.msk [tilespmem:v49+s3+$0x0], $0xffff;
	[tilespmem:s20+$0x11FB0] =	vst v6  }
0x347: {  	v6 =	vld.idx.msk [tilespmem:v28+s3+$0x0], $0xffff;
	[tilespmem:s20+$0x12000] =	vst v4  }
0x348: {  	[tilespmem:s20+$0x11FC0] =	vst v3;
	v3 =	vld.idx.msk [tilespmem:v32+s3+$0x0], $0xffff  }
0x349: {  	[tilespmem:s20+$0x11FD0] =	vst v0;
	v0 =	vld.idx.msk [tilespmem:v29+s3+$0x0], $0xffff  }
0x34a: {  	[tilespmem:s20+$0x11FE0] =	vst v1;
	v1 =	vld.idx.msk [tilespmem:v50+s3+$0x0], $0xffff  }
0x34b: {  	[tilespmem:s20+$0x12010] =	vst v2;
	v2 =	vld.idx.msk [tilespmem:v33+s3+$0x0], $0xffff  }
0x34c: {  	[tilespmem:s20+$0x12020] =	vst v6;
	v6 =	vld.idx.msk [tilespmem:v20+s3+$0x0], $0xffff  }
0x34d: {  	[tilespmem:s20+$0x12030] =	vst v3;
	v3 =	vld.idx.msk [tilespmem:v21+s3+$0x0], $0xffff  }
0x34e: {  	[tilespmem:s20+$0x12040] =	vst v0;
	v0 =	vld.idx.msk [tilespmem:v31+s3+$0x0], $0xffff  }
0x34f: {  	[tilespmem:s20+$0x12050] =	vst v1;
	v1 =	vld.idx.msk [tilespmem:v23+s3+$0x0], $0xffff  }
0x350: {  	[tilespmem:s20+$0x12060] =	vst v2;
	v2 =	vld.idx.msk [tilespmem:v5+s3+$0x0], $0xffff  }
0x351: {  	v5 =	vld.idx.msk [tilespmem:v38+s3+$0x0], $0xffff;
	[tilespmem:s20+$0x12090] =	vst v6  }
0x352: {  	v4 =	vld.idx.msk [tilespmem:v25+s3+$0x0], $0xffff;
	[tilespmem:s20+$0x120A0] =	vst v3  }
0x353: {  	s19 =	sor.u32 $0x1, s19;
	[tilespmem:s20+$0x120B0] =	vst v0  }
0x354: {  	s21 =	sshll.u32 s17, $0x14;
	s22 =	sshll.u32 s19, $0x7;
	[tilespmem:s20+$0x120C0] =	vst v1  }
0x355: {  	s21 =	sor.u32 s4, s21;
	s22 =	sand.u32 $0x380, s22;
	[tilespmem:s20+$0x120D0] =	vst v2  }
0x356: {  	s21 =	sshrl.u32 s21, $0x3;
	s18 =	sadd.s32 s22, s18;
	[tilespmem:s20+$0x12080] =	vst v5  }
0x357: {  	s31 =	sadd.s32 s2, s21;
	v7 =	vmov s18;
	s18 =	simm.s32 @!p0 $0x2;
	[tilespmem:s20+$0x120E0] =	vst v4  }
0x358: {  	[hbm4b:s31+s8] =	stream.strided.scatter [tilespmem:s12], [sflag:$0x1], $0x4000, s9, s8, $0x38;
	[tilespmem:$0x16D00] =	vst v63  }
0x359: {  	_ =	swait.ge @!p0 [sflag:s18], $0x4000  }
0x35a: {  	[sflag:s18] =	ssyncset.done @!p0 $0x0  }
0x35b: {  	[sflag:s18] =	ssyncadd.s32 @!p0 $0xFFFFC000;
	s18 =	simm.s32 $0x0  }
0x35c: {  	v0 =	vld.idx.msk [tilespmem:v7+s18+$0x0 ss:$0x1], $0xffff;
	_ =	sdelay $0x7  }
0x35d: {  	v1 =	vld.idx.msk [tilespmem:v0+s3+$0x0], $0xffff  }
0x35e: {  	v2 =	vadd.s32 $0x3E8, v0;
	_ =	sdelay $0x3  }
0x35f: {  	[tilespmem:s18+$0x12D00] =	vst v1  }
0x360: {  	v1 =	vld.idx.msk [tilespmem:v2+s3+$0x0], $0xffff  }
0x361: {  	v2 =	vadd.s32 $0x7D0, v0;
	_ =	sdelay $0x3  }
0x362: {  	[tilespmem:s18+$0x12D80] =	vst v1  }
0x363: {  	v1 =	vld.idx.msk [tilespmem:v2+s3+$0x0], $0xffff  }
0x364: {  	v2 =	vadd.s32 $0xBB8, v0;
	_ =	sdelay $0x3  }
0x365: {  	[tilespmem:s18+$0x12E00] =	vst v1  }
0x366: {  	v1 =	vld.idx.msk [tilespmem:v2+s3+$0x0], $0xffff  }
0x367: {  	v2 =	vadd.s32 $0xFA0, v0;
	_ =	sdelay $0x3  }
0x368: {  	[tilespmem:s18+$0x12E80] =	vst v1  }
0x369: {  	v1 =	vld.idx.msk [tilespmem:v2+s3+$0x0], $0xffff  }
0x36a: {  	v2 =	vadd.s32 $0x1388, v0;
	_ =	sdelay $0x3  }
0x36b: {  	[tilespmem:s18+$0x12F00] =	vst v1  }
0x36c: {  	v1 =	vld.idx.msk [tilespmem:v2+s3+$0x0], $0xffff  }
0x36d: {  	v2 =	vadd.s32 $0x1770, v0;
	_ =	sdelay $0x3  }
0x36e: {  	[tilespmem:s18+$0x12F80] =	vst v1  }
0x36f: {  	v1 =	vld.idx.msk [tilespmem:v2+s3+$0x0], $0xffff  }
0x370: {  	v2 =	vadd.s32 $0x1B58, v0;
	_ =	sdelay $0x3  }
0x371: {  	[tilespmem:s18+$0x13000] =	vst v1  }
0x372: {  	v1 =	vld.idx.msk [tilespmem:v2+s3+$0x0], $0xffff  }
0x373: {  	v2 =	vadd.s32 $0x1F40, v0;
	_ =	sdelay $0x3  }
0x374: {  	[tilespmem:s18+$0x13080] =	vst v1  }
0x375: {  	v1 =	vld.idx.msk [tilespmem:v2+s3+$0x0], $0xffff  }
0x376: {  	v2 =	vadd.s32 $0x2328, v0;
	_ =	sdelay $0x3  }
0x377: {  	[tilespmem:s18+$0x13D00] =	vst v1  }
0x378: {  	v5 =	vld.idx.msk [tilespmem:v2+s3+$0x0], $0xffff  }
0x379: {  	v48 =	vld.idx.msk [tilespmem:v7+s18+$0x70 ss:$0x1], $0xffff  }
0x37a: {  	v4 =	vld.idx.msk [tilespmem:v7+s18+$0x20 ss:$0x1], $0xffff  }
0x37b: {  	v6 =	vadd.s32 $0x2710, v0;
	v2 =	vld.idx.msk [tilespmem:v7+s18+$0x10 ss:$0x1], $0xffff  }
0x37c: {  	v23 =	vld.idx.msk [tilespmem:v7+s18+$0x30 ss:$0x1], $0xffff  }
0x37d: {  	v3 =	vld.idx.msk [tilespmem:v7+s18+$0x40 ss:$0x1], $0xffff;
	[tilespmem:s18+$0x13D80] =	vst v5  }
0x37e: {  	v15 =	vld.idx.msk [tilespmem:v7+s18+$0x50 ss:$0x1], $0xffff;
	[tilespmem:$0x1F860] =	vst v7  }
0x37f: {  	v25 =	vld.idx.msk [tilespmem:v7+s18+$0x60 ss:$0x1], $0xffff  }
0x380: {  	v5 =	vld.idx.msk [tilespmem:v6+s3+$0x0], $0xffff  }
0x381: {  	v6 =	vld.idx.msk [tilespmem:v48+s3+$0x0], $0xffff  }
0x382: {  	v8 =	vld.idx.msk [tilespmem:v4+s3+$0x0], $0xffff  }
0x383: {  	v9 =	vadd.s32 $0x3E8, v48;
	v7 =	vld.idx.msk [tilespmem:v2+s3+$0x0], $0xffff  }
0x384: {  	v12 =	vadd.s32 $0x3E8, v4  }
0x385: {  	v10 =	vadd.s32 $0x3E8, v2;
	v11 =	vld.idx.msk [tilespmem:v23+s3+$0x0], $0xffff;
	[tilespmem:s18+$0x13E00] =	vst v5  }
0x386: {  	v13 =	vld.idx.msk [tilespmem:v3+s3+$0x0], $0xffff;
	[tilespmem:s18+$0x12D70] =	vst v6  }
0x387: {  	v14 =	vadd.s32 $0x3E8, v23;
	v5 =	vld.idx.msk [tilespmem:v15+s3+$0x0], $0xffff;
	[tilespmem:s18+$0x12D20] =	vst v8  }
0x388: {  	v16 =	vadd.s32 $0x3E8, v3;
	[tilespmem:s18+$0x12D10] =	vst v7;
	v7 =	vld.idx.msk [tilespmem:v9+s3+$0x0], $0xffff  }
0x389: {  	v6 =	vadd.s32 $0x3E8, v15;
	v8 =	vld.idx.msk [tilespmem:v12+s3+$0x0], $0xffff  }
0x38a: {  	[tilespmem:s18+$0x12D30] =	vst v11;
	v11 =	vadd.s32 $0x7D0, v48;
	v10 =	vld.idx.msk [tilespmem:v10+s3+$0x0], $0xffff  }
0x38b: {  	[tilespmem:s18+$0x12D40] =	vst v13;
	v13 =	vadd.s32 $0x7D0, v4;
	v17 =	vld.idx.msk [tilespmem:v25+s3+$0x0], $0xffff  }
0x38c: {  	v12 =	vadd.s32 $0x7D0, v2;
	v14 =	vld.idx.msk [tilespmem:v14+s3+$0x0], $0xffff;
	[tilespmem:s18+$0x12D50] =	vst v5  }
0x38d: {  	v9 =	vadd.s32 $0x3E8, v25;
	v16 =	vld.idx.msk [tilespmem:v16+s3+$0x0], $0xffff;
	[tilespmem:s18+$0x12DF0] =	vst v7  }
0x38e: {  	v5 =	vadd.s32 $0x7D0, v23;
	v6 =	vld.idx.msk [tilespmem:v6+s3+$0x0], $0xffff;
	[tilespmem:s18+$0x12DA0] =	vst v8  }
0x38f: {  	v7 =	vadd.s32 $0x7D0, v15;
	[tilespmem:s18+$0x12D90] =	vst v10;
	v10 =	vld.idx.msk [tilespmem:v11+s3+$0x0], $0xffff  }
0x390: {  	v8 =	vld.idx.msk [tilespmem:v13+s3+$0x0], $0xffff;
	[tilespmem:s18+$0x12D60] =	vst v17;
	v17 =	vadd.s32 $0x7D0, v3  }
0x391: {  	[tilespmem:s18+$0x12DB0] =	vst v14;
	v13 =	vadd.s32 $0xBB8, v48;
	v12 =	vld.idx.msk [tilespmem:v12+s3+$0x0], $0xffff  }
0x392: {  	[tilespmem:s18+$0x12DC0] =	vst v16;
	v16 =	vadd.s32 $0xBB8, v4;
	v9 =	vld.idx.msk [tilespmem:v9+s3+$0x0], $0xffff  }
0x393: {  	v14 =	vadd.s32 $0xBB8, v2;
	v5 =	vld.idx.msk [tilespmem:v5+s3+$0x0], $0xffff;
	[tilespmem:s18+$0x12DD0] =	vst v6  }
0x394: {  	v11 =	vadd.s32 $0x7D0, v25;
	v7 =	vld.idx.msk [tilespmem:v7+s3+$0x0], $0xffff;
	[tilespmem:s18+$0x12E70] =	vst v10  }
0x395: {  	v6 =	vadd.s32 $0xBB8, v23;
	[tilespmem:s18+$0x12E20] =	vst v8;
	v17 =	vld.idx.msk [tilespmem:v17+s3+$0x0], $0xffff  }
0x396: {  	v10 =	vadd.s32 $0xBB8, v15;
	[tilespmem:s18+$0x12E10] =	vst v12;
	v12 =	vld.idx.msk [tilespmem:v13+s3+$0x0], $0xffff  }
0x397: {  	v8 =	vld.idx.msk [tilespmem:v16+s3+$0x0], $0xffff;
	[tilespmem:s18+$0x12DE0] =	vst v9;
	v9 =	vadd.s32 $0xBB8, v3  }
0x398: {  	v14 =	vld.idx.msk [tilespmem:v14+s3+$0x0], $0xffff;
	[tilespmem:s18+$0x12E30] =	vst v5;
	v5 =	vadd.s32 $0xFA0, v48  }
0x399: {  	v16 =	vadd.s32 $0xFA0, v2;
	v11 =	vld.idx.msk [tilespmem:v11+s3+$0x0], $0xffff;
	[tilespmem:s18+$0x12E50] =	vst v7  }
0x39a: {  	v13 =	vadd.s32 $0xBB8, v25;
	v6 =	vld.idx.msk [tilespmem:v6+s3+$0x0], $0xffff;
	[tilespmem:s18+$0x12E40] =	vst v17  }
0x39b: {  	v7 =	vadd.s32 $0xFA0, v23;
	v10 =	vld.idx.msk [tilespmem:v10+s3+$0x0], $0xffff;
	[tilespmem:s18+$0x12EF0] =	vst v12  }
0x39c: {  	v17 =	vadd.s32 $0xFA0, v4;
	[tilespmem:s18+$0x12EA0] =	vst v8;
	v9 =	vld.idx.msk [tilespmem:v9+s3+$0x0], $0xffff  }
0x39d: {  	v12 =	vadd.s32 $0xFA0, v15;
	[tilespmem:s18+$0x12E90] =	vst v14;
	v5 =	vld.idx.msk [tilespmem:v5+s3+$0x0], $0xffff  }
0x39e: {  	[tilespmem:s18+$0x12E60] =	vst v11;
	v11 =	vadd.s32 $0xFA0, v3;
	v16 =	vld.idx.msk [tilespmem:v16+s3+$0x0], $0xffff  }
0x39f: {  	v13 =	vld.idx.msk [tilespmem:v13+s3+$0x0], $0xffff;
	[tilespmem:s18+$0x12EB0] =	vst v6;
	v6 =	vadd.s32 $0x1388, v48  }
0x3a0: {  	v14 =	vadd.s32 $0xFA0, v25;
	v7 =	vld.idx.msk [tilespmem:v7+s3+$0x0], $0xffff;
	[tilespmem:s18+$0x12ED0] =	vst v10  }
0x3a1: {  	v8 =	vld.idx.msk [tilespmem:v17+s3+$0x0], $0xffff;
	v17 =	vadd.s32 $0x1388, v2;
	[tilespmem:s18+$0x12EC0] =	vst v9  }
0x3a2: {  	v10 =	vadd.s32 $0x1388, v23;
	v12 =	vld.idx.msk [tilespmem:v12+s3+$0x0], $0xffff;
	[tilespmem:s18+$0x12F70] =	vst v5  }
0x3a3: {  	v9 =	vadd.s32 $0x1388, v4;
	v11 =	vld.idx.msk [tilespmem:v11+s3+$0x0], $0xffff;
	[tilespmem:s18+$0x12F10] =	vst v16  }
0x3a4: {  	v5 =	vadd.s32 $0x1388, v15;
	[tilespmem:s18+$0x12EE0] =	vst v13;
	v6 =	vld.idx.msk [tilespmem:v6+s3+$0x0], $0xffff  }
0x3a5: {  	v13 =	vadd.s32 $0x1388, v3;
	v14 =	vld.idx.msk [tilespmem:v14+s3+$0x0], $0xffff;
	[tilespmem:s18+$0x12F30] =	vst v7  }
0x3a6: {  	v7 =	vadd.s32 $0x1770, v48;
	v17 =	vld.idx.msk [tilespmem:v17+s3+$0x0], $0xffff;
	[tilespmem:s18+$0x12F20] =	vst v8  }
0x3a7: {  	v16 =	vadd.s32 $0x1388, v25;
	v10 =	vld.idx.msk [tilespmem:v10+s3+$0x0], $0xffff;
	[tilespmem:s18+$0x12F50] =	vst v12  }
0x3a8: {  	v8 =	vld.idx.msk [tilespmem:v9+s3+$0x0], $0xffff;
	v9 =	vadd.s32 $0x1770, v2;
	[tilespmem:s18+$0x12F40] =	vst v11  }
0x3a9: {  	v12 =	vadd.s32 $0x1770, v23;
	v5 =	vld.idx.msk [tilespmem:v5+s3+$0x0], $0xffff;
	[tilespmem:s18+$0x12FF0] =	vst v6  }
0x3aa: {  	v11 =	vadd.s32 $0x1770, v4;
	v13 =	vld.idx.msk [tilespmem:v13+s3+$0x0], $0xffff;
	[tilespmem:s18+$0x12F60] =	vst v14  }
0x3ab: {  	v6 =	vadd.s32 $0x1770, v15;
	v7 =	vld.idx.msk [tilespmem:v7+s3+$0x0], $0xffff;
	[tilespmem:s18+$0x12F90] =	vst v17  }
0x3ac: {  	v14 =	vadd.s32 $0x1770, v3;
	v16 =	vld.idx.msk [tilespmem:v16+s3+$0x0], $0xffff;
	[tilespmem:s18+$0x12FB0] =	vst v10  }
0x3ad: {  	v17 =	vadd.s32 $0x1770, v25;
	v9 =	vld.idx.msk [tilespmem:v9+s3+$0x0], $0xffff;
	[tilespmem:s18+$0x12FA0] =	vst v8  }
0x3ae: {  	v10 =	vadd.s32 $0x1B58, v48;
	v12 =	vld.idx.msk [tilespmem:v12+s3+$0x0], $0xffff;
	[tilespmem:s18+$0x12FD0] =	vst v5  }
0x3af: {  	v8 =	vld.idx.msk [tilespmem:v11+s3+$0x0], $0xffff;
	v11 =	vadd.s32 $0x1B58, v2;
	[tilespmem:s18+$0x12FC0] =	vst v13  }
0x3b0: {  	v5 =	vadd.s32 $0x1B58, v23;
	v6 =	vld.idx.msk [tilespmem:v6+s3+$0x0], $0xffff;
	[tilespmem:s18+$0x13070] =	vst v7  }
0x3b1: {  	v13 =	vadd.s32 $0x1B58, v4;
	v14 =	vld.idx.msk [tilespmem:v14+s3+$0x0], $0xffff;
	[tilespmem:s18+$0x12FE0] =	vst v16  }
0x3b2: {  	v7 =	vadd.s32 $0x1B58, v15;
	v17 =	vld.idx.msk [tilespmem:v17+s3+$0x0], $0xffff;
	[tilespmem:s18+$0x13010] =	vst v9  }
0x3b3: {  	v16 =	vadd.s32 $0x1B58, v3;
	v9 =	vld.idx.msk [tilespmem:v10+s3+$0x0], $0xffff;
	[tilespmem:s18+$0x13030] =	vst v12  }
0x3b4: {  	v10 =	vadd.s32 $0x1B58, v25;
	v11 =	vld.idx.msk [tilespmem:v11+s3+$0x0], $0xffff;
	[tilespmem:s18+$0x13020] =	vst v8  }
0x3b5: {  	v12 =	vadd.s32 $0x1F40, v48;
	v5 =	vld.idx.msk [tilespmem:v5+s3+$0x0], $0xffff;
	[tilespmem:s18+$0x13050] =	vst v6  }
0x3b6: {  	v8 =	vld.idx.msk [tilespmem:v13+s3+$0x0], $0xffff;
	v13 =	vadd.s32 $0x1F40, v2;
	[tilespmem:s18+$0x13040] =	vst v14  }
0x3b7: {  	v6 =	vadd.s32 $0x1F40, v23;
	v7 =	vld.idx.msk [tilespmem:v7+s3+$0x0], $0xffff;
	[tilespmem:s18+$0x13060] =	vst v17  }
0x3b8: {  	v14 =	vadd.s32 $0x1F40, v4;
	v16 =	vld.idx.msk [tilespmem:v16+s3+$0x0], $0xffff;
	[tilespmem:s18+$0x130F0] =	vst v9  }
0x3b9: {  	v17 =	vadd.s32 $0x1F40, v3;
	v10 =	vld.idx.msk [tilespmem:v10+s3+$0x0], $0xffff;
	[tilespmem:s18+$0x13090] =	vst v11  }
0x3ba: {  	v9 =	vadd.s32 $0x1F40, v15;
	v11 =	vld.idx.msk [tilespmem:v12+s3+$0x0], $0xffff;
	[tilespmem:s18+$0x130B0] =	vst v5  }
0x3bb: {  	v12 =	vadd.s32 $0x1F40, v25;
	v13 =	vld.idx.msk [tilespmem:v13+s3+$0x0], $0xffff;
	[tilespmem:s18+$0x130A0] =	vst v8  }
0x3bc: {  	v5 =	vadd.s32 $0x2328, v48;
	v6 =	vld.idx.msk [tilespmem:v6+s3+$0x0], $0xffff;
	[tilespmem:s18+$0x130D0] =	vst v7  }
0x3bd: {  	v8 =	vld.idx.msk [tilespmem:v14+s3+$0x0], $0xffff;
	v14 =	vadd.s32 $0x2328, v2;
	[tilespmem:s18+$0x130C0] =	vst v16  }
0x3be: {  	v7 =	vadd.s32 $0x2328, v23;
	v17 =	vld.idx.msk [tilespmem:v17+s3+$0x0], $0xffff;
	[tilespmem:s18+$0x130E0] =	vst v10  }
0x3bf: {  	v16 =	vadd.s32 $0x2328, v4;
	v9 =	vld.idx.msk [tilespmem:v9+s3+$0x0], $0xffff;
	[tilespmem:s18+$0x13D70] =	vst v11  }
0x3c0: {  	v10 =	vadd.s32 $0x2328, v3;
	v12 =	vld.idx.msk [tilespmem:v12+s3+$0x0], $0xffff;
	[tilespmem:s18+$0x13D10] =	vst v13  }
0x3c1: {  	v11 =	vadd.s32 $0x2328, v15;
	v5 =	vld.idx.msk [tilespmem:v5+s3+$0x0], $0xffff;
	[tilespmem:s18+$0x13D30] =	vst v6  }
0x3c2: {  	v13 =	vadd.s32 $0x2328, v25;
	v14 =	vld.idx.msk [tilespmem:v14+s3+$0x0], $0xffff;
	[tilespmem:s18+$0x13D20] =	vst v8  }
0x3c3: {  	v6 =	vadd.s32 $0x2710, v48;
	v7 =	vld.idx.msk [tilespmem:v7+s3+$0x0], $0xffff;
	[tilespmem:s18+$0x13D40] =	vst v17  }
0x3c4: {  	v8 =	vld.idx.msk [tilespmem:v16+s3+$0x0], $0xffff;
	v16 =	vadd.s32 $0x2710, v2;
	[tilespmem:s18+$0x13D50] =	vst v9  }
0x3c5: {  	v17 =	vadd.s32 $0x2710, v4;
	v10 =	vld.idx.msk [tilespmem:v10+s3+$0x0], $0xffff;
	[tilespmem:s18+$0x13D60] =	vst v12  }
0x3c6: {  	v9 =	vadd.s32 $0x2710, v23;
	v11 =	vld.idx.msk [tilespmem:v11+s3+$0x0], $0xffff;
	[tilespmem:s18+$0x13DF0] =	vst v5  }
0x3c7: {  	v12 =	vadd.s32 $0x2710, v3;
	v13 =	vld.idx.msk [tilespmem:v13+s3+$0x0], $0xffff;
	[tilespmem:s18+$0x13D90] =	vst v14  }
0x3c8: {  	v5 =	vadd.s32 $0x2710, v15;
	v6 =	vld.idx.msk [tilespmem:v6+s3+$0x0], $0xffff;
	[tilespmem:s18+$0x13DB0] =	vst v7  }
0x3c9: {  	v14 =	vadd.s32 $0x2710, v25;
	v16 =	vld.idx.msk [tilespmem:v16+s3+$0x0], $0xffff;
	[tilespmem:s18+$0x13DA0] =	vst v8  }
0x3ca: {  	v7 =	vadd.s32 $0x2AF8, v48;
	v8 =	vld.idx.msk [tilespmem:v17+s3+$0x0], $0xffff;
	[tilespmem:s18+$0x13DC0] =	vst v10  }
0x3cb: {  	v17 =	vadd.s32 $0x2AF8, v2;
	v9 =	vld.idx.msk [tilespmem:v9+s3+$0x0], $0xffff;
	[tilespmem:s18+$0x13DD0] =	vst v11  }
0x3cc: {  	v10 =	vadd.s32 $0x2AF8, v4;
	v12 =	vld.idx.msk [tilespmem:v12+s3+$0x0], $0xffff;
	[tilespmem:s18+$0x13DE0] =	vst v13  }
0x3cd: {  	v11 =	vadd.s32 $0x2AF8, v23;
	v5 =	vld.idx.msk [tilespmem:v5+s3+$0x0], $0xffff;
	[tilespmem:s18+$0x13E70] =	vst v6  }
0x3ce: {  	v13 =	vadd.s32 $0x2AF8, v3;
	v14 =	vld.idx.msk [tilespmem:v14+s3+$0x0], $0xffff;
	[tilespmem:s18+$0x13E10] =	vst v16  }
0x3cf: {  	v6 =	vadd.s32 $0x2AF8, v15;
	v7 =	vld.idx.msk [tilespmem:v7+s3+$0x0], $0xffff;
	[tilespmem:s18+$0x13E20] =	vst v8  }
0x3d0: {  	v16 =	vadd.s32 $0x2AF8, v25;
	v17 =	vld.idx.msk [tilespmem:v17+s3+$0x0], $0xffff;
	[tilespmem:s18+$0x13E30] =	vst v9  }
0x3d1: {  	v9 =	vadd.s32 $0x2EE0, v48;
	v8 =	vld.idx.msk [tilespmem:v10+s3+$0x0], $0xffff;
	[tilespmem:s18+$0x13E40] =	vst v12  }
0x3d2: {  	v10 =	vadd.s32 $0x2AF8, v0;
	v11 =	vld.idx.msk [tilespmem:v11+s3+$0x0], $0xffff;
	[tilespmem:s18+$0x13E50] =	vst v5  }
0x3d3: {  	v12 =	vadd.s32 $0x2EE0, v2;
	v13 =	vld.idx.msk [tilespmem:v13+s3+$0x0], $0xffff;
	[tilespmem:s18+$0x13E60] =	vst v14  }
0x3d4: {  	v5 =	vadd.s32 $0x2EE0, v4;
	v6 =	vld.idx.msk [tilespmem:v6+s3+$0x0], $0xffff;
	[tilespmem:s18+$0x13EF0] =	vst v7  }
0x3d5: {  	v14 =	vadd.s32 $0x2EE0, v23;
	v16 =	vld.idx.msk [tilespmem:v16+s3+$0x0], $0xffff;
	[tilespmem:s18+$0x13E90] =	vst v17  }
0x3d6: {  	v7 =	vadd.s32 $0x2EE0, v3;
	v9 =	vld.idx.msk [tilespmem:v9+s3+$0x0], $0xffff;
	[tilespmem:s18+$0x13EA0] =	vst v8  }
0x3d7: {  	v17 =	vadd.s32 $0x2EE0, v15;
	v10 =	vld.idx.msk [tilespmem:v10+s3+$0x0], $0xffff;
	[tilespmem:s18+$0x13EB0] =	vst v11  }
0x3d8: {  	v11 =	vadd.s32 $0x32C8, v48;
	v8 =	vld.idx.msk [tilespmem:v12+s3+$0x0], $0xffff;
	[tilespmem:s18+$0x13EC0] =	vst v13  }
0x3d9: {  	v12 =	vadd.s32 $0x2EE0, v25;
	v5 =	vld.idx.msk [tilespmem:v5+s3+$0x0], $0xffff;
	[tilespmem:s18+$0x13ED0] =	vst v6  }
0x3da: {  	v13 =	vadd.s32 $0x2EE0, v0;
	v14 =	vld.idx.msk [tilespmem:v14+s3+$0x0], $0xffff;
	[tilespmem:s18+$0x13EE0] =	vst v16  }
0x3db: {  	v6 =	vadd.s32 $0x32C8, v2;
	v7 =	vld.idx.msk [tilespmem:v7+s3+$0x0], $0xffff;
	[tilespmem:s18+$0x13F70] =	vst v9  }
0x3dc: {  	v16 =	vadd.s32 $0x32C8, v4;
	v17 =	vld.idx.msk [tilespmem:v17+s3+$0x0], $0xffff;
	[tilespmem:s18+$0x13E80] =	vst v10  }
0x3dd: {  	v9 =	vadd.s32 $0x32C8, v23;
	v10 =	vld.idx.msk [tilespmem:v11+s3+$0x0], $0xffff;
	[tilespmem:s18+$0x13F10] =	vst v8  }
0x3de: {  	v11 =	vadd.s32 $0x32C8, v3;
	v8 =	vld.idx.msk [tilespmem:v12+s3+$0x0], $0xffff;
	[tilespmem:s18+$0x13F20] =	vst v5  }
0x3df: {  	v5 =	vadd.s32 $0x36B0, v48;
	v12 =	vld.idx.msk [tilespmem:v13+s3+$0x0], $0xffff;
	[tilespmem:s18+$0x13F30] =	vst v14  }
0x3e0: {  	v13 =	vadd.s32 $0x32C8, v15;
	v6 =	vld.idx.msk [tilespmem:v6+s3+$0x0], $0xffff;
	[tilespmem:s18+$0x13F40] =	vst v7  }
0x3e1: {  	v14 =	vadd.s32 $0x32C8, v25;
	v16 =	vld.idx.msk [tilespmem:v16+s3+$0x0], $0xffff;
	[tilespmem:s18+$0x13F50] =	vst v17  }
0x3e2: {  	v7 =	vadd.s32 $0x32C8, v0;
	v9 =	vld.idx.msk [tilespmem:v9+s3+$0x0], $0xffff;
	[tilespmem:s18+$0x13FF0] =	vst v10  }
0x3e3: {  	v17 =	vadd.s32 $0x36B0, v2;
	v11 =	vld.idx.msk [tilespmem:v11+s3+$0x0], $0xffff;
	[tilespmem:s18+$0x13F60] =	vst v8  }
0x3e4: {  	v10 =	vadd.s32 $0x36B0, v4;
	v5 =	vld.idx.msk [tilespmem:v5+s3+$0x0], $0xffff;
	[tilespmem:s18+$0x13F00] =	vst v12  }
0x3e5: {  	v8 =	vadd.s32 $0x36B0, v23;
	v12 =	vld.idx.msk [tilespmem:v13+s3+$0x0], $0xffff;
	[tilespmem:s18+$0x13F90] =	vst v6  }
0x3e6: {  	v13 =	vadd.s32 $0x3A98, v48;
	v6 =	vld.idx.msk [tilespmem:v14+s3+$0x0], $0xffff;
	[tilespmem:s18+$0x13FA0] =	vst v16  }
0x3e7: {  	v14 =	vadd.s32 $0x36B0, v3;
	v7 =	vld.idx.msk [tilespmem:v7+s3+$0x0], $0xffff;
	[tilespmem:s18+$0x13FB0] =	vst v9  }
0x3e8: {  	v16 =	vadd.s32 $0x36B0, v15;
	v17 =	vld.idx.msk [tilespmem:v17+s3+$0x0], $0xffff;
	[tilespmem:s18+$0x13FC0] =	vst v11  }
0x3e9: {  	v9 =	vadd.s32 $0x36B0, v25;
	v10 =	vld.idx.msk [tilespmem:v10+s3+$0x0], $0xffff;
	[tilespmem:s18+$0x14070] =	vst v5  }
0x3ea: {  	v11 =	vadd.s32 $0x36B0, v0;
	v8 =	vld.idx.msk [tilespmem:v8+s3+$0x0], $0xffff;
	[tilespmem:s18+$0x13FD0] =	vst v12  }
0x3eb: {  	v5 =	vadd.s32 $0x3A98, v2;
	v12 =	vld.idx.msk [tilespmem:v13+s3+$0x0], $0xffff;
	[tilespmem:s18+$0x13FE0] =	vst v6  }
0x3ec: {  	v13 =	vadd.s32 $0x3A98, v4;
	v14 =	vld.idx.msk [tilespmem:v14+s3+$0x0], $0xffff;
	[tilespmem:s18+$0x13F80] =	vst v7  }
0x3ed: {  	v7 =	vadd.s32 $0x3E80, v48;
	v6 =	vld.idx.msk [tilespmem:v16+s3+$0x0], $0xffff;
	[tilespmem:s18+$0x14010] =	vst v17  }
0x3ee: {  	v16 =	vadd.s32 $0x3A98, v23;
	v9 =	vld.idx.msk [tilespmem:v9+s3+$0x0], $0xffff;
	[tilespmem:s18+$0x14020] =	vst v10  }
0x3ef: {  	v17 =	vadd.s32 $0x3A98, v3;
	v11 =	vld.idx.msk [tilespmem:v11+s3+$0x0], $0xffff;
	[tilespmem:s18+$0x14030] =	vst v8  }
0x3f0: {  	v10 =	vadd.s32 $0x3A98, v15;
	v5 =	vld.idx.msk [tilespmem:v5+s3+$0x0], $0xffff;
	[tilespmem:s18+$0x140F0] =	vst v12  }
0x3f1: {  	v8 =	vadd.s32 $0x3A98, v25;
	v13 =	vld.idx.msk [tilespmem:v13+s3+$0x0], $0xffff;
	[tilespmem:s18+$0x14040] =	vst v14  }
0x3f2: {  	v12 =	vadd.s32 $0x3A98, v0;
	v7 =	vld.idx.msk [tilespmem:v7+s3+$0x0], $0xffff;
	[tilespmem:s18+$0x14050] =	vst v6  }
0x3f3: {  	v14 =	vadd.s32 $0x3E80, v2;
	v16 =	vld.idx.msk [tilespmem:v16+s3+$0x0], $0xffff;
	[tilespmem:s18+$0x14060] =	vst v9  }
0x3f4: {  	v6 =	vld.idx.msk [tilespmem:v17+s3+$0x0], $0xffff;
	v9 =	vadd.s32 $0x4268, v48;
	[tilespmem:s18+$0x14000] =	vst v11  }
0x3f5: {  	v17 =	vadd.s32 $0x3E80, v4;
	v10 =	vld.idx.msk [tilespmem:v10+s3+$0x0], $0xffff;
	[tilespmem:s18+$0x14090] =	vst v5  }
0x3f6: {  	v11 =	vadd.s32 $0x3E80, v23;
	v5 =	vld.idx.msk [tilespmem:v8+s3+$0x0], $0xffff;
	[tilespmem:s18+$0x140A0] =	vst v13  }
0x3f7: {  	v8 =	vadd.s32 $0x3E80, v3;
	v12 =	vld.idx.msk [tilespmem:v12+s3+$0x0], $0xffff;
	[tilespmem:s18+$0x14D70] =	vst v7  }
0x3f8: {  	v13 =	vadd.s32 $0x3E80, v15;
	v14 =	vld.idx.msk [tilespmem:v14+s3+$0x0], $0xffff;
	[tilespmem:s18+$0x140B0] =	vst v16  }
0x3f9: {  	v7 =	vadd.s32 $0x3E80, v25;
	v9 =	vld.idx.msk [tilespmem:v9+s3+$0x0], $0xffff;
	[tilespmem:s18+$0x140C0] =	vst v6  }
0x3fa: {  	v16 =	vadd.s32 $0x3E80, v0;
	v17 =	vld.idx.msk [tilespmem:v17+s3+$0x0], $0xffff;
	[tilespmem:s18+$0x140D0] =	vst v10  }
0x3fb: {  	v6 =	vld.idx.msk [tilespmem:v11+s3+$0x0], $0xffff;
	v10 =	vadd.s32 $0x4650, v48;
	[tilespmem:s18+$0x140E0] =	vst v5  }
0x3fc: {  	v11 =	vadd.s32 $0x4268, v2;
	v8 =	vld.idx.msk [tilespmem:v8+s3+$0x0], $0xffff;
	[tilespmem:s18+$0x14080] =	vst v12  }
0x3fd: {  	v5 =	vadd.s32 $0x4268, v4;
	v12 =	vld.idx.msk [tilespmem:v13+s3+$0x0], $0xffff;
	[tilespmem:s18+$0x14D10] =	vst v14  }
0x3fe: {  	v13 =	vadd.s32 $0x4268, v23;
	v7 =	vld.idx.msk [tilespmem:v7+s3+$0x0], $0xffff;
	[tilespmem:s18+$0x14DF0] =	vst v9  }
0x3ff: {  	v14 =	vadd.s32 $0x4268, v3;
	v16 =	vld.idx.msk [tilespmem:v16+s3+$0x0], $0xffff;
	[tilespmem:s18+$0x14D20] =	vst v17  }
0x400: {  	v9 =	vadd.s32 $0x4268, v15;
	v10 =	vld.idx.msk [tilespmem:v10+s3+$0x0], $0xffff;
	[tilespmem:s18+$0x14D30] =	vst v6  }
0x401: {  	v17 =	vadd.s32 $0x4268, v25;
	v11 =	vld.idx.msk [tilespmem:v11+s3+$0x0], $0xffff;
	[tilespmem:s18+$0x14D40] =	vst v8  }
0x402: {  	v6 =	vadd.s32 $0x4A38, v48;
	v5 =	vld.idx.msk [tilespmem:v5+s3+$0x0], $0xffff;
	[tilespmem:s18+$0x14D50] =	vst v12  }
0x403: {  	v8 =	vadd.s32 $0x4268, v0;
	v13 =	vld.idx.msk [tilespmem:v13+s3+$0x0], $0xffff;
	[tilespmem:s18+$0x14D60] =	vst v7  }
0x404: {  	v12 =	vadd.s32 $0x4650, v2;
	v14 =	vld.idx.msk [tilespmem:v14+s3+$0x0], $0xffff;
	[tilespmem:s18+$0x14D00] =	vst v16  }
0x405: {  	v7 =	vadd.s32 $0x4650, v4;
	v9 =	vld.idx.msk [tilespmem:v9+s3+$0x0], $0xffff;
	[tilespmem:s18+$0x14E70] =	vst v10  }
0x406: {  	v16 =	vadd.s32 $0x4650, v23;
	v17 =	vld.idx.msk [tilespmem:v17+s3+$0x0], $0xffff;
	[tilespmem:s18+$0x14D90] =	vst v11  }
0x407: {  	v10 =	vadd.s32 $0x4650, v3;
	v6 =	vld.idx.msk [tilespmem:v6+s3+$0x0], $0xffff;
	[tilespmem:s18+$0x14DA0] =	vst v5  }
0x408: {  	v11 =	vadd.s32 $0x4650, v15;
	v8 =	vld.idx.msk [tilespmem:v8+s3+$0x0], $0xffff;
	[tilespmem:s18+$0x14DB0] =	vst v13  }
0x409: {  	v5 =	vld.idx.msk [tilespmem:v12+s3+$0x0], $0xffff;
	v12 =	vadd.s32 $0x4E20, v48;
	[tilespmem:s18+$0x14DC0] =	vst v14  }
0x40a: {  	v13 =	vadd.s32 $0x4650, v25;
	v7 =	vld.idx.msk [tilespmem:v7+s3+$0x0], $0xffff;
	[tilespmem:s18+$0x14DD0] =	vst v9  }
0x40b: {  	v14 =	vadd.s32 $0x4650, v0;
	v16 =	vld.idx.msk [tilespmem:v16+s3+$0x0], $0xffff;
	[tilespmem:s18+$0x14DE0] =	vst v17  }
0x40c: {  	v9 =	vadd.s32 $0x4A38, v2;
	v10 =	vld.idx.msk [tilespmem:v10+s3+$0x0], $0xffff;
	[tilespmem:s18+$0x14EF0] =	vst v6  }
0x40d: {  	v17 =	vadd.s32 $0x4A38, v4;
	v11 =	vld.idx.msk [tilespmem:v11+s3+$0x0], $0xffff;
	[tilespmem:s18+$0x14D80] =	vst v8  }
0x40e: {  	v6 =	vadd.s32 $0x4A38, v23;
	v8 =	vld.idx.msk [tilespmem:v12+s3+$0x0], $0xffff;
	[tilespmem:s18+$0x14E10] =	vst v5  }
0x40f: {  	v12 =	vadd.s32 $0x4A38, v3;
	v5 =	vld.idx.msk [tilespmem:v13+s3+$0x0], $0xffff;
	[tilespmem:s18+$0x14E20] =	vst v7  }
0x410: {  	v13 =	vld.idx.msk [tilespmem:v14+s3+$0x0], $0xffff;
	v7 =	vadd.s32 $0x5208, v48;
	[tilespmem:s18+$0x14E30] =	vst v16  }
0x411: {  	v14 =	vadd.s32 $0x4A38, v15;
	v9 =	vld.idx.msk [tilespmem:v9+s3+$0x0], $0xffff;
	[tilespmem:s18+$0x14E40] =	vst v10  }
0x412: {  	v16 =	vadd.s32 $0x4A38, v25;
	v17 =	vld.idx.msk [tilespmem:v17+s3+$0x0], $0xffff;
	[tilespmem:s18+$0x14E50] =	vst v11  }
0x413: {  	v6 =	vld.idx.msk [tilespmem:v6+s3+$0x0], $0xffff;
	[tilespmem:s18+$0x14F70] =	vst v8  }
0x414: {  	v10 =	vadd.s32 $0x4A38, v0;
	v12 =	vld.idx.msk [tilespmem:v12+s3+$0x0], $0xffff;
	[tilespmem:s18+$0x14E60] =	vst v5  }
0x415: {  	v5 =	vld.idx.msk [tilespmem:v7+s3+$0x0], $0xffff;
	[tilespmem:s18+$0x14E00] =	vst v13  }
0x416: {  	v1 =	vadd.s32 $0x5DC0, v0;
	v11 =	vadd.s32 $0x4E20, v2;
	v13 =	vld.idx.msk [tilespmem:v14+s3+$0x0], $0xffff;
	[tilespmem:s18+$0x14E90] =	vst v9  }
0x417: {  	v8 =	vadd.s32 $0x4E20, v4;
	v9 =	vld.idx.msk [tilespmem:v16+s3+$0x0], $0xffff;
	[tilespmem:$0x1F870] =	vst v1  }
0x418: {  	v18 =	vadd.s32 $0x4E20, v23;
	v1 =	vadd.s32 $0x61A8, v0;
	[tilespmem:s18+$0x14EA0] =	vst v17  }
0x419: {  	v20 =	vadd.s32 $0x5208, v0;
	v14 =	vadd.s32 $0x55F0, v48;
	v10 =	vld.idx.msk [tilespmem:v10+s3+$0x0], $0xffff;
	[tilespmem:$0x1F880] =	vst v1  }
0x41a: {  	v22 =	vadd.s32 $0x55F0, v0;
	v47 =	vadd.s32 $0x59D8, v0;
	v16 =	vadd.s32 $0x4E20, v3;
	[tilespmem:s18+$0x14EB0] =	vst v6  }
0x41b: {  	v43 =	vadd.s32 $0x6590, v0;
	v58 =	vadd.s32 $0x6978, v0;
	v17 =	vadd.s32 $0x4E20, v15;
	v11 =	vld.idx.msk [tilespmem:v11+s3+$0x0], $0xffff;
	[tilespmem:s18+$0x14EC0] =	vst v12  }
0x41c: {  	v41 =	vadd.s32 $0x6D60, v0;
	v40 =	vadd.s32 $0x7148, v0;
	v7 =	vadd.s32 $0x4E20, v0;
	v8 =	vld.idx.msk [tilespmem:v8+s3+$0x0], $0xffff;
	[tilespmem:s18+$0x14FF0] =	vst v5  }
0x41d: {  	v39 =	vadd.s32 $0x7530, v0;
	v38 =	vadd.s32 $0x7918, v0;
	v6 =	vadd.s32 $0x4E20, v25;
	[tilespmem:s18+$0x14ED0] =	vst v13;
	v0 =	vld.idx.msk [tilespmem:v18+s3+$0x0], $0xffff  }
0x41e: {  	v5 =	vadd.s32 $0x5208, v2;
	v24 =	vld.idx.msk [tilespmem:v14+s3+$0x0], $0xffff;
	[tilespmem:s18+$0x14EE0] =	vst v9  }
0x41f: {  	v12 =	vadd.s32 $0x5208, v4;
	v30 =	vld.idx.msk [tilespmem:v16+s3+$0x0], $0xffff;
	[tilespmem:s18+$0x14E80] =	vst v10  }
0x420: {  	v59 =	vadd.s32 $0x59D8, v48;
	v10 =	vld.idx.msk [tilespmem:v17+s3+$0x0], $0xffff;
	[tilespmem:s18+$0x14F10] =	vst v11  }
0x421: {  	v21 =	vadd.s32 $0x5208, v23;
	v7 =	vld.idx.msk [tilespmem:v7+s3+$0x0], $0xffff;
	[tilespmem:s18+$0x14F20] =	vst v8  }
0x422: {  	v6 =	vld.idx.msk [tilespmem:v6+s3+$0x0], $0xffff;
	[tilespmem:s18+$0x14F30] =	vst v0  }
0x423: {  	v27 =	vadd.s32 $0x5208, v3;
	v5 =	vld.idx.msk [tilespmem:v5+s3+$0x0], $0xffff;
	[tilespmem:s18+$0x15070] =	vst v24  }
0x424: {  	v0 =	vld.idx.msk [tilespmem:v12+s3+$0x0], $0xffff;
	[tilespmem:s18+$0x14F40] =	vst v30  }
0x425: {  	v1 =	vadd.s32 $0x6590, v2;
	v8 =	vld.idx.msk [tilespmem:v59+s3+$0x0], $0xffff;
	[tilespmem:s18+$0x14F50] =	vst v10  }
0x426: {  	v21 =	vld.idx.msk [tilespmem:v21+s3+$0x0], $0xffff;
	[tilespmem:$0x1F890] =	vst v1  }
0x427: {  	v28 =	vadd.s32 $0x5208, v15;
	v1 =	vadd.s32 $0x6590, v4;
	[tilespmem:s18+$0x14F60] =	vst v6  }
0x428: {  	v10 =	vld.idx.msk [tilespmem:v27+s3+$0x0], $0xffff;
	[tilespmem:$0x1F8A0] =	vst v1;
	v1 =	vadd.s32 $0x6590, v23  }
0x429: {  	[tilespmem:$0x1F8B0] =	vst v1;
	v1 =	vadd.s32 $0x6590, v3  }
0x42a: {  	[tilespmem:$0x1F8C0] =	vst v1  }
0x42b: {  	v29 =	vadd.s32 $0x5208, v25;
	v1 =	vadd.s32 $0x6978, v2;
	[tilespmem:s18+$0x14F00] =	vst v7  }
0x42c: {  	v31 =	vadd.s32 $0x55F0, v4;
	v33 =	vadd.s32 $0x55F0, v23;
	v7 =	vld.idx.msk [tilespmem:v28+s3+$0x0], $0xffff;
	[tilespmem:$0x1F8D0] =	vst v1;
	v1 =	vadd.s32 $0x6590, v15  }
0x42d: {  	v34 =	vadd.s32 $0x55F0, v3;
	v35 =	vadd.s32 $0x55F0, v15;
	[tilespmem:$0x1F8E0] =	vst v1;
	v1 =	vadd.s32 $0x6978, v4  }
0x42e: {  	v19 =	vadd.s32 $0x59D8, v4;
	v26 =	vadd.s32 $0x59D8, v23;
	v60 =	vadd.s32 $0x61A8, v4;
	[tilespmem:$0x1F8F0] =	vst v1  }
0x42f: {  	v61 =	vadd.s32 $0x61A8, v23;
	v42 =	vadd.s32 $0x61A8, v15;
	v1 =	vadd.s32 $0x6978, v23;
	[tilespmem:s18+$0x14F90] =	vst v5  }
0x430: {  	v46 =	vadd.s32 $0x6D60, v4;
	v9 =	vadd.s32 $0x55F0, v2;
	v5 =	vld.idx.msk [tilespmem:v29+s3+$0x0], $0xffff;
	[tilespmem:$0x1F900] =	vst v1;
	v1 =	vadd.s32 $0x6978, v3  }
0x431: {  	v57 =	vadd.s32 $0x6D60, v23;
	v55 =	vadd.s32 $0x6D60, v3;
	v56 =	vadd.s32 $0x6D60, v15;
	[tilespmem:$0x1F910] =	vst v1  }
0x432: {  	v53 =	vadd.s32 $0x7148, v4;
	v6 =	vadd.s32 $0x5DC0, v48;
	[tilespmem:s18+$0x14FA0] =	vst v0;
	v0 =	vadd.s32 $0x6978, v15  }
0x433: {  	v52 =	vadd.s32 $0x7148, v23;
	v51 =	vadd.s32 $0x7148, v15;
	v32 =	vadd.s32 $0x7530, v23;
	v24 =	vld.idx.msk [tilespmem:v20+s3+$0x0], $0xffff;
	[tilespmem:$0x1F920] =	vst v0  }
0x434: {  	v50 =	vadd.s32 $0x7530, v15;
	v36 =	vadd.s32 $0x59D8, v2;
	v62 =	vadd.s32 $0x61A8, v2;
	[tilespmem:s18+$0x150F0] =	vst v8  }
0x435: {  	v54 =	vadd.s32 $0x6D60, v2;
	v45 =	vadd.s32 $0x7148, v2;
	v49 =	vadd.s32 $0x7530, v2;
	v9 =	vld.idx.msk [tilespmem:v9+s3+$0x0], $0xffff;
	[tilespmem:s18+$0x14FB0] =	vst v21  }
0x436: {  	v37 =	vadd.s32 $0x55F0, v25;
	v44 =	vadd.s32 $0x59D8, v25;
	v63 =	vadd.s32 $0x6590, v25;
	v8 =	vld.idx.msk [tilespmem:v31+s3+$0x0], $0xffff;
	[tilespmem:s18+$0x14FC0] =	vst v10  }
0x437: {  	v13 =	vadd.s32 $0x5DC0, v23;
	v18 =	vadd.s32 $0x59D8, v3;
	v16 =	vadd.s32 $0x5DC0, v2;
	[tilespmem:s18+$0x14FD0] =	vst v7;
	v6 =	vld.idx.msk [tilespmem:v6+s3+$0x0], $0xffff  }
0x438: {  	v14 =	vadd.s32 $0x5DC0, v4;
	v17 =	vadd.s32 $0x59D8, v15;
	v7 =	vadd.s32 $0x61A8, v48;
	[tilespmem:s18+$0x14FE0] =	vst v5;
	v10 =	vld.idx.msk [tilespmem:v33+s3+$0x0], $0xffff  }
0x439: {  	v11 =	vadd.s32 $0x5DC0, v15;
	v12 =	vadd.s32 $0x5DC0, v3;
	v30 =	vadd.s32 $0x7148, v3;
	v0 =	vld.idx.msk [tilespmem:v34+s3+$0x0], $0xffff;
	[tilespmem:s18+$0x14F80] =	vst v24  }
0x43a: {  	v59 =	vadd.s32 $0x61A8, v3;
	v28 =	vadd.s32 $0x7530, v4;
	v21 =	vadd.s32 $0x7918, v4;
	v4 =	vld.idx.msk [tilespmem:v35+s3+$0x0], $0xffff;
	[tilespmem:s18+$0x15010] =	vst v9  }
0x43b: {  	v29 =	vadd.s32 $0x7530, v3;
	v31 =	vadd.s32 $0x7918, v23;
	v23 =	vadd.s32 $0x7918, v3;
	v3 =	vld.idx.msk [tilespmem:v37+s3+$0x0], $0xffff;
	[tilespmem:s18+$0x15020] =	vst v8  }
0x43c: {  	v1 =	vadd.s32 $0x6978, v25;
	v20 =	vadd.s32 $0x7918, v2;
	v5 =	vadd.s32 $0x7918, v15;
	[tilespmem:s18+$0x15D70] =	vst v6;
	v6 =	vld.idx.msk [tilespmem:v22+s3+$0x0], $0xffff  }
0x43d: {  	v15 =	vadd.s32 $0x61A8, v25;
	v37 =	vadd.s32 $0x5DC0, v25;
	v35 =	vadd.s32 $0x6D60, v25;
	v7 =	vld.idx.msk [tilespmem:v7+s3+$0x0], $0xffff;
	[tilespmem:$0x1F930] =	vst v1  }
0x43e: {  	s20 =	simm.s32 $0x8;
	v34 =	vadd.s32 $0x7148, v25;
	v33 =	vadd.s32 $0x7530, v25;
	v25 =	vadd.s32 $0x7918, v25;
	[tilespmem:s18+$0x15030] =	vst v10;
	v8 =	vld.idx.msk [tilespmem:v36+s3+$0x0], $0xffff  }
.LBB2_5:
0x43f: {  	v27 =	vld [tilespmem:$0x1F860];
	_ =	sdelay $0x6  }
0x440: {  	s21 =	sshll.u32 s20, $0x7  }
0x441: {  	v2 =	vld.idx.msk [tilespmem:v27+s21+$0x0 ss:$0x1], $0xffff;
	_ =	sdelay $0x1  }
0x442: {  	[tilespmem:s18+$0x15050] =	vst v4  }
0x443: {  	[tilespmem:s18+$0x15040] =	vst v0  }
0x444: {  	[tilespmem:s18+$0x15060] =	vst v3  }
0x445: {  	[tilespmem:s18+$0x15000] =	vst v6;
	v1 =	vadd.s32 $0x2AF8, v2  }
0x446: {  	[tilespmem:$0x1F360] =	vst v1;
	v1 =	vadd.s32 $0x2EE0, v2  }
0x447: {  	[tilespmem:$0x1F3E0] =	vst v1;
	v1 =	vadd.s32 $0x32C8, v2  }
0x448: {  	[tilespmem:$0x1F450] =	vst v1;
	v1 =	vadd.s32 $0x36B0, v2  }
0x449: {  	[tilespmem:$0x1F4C0] =	vst v1;
	v1 =	vadd.s32 $0x3A98, v2  }
0x44a: {  	[tilespmem:$0x1F530] =	vst v1;
	v1 =	vadd.s32 $0x3E80, v2  }
0x44b: {  	[tilespmem:$0x1F5A0] =	vst v1;
	v1 =	vadd.s32 $0x4268, v2  }
0x44c: {  	[tilespmem:$0x1F610] =	vst v1;
	v1 =	vadd.s32 $0x4650, v2  }
0x44d: {  	[tilespmem:$0x1F680] =	vst v1;
	v1 =	vadd.s32 $0x4A38, v2  }
0x44e: {  	v9 =	vld.idx.msk [tilespmem:v19+s3+$0x0], $0xffff;
	[tilespmem:$0x1F6F0] =	vst v1;
	v1 =	vadd.s32 $0x4E20, v2  }
0x44f: {  	v4 =	vld.idx.msk [tilespmem:v26+s3+$0x0], $0xffff;
	[tilespmem:$0x1F760] =	vst v1;
	v1 =	vadd.s32 $0x5208, v2  }
0x450: {  	v3 =	vld.idx.msk [tilespmem:v18+s3+$0x0], $0xffff;
	[tilespmem:$0x1F7D0] =	vst v1;
	v1 =	vadd.s32 $0x55F0, v2  }
0x451: {  	v6 =	vld.idx.msk [tilespmem:v17+s3+$0x0], $0xffff;
	[tilespmem:$0x1F840] =	vst v1;
	v1 =	vadd.s32 $0x59D8, v2  }
0x452: {  	[tilespmem:$0x1F280] =	vst v1;
	v1 =	vld [tilespmem:$0x1F870]  }
0x453: {  	v0 =	vadd.s32 $0x6590, v48;
	[tilespmem:s18+$0x150A0] =	vst v9;
	v9 =	vld.idx.msk [tilespmem:v47+s3+$0x0], $0xffff  }
0x454: {  	[tilespmem:s18+$0x15DF0] =	vst v7;
	v17 =	vld.idx.msk [tilespmem:v2+s3+$0x0], $0xffff  }
0x455: {  	[tilespmem:s18+$0x15090] =	vst v8;
	v14 =	vld.idx.msk [tilespmem:v14+s3+$0x0], $0xffff  }
0x456: {  	v8 =	vld.idx.msk [tilespmem:v44+s3+$0x0], $0xffff;
	[tilespmem:s18+$0x150B0] =	vst v4  }
0x457: {  	v13 =	vld.idx.msk [tilespmem:v13+s3+$0x0], $0xffff;
	[tilespmem:s18+$0x150C0] =	vst v3;
	v18 =	vadd.s32 $0x3E8, v2  }
0x458: {  	v7 =	vld.idx.msk [tilespmem:v0+s3+$0x0], $0xffff;
	[tilespmem:s18+$0x15080] =	vst v9  }
0x459: {  	v19 =	vadd.s32 $0x5DC0, v2;
	v9 =	vld.idx.msk [tilespmem:v12+s3+$0x0], $0xffff;
	[tilespmem:s21+$0x12D00] =	vst v17  }
0x45a: {  	[tilespmem:s18+$0x15D20] =	vst v14;
	v14 =	vld.idx.msk [tilespmem:v1+s3+$0x0], $0xffff;
	v1 =	vmov v19  }
0x45b: {  	[tilespmem:$0x1F870] =	vst v1;
	v1 =	vld [tilespmem:$0x1F880]  }
0x45c: {  	[tilespmem:s18+$0x150E0] =	vst v8;
	v17 =	vld.idx.msk [tilespmem:v18+s3+$0x0], $0xffff  }
0x45d: {  	[tilespmem:s18+$0x15D30] =	vst v13;
	v13 =	vadd.s32 $0x7D0, v2  }
0x45e: {  	[tilespmem:s18+$0x15D40] =	vst v9;
	v9 =	vld.idx.msk [tilespmem:v60+s3+$0x0], $0xffff  }
0x45f: {  	[tilespmem:s18+$0x150D0] =	vst v6  }
0x460: {  	v10 =	vadd.s32 $0x6978, v48;
	v16 =	vld.idx.msk [tilespmem:v16+s3+$0x0], $0xffff;
	[tilespmem:s18+$0x15E70] =	vst v7  }
0x461: {  	v11 =	vld.idx.msk [tilespmem:v11+s3+$0x0], $0xffff;
	[tilespmem:s21+$0x12D80] =	vst v17  }
0x462: {  	v22 =	vadd.s32 $0x61A8, v2;
	v13 =	vld.idx.msk [tilespmem:v13+s3+$0x0], $0xffff;
	[tilespmem:s18+$0x15D00] =	vst v14  }
0x463: {  	[tilespmem:s18+$0x15DA0] =	vst v9;
	v9 =	vld.idx.msk [tilespmem:v1+s3+$0x0], $0xffff;
	v1 =	vmov v22  }
0x464: {  	[tilespmem:$0x1F880] =	vst v1;
	v1 =	vld [tilespmem:$0x1F890]  }
0x465: {  	[tilespmem:s18+$0x15D10] =	vst v16;
	v8 =	vld.idx.msk [tilespmem:v10+s3+$0x0], $0xffff  }
0x466: {  	v12 =	vadd.s32 $0x6D60, v48;
	v18 =	vld.idx.msk [tilespmem:v62+s3+$0x0], $0xffff  }
0x467: {  	[tilespmem:s18+$0x15D50] =	vst v11;
	v11 =	vld.idx.msk [tilespmem:v61+s3+$0x0], $0xffff;
	_ =	sdelay $0x2  }
0x468: {  	v16 =	vld.idx.msk [tilespmem:v37+s3+$0x0], $0xffff;
	[tilespmem:s18+$0x15EF0] =	vst v8  }
0x469: {  	v8 =	vld.idx.msk [tilespmem:v12+s3+$0x0], $0xffff;
	[tilespmem:s18+$0x15D90] =	vst v18  }
0x46a: {  	[tilespmem:s18+$0x15DB0] =	vst v11;
	v11 =	vld.idx.msk [tilespmem:v1+s3+$0x0], $0xffff  }
0x46b: {  	v1 =	vld [tilespmem:$0x1F8A0]  }
0x46c: {  	v12 =	vadd.s32 $0x7148, v48  }
0x46d: {  	[tilespmem:s18+$0x15D60] =	vst v16;
	v16 =	vld.idx.msk [tilespmem:v59+s3+$0x0], $0xffff;
	v17 =	vadd.s32 $0xBB8, v2;
	_ =	sdelay $0x2  }
0x46e: {  	v15 =	vld.idx.msk [tilespmem:v15+s3+$0x0], $0xffff;
	[tilespmem:s18+$0x15F70] =	vst v8  }
0x46f: {  	v8 =	vld.idx.msk [tilespmem:v12+s3+$0x0], $0xffff;
	[tilespmem:s21+$0x12E00] =	vst v13  }
0x470: {  	[tilespmem:s18+$0x15DC0] =	vst v16;
	v16 =	vld.idx.msk [tilespmem:v17+s3+$0x0], $0xffff  }
0x471: {  	v12 =	vadd.s32 $0x7530, v48;
	v13 =	vld.idx.msk [tilespmem:v1+s3+$0x0], $0xffff  }
0x472: {  	v1 =	vld [tilespmem:$0x1F8B0]  }
0x473: {  	[tilespmem:s18+$0x15DE0] =	vst v15;
	v15 =	vadd.s32 $0xFA0, v2  }
0x474: {  	[tilespmem:s18+$0x15FF0] =	vst v8  }
0x475: {  	v14 =	vld.idx.msk [tilespmem:v42+s3+$0x0], $0xffff;
	[tilespmem:s18+$0x15D80] =	vst v9  }
0x476: {  	v8 =	vld.idx.msk [tilespmem:v12+s3+$0x0], $0xffff;
	[tilespmem:s21+$0x12E80] =	vst v16  }
0x477: {  	v10 =	vadd.s32 $0x6590, v2;
	v12 =	vld.idx.msk [tilespmem:v43+s3+$0x0], $0xffff  }
0x478: {  	[tilespmem:s18+$0x15E20] =	vst v13;
	v13 =	vmov v10;
	v10 =	vld.idx.msk [tilespmem:v15+s3+$0x0], $0xffff  }
0x479: {  	v15 =	vld [tilespmem:$0x1F8F0]  }
0x47a: {  	[tilespmem:s18+$0x15DD0] =	vst v14;
	v14 =	vld.idx.msk [tilespmem:v1+s3+$0x0], $0xffff  }
0x47b: {  	v1 =	vld [tilespmem:$0x1F8C0];
	_ =	sdelay $0x1  }
0x47c: {  	[tilespmem:s18+$0x16070] =	vst v8;
	v8 =	vld [tilespmem:$0x1F900];
	_ =	sdelay $0x1  }
0x47d: {  	[tilespmem:s18+$0x15E10] =	vst v11;
	v11 =	vld.idx.msk [tilespmem:v63+s3+$0x0], $0xffff  }
0x47e: {  	[tilespmem:s18+$0x15E00] =	vst v12;
	v12 =	vld [tilespmem:$0x1F930]  }
0x47f: {  	[tilespmem:$0x1F3D0] =	vst v13;
	v13 =	vld [tilespmem:$0x1F8D0]  }
0x480: {  	v15 =	vld.idx.msk [tilespmem:v15+s3+$0x0], $0xffff  }
0x481: {  	v17 =	vld.idx.msk [tilespmem:v1+s3+$0x0], $0xffff  }
0x482: {  	[tilespmem:s18+$0x15E30] =	vst v14;
	v1 =	vld [tilespmem:$0x1F8E0]  }
0x483: {  	v8 =	vld.idx.msk [tilespmem:v8+s3+$0x0], $0xffff;
	_ =	sdelay $0x2  }
0x484: {  	[tilespmem:s18+$0x15E60] =	vst v11  }
0x485: {  	v14 =	vadd.s32 $0x1388, v2;
	v13 =	vld.idx.msk [tilespmem:v13+s3+$0x0], $0xffff;
	[tilespmem:s18+$0x15EA0] =	vst v15  }
0x486: {  	[tilespmem:s18+$0x15EB0] =	vst v8;
	v8 =	vld.idx.msk [tilespmem:v46+s3+$0x0], $0xffff  }
0x487: {  	v12 =	vld.idx.msk [tilespmem:v12+s3+$0x0], $0xffff  }
0x488: {  	v9 =	vld.idx.msk [tilespmem:v1+s3+$0x0], $0xffff;
	v1 =	vadd.s32 $0x7918, v48  }
0x489: {  	[tilespmem:s21+$0x12F00] =	vst v10;
	v10 =	vld [tilespmem:$0x1F920]  }
0x48a: {  	v7 =	vadd.s32 $0x6D60, v2;
	v11 =	vld.idx.msk [tilespmem:v14+s3+$0x0], $0xffff;
	[tilespmem:s18+$0x15E90] =	vst v13  }
0x48b: {  	v14 =	vld.idx.msk [tilespmem:v58+s3+$0x0], $0xffff;
	v13 =	vadd.s32 $0x1770, v2;
	[tilespmem:s18+$0x15F20] =	vst v8;
	v8 =	vmov v7  }
0x48c: {  	[tilespmem:$0x1F2A0] =	vst v8;
	v8 =	vld.idx.msk [tilespmem:v53+s3+$0x0], $0xffff  }
0x48d: {  	[tilespmem:s18+$0x15EE0] =	vst v12;
	v1 =	vld.idx.msk [tilespmem:v1+s3+$0x0], $0xffff  }
0x48e: {  	[tilespmem:s18+$0x15E50] =	vst v9;
	v9 =	vld [tilespmem:$0x1F910]  }
0x48f: {  	[tilespmem:s21+$0x12F80] =	vst v11  }
0x490: {  	v6 =	vadd.s32 $0x7148, v2;
	v11 =	vld.idx.msk [tilespmem:v13+s3+$0x0], $0xffff;
	[tilespmem:s18+$0x15E80] =	vst v14  }
0x491: {  	v10 =	vld.idx.msk [tilespmem:v10+s3+$0x0], $0xffff;
	[tilespmem:s18+$0x15FA0] =	vst v8;
	v8 =	vmov v6  }
0x492: {  	v24 =	vadd.s32 $0x6978, v2;
	[tilespmem:$0x1F310] =	vst v8;
	v8 =	vld.idx.msk [tilespmem:v28+s3+$0x0], $0xffff  }
0x493: {  	v14 =	vld.idx.msk [tilespmem:v41+s3+$0x0], $0xffff;
	[tilespmem:s18+$0x160F0] =	vst v1;
	v1 =	vmov v24  }
0x494: {  	[tilespmem:$0x1F3B0] =	vst v1;
	v1 =	vld.idx.msk [tilespmem:v54+s3+$0x0], $0xffff  }
0x495: {  	[tilespmem:s18+$0x15E40] =	vst v17;
	v48 =	vld.idx.msk [tilespmem:v27+s21+$0x70 ss:$0x1], $0xffff  }
0x496: {  	[tilespmem:s18+$0x15ED0] =	vst v10;
	v9 =	vld.idx.msk [tilespmem:v9+s3+$0x0], $0xffff  }
0x497: {  	v4 =	vadd.s32 $0x7530, v2;
	v12 =	vld.idx.msk [tilespmem:v56+s3+$0x0], $0xffff;
	[tilespmem:s18+$0x16020] =	vst v8  }
0x498: {  	[tilespmem:s21+$0x13000] =	vst v11;
	v8 =	vmov v4;
	v4 =	vld.idx.msk [tilespmem:v21+s3+$0x0], $0xffff  }
0x499: {  	[tilespmem:s18+$0x15F10] =	vst v1;
	v1 =	vld.idx.msk [tilespmem:v35+s3+$0x0], $0xffff  }
0x49a: {  	[tilespmem:$0x1F2E0] =	vst v8;
	v7 =	vld.idx.msk [tilespmem:v45+s3+$0x0], $0xffff  }
0x49b: {  	[tilespmem:s18+$0x15EC0] =	vst v9;
	v9 =	vld.idx.msk [tilespmem:v57+s3+$0x0], $0xffff  }
0x49c: {  	v13 =	vadd.s32 $0x1B58, v2;
	[tilespmem:s18+$0x15F50] =	vst v12;
	v10 =	vld.idx.msk [tilespmem:v55+s3+$0x0], $0xffff  }
0x49d: {  	v12 =	vld.idx.msk [tilespmem:v51+s3+$0x0], $0xffff;
	[tilespmem:s18+$0x160A0] =	vst v4  }
0x49e: {  	v21 =	vld.idx.msk [tilespmem:v27+s21+$0x20 ss:$0x1], $0xffff;
	[tilespmem:s18+$0x15F60] =	vst v1  }
0x49f: {  	[tilespmem:s18+$0x15F90] =	vst v7;
	v7 =	vld.idx.msk [tilespmem:v34+s3+$0x0], $0xffff  }
0x4a0: {  	[tilespmem:s18+$0x15F30] =	vst v9;
	v6 =	vld.idx.msk [tilespmem:v49+s3+$0x0], $0xffff  }
0x4a1: {  	[tilespmem:s18+$0x15F40] =	vst v10;
	v10 =	vld.idx.msk [tilespmem:v13+s3+$0x0], $0xffff  }
0x4a2: {  	v1 =	vadd.s32 $0x1F40, v2;
	[tilespmem:s18+$0x15FD0] =	vst v12;
	v9 =	vld.idx.msk [tilespmem:v52+s3+$0x0], $0xffff  }
0x4a3: {  	[tilespmem:s18+$0x15F00] =	vst v14;
	v11 =	vld.idx.msk [tilespmem:v30+s3+$0x0], $0xffff  }
0x4a4: {  	[tilespmem:s18+$0x15FE0] =	vst v7;
	v7 =	vld.idx.msk [tilespmem:v50+s3+$0x0], $0xffff  }
0x4a5: {  	v13 =	vld.idx.msk [tilespmem:v40+s3+$0x0], $0xffff;
	[tilespmem:s18+$0x16010] =	vst v6  }
0x4a6: {  	v6 =	vld.idx.msk [tilespmem:v33+s3+$0x0], $0xffff;
	[tilespmem:s21+$0x13080] =	vst v10  }
0x4a7: {  	[tilespmem:s18+$0x15FB0] =	vst v9;
	v1 =	vld.idx.msk [tilespmem:v1+s3+$0x0], $0xffff  }
0x4a8: {  	v0 =	vadd.s32 $0x2710, v2;
	v3 =	vadd.s32 $0x7918, v2;
	v2 =	vadd.s32 $0x2328, v2;
	[tilespmem:s18+$0x15FC0] =	vst v11;
	v9 =	vld.idx.msk [tilespmem:v32+s3+$0x0], $0xffff  }
0x4a9: {  	v10 =	vld.idx.msk [tilespmem:v29+s3+$0x0], $0xffff;
	[tilespmem:s18+$0x16050] =	vst v7  }
0x4aa: {  	[tilespmem:s18+$0x15F80] =	vst v13;
	v5 =	vld.idx.msk [tilespmem:v5+s3+$0x0], $0xffff  }
0x4ab: {  	v11 =	vld.idx.msk [tilespmem:v39+s3+$0x0], $0xffff;
	[tilespmem:s18+$0x16060] =	vst v6  }
0x4ac: {  	[tilespmem:s21+$0x13D00] =	vst v1;
	v1 =	vld.idx.msk [tilespmem:v20+s3+$0x0], $0xffff  }
0x4ad: {  	[tilespmem:s18+$0x16030] =	vst v9;
	v2 =	vld.idx.msk [tilespmem:v2+s3+$0x0], $0xffff  }
0x4ae: {  	[tilespmem:s18+$0x16040] =	vst v10;
	v8 =	vld.idx.msk [tilespmem:v31+s3+$0x0], $0xffff  }
0x4af: {  	v7 =	vld.idx.msk [tilespmem:v23+s3+$0x0], $0xffff;
	[tilespmem:s18+$0x160D0] =	vst v5  }
0x4b0: {  	[tilespmem:s18+$0x16000] =	vst v11;
	v5 =	vld.idx.msk [tilespmem:v27+s21+$0x50 ss:$0x1], $0xffff  }
0x4b1: {  	v6 =	vld.idx.msk [tilespmem:v25+s3+$0x0], $0xffff;
	[tilespmem:s18+$0x16090] =	vst v1  }
0x4b2: {  	[tilespmem:s21+$0x13D80] =	vst v2;
	v20 =	vld.idx.msk [tilespmem:v27+s21+$0x10 ss:$0x1], $0xffff  }
0x4b3: {  	v2 =	vld.idx.msk [tilespmem:v38+s3+$0x0], $0xffff  }
0x4b4: {  	v11 =	vld.idx.msk [tilespmem:v48+s3+$0x0], $0xffff;
	[tilespmem:s18+$0x160B0] =	vst v8  }
0x4b5: {  	[tilespmem:s18+$0x160C0] =	vst v7;
	v25 =	vld.idx.msk [tilespmem:v27+s21+$0x30 ss:$0x1], $0xffff  }
0x4b6: {  	v23 =	vld.idx.msk [tilespmem:v27+s21+$0x40 ss:$0x1], $0xffff  }
0x4b7: {  	v16 =	vadd.s32 $0x3E8, v48;
	v14 =	vld.idx.msk [tilespmem:v21+s3+$0x0], $0xffff;
	[tilespmem:s18+$0x160E0] =	vst v6  }
0x4b8: {  	[tilespmem:s18+$0x16080] =	vst v2;
	s18 =	smov.u32 s21;
	v30 =	vld.idx.msk [tilespmem:v5+s3+$0x0], $0xffff  }
0x4b9: {  	v4 =	vld.idx.msk [tilespmem:v27+s18+$0x60 ss:$0x1], $0xffff  }
0x4ba: {  	v9 =	vadd.s32 $0x3E8, v21;
	v2 =	vld.idx.msk [tilespmem:v0+s3+$0x0], $0xffff  }
0x4bb: {  	v1 =	vmov v3;
	v27 =	vadd.s32 $0x3E8, v5;
	[tilespmem:s18+$0x12D70] =	vst v11;
	v12 =	vld.idx.msk [tilespmem:v20+s3+$0x0], $0xffff  }
0x4bc: {  	[tilespmem:$0x1F2C0] =	vst v1;
	v3 =	vadd.s32 $0x3E8, v20;
	v1 =	vadd.s32 $0x2328, v20;
	v36 =	vld.idx.msk [tilespmem:v16+s3+$0x0], $0xffff  }
0x4bd: {  	[tilespmem:$0x1F290] =	vst v1;
	v17 =	vld.idx.msk [tilespmem:v25+s3+$0x0], $0xffff  }
0x4be: {  	v13 =	vadd.s32 $0x3E8, v25;
	[tilespmem:s18+$0x12D20] =	vst v14;
	v28 =	vld.idx.msk [tilespmem:v23+s3+$0x0], $0xffff  }
0x4bf: {  	v15 =	vadd.s32 $0x3E8, v23;
	v38 =	vld.idx.msk [tilespmem:v9+s3+$0x0], $0xffff;
	[tilespmem:s18+$0x12D50] =	vst v30  }
0x4c0: {  	v9 =	vadd.s32 $0x7D0, v48;
	v27 =	vld.idx.msk [tilespmem:v27+s3+$0x0], $0xffff;
	[tilespmem:s18+$0x12D10] =	vst v12  }
0x4c1: {  	v10 =	vadd.s32 $0x7D0, v21;
	[tilespmem:s18+$0x13E00] =	vst v2;
	v3 =	vld.idx.msk [tilespmem:v3+s3+$0x0], $0xffff  }
0x4c2: {  	v7 =	vadd.s32 $0x7D0, v20;
	[tilespmem:s18+$0x12D30] =	vst v17;
	v31 =	vld.idx.msk [tilespmem:v4+s3+$0x0], $0xffff  }
0x4c3: {  	v29 =	vadd.s32 $0x3E8, v4;
	v39 =	vld.idx.msk [tilespmem:v13+s3+$0x0], $0xffff;
	[tilespmem:s18+$0x12D40] =	vst v28  }
0x4c4: {  	[tilespmem:s18+$0x12DF0] =	vst v36;
	v28 =	vld.idx.msk [tilespmem:v15+s3+$0x0], $0xffff  }
0x4c5: {  	[tilespmem:s18+$0x12DA0] =	vst v38;
	v36 =	vld.idx.msk [tilespmem:v9+s3+$0x0], $0xffff  }
0x4c6: {  	v1 =	vld.idx.msk [tilespmem:v10+s3+$0x0], $0xffff;
	[tilespmem:s18+$0x12D90] =	vst v3  }
0x4c7: {  	[tilespmem:s18+$0x12D60] =	vst v31;
	v0 =	vld.idx.msk [tilespmem:v7+s3+$0x0], $0xffff  }
0x4c8: {  	v47 =	vld.idx.msk [tilespmem:v29+s3+$0x0], $0xffff;
	[tilespmem:s18+$0x12DB0] =	vst v39  }
0x4c9: {  	v2 =	vadd.s32 $0x2710, v20;
	[tilespmem:s18+$0x12DC0] =	vst v28  }
0x4ca: {  	[tilespmem:$0x1F2B0] =	vst v2  }
0x4cb: {  	[tilespmem:s18+$0x12DD0] =	vst v27  }
0x4cc: {  	[tilespmem:s18+$0x12E70] =	vst v36  }
0x4cd: {  	v2 =	vadd.s32 $0x2710, v21;
	[tilespmem:s18+$0x12E20] =	vst v1  }
0x4ce: {  	v28 =	vadd.s32 $0x2AF8, v20;
	[tilespmem:$0x1F2D0] =	vst v2  }
0x4cf: {  	v1 =	vadd.s32 $0x2EE0, v21;
	[tilespmem:$0x1F300] =	vst v28  }
0x4d0: {  	v2 =	vadd.s32 $0x2710, v25;
	[tilespmem:$0x1F380] =	vst v1  }
0x4d1: {  	v28 =	vadd.s32 $0x2AF8, v21;
	[tilespmem:$0x1F2F0] =	vst v2  }
0x4d2: {  	v1 =	vadd.s32 $0x2EE0, v25;
	[tilespmem:$0x1F320] =	vst v28  }
0x4d3: {  	v28 =	vadd.s32 $0x2AF8, v25;
	[tilespmem:$0x1F390] =	vst v1  }
0x4d4: {  	v22 =	vadd.s32 $0x7D0, v25;
	v1 =	vadd.s32 $0x2EE0, v23;
	[tilespmem:$0x1F330] =	vst v28  }
0x4d5: {  	[tilespmem:$0x1F3A0] =	vst v1  }
0x4d6: {  	v24 =	vadd.s32 $0x7D0, v23;
	v28 =	vadd.s32 $0x2EE0, v20;
	[tilespmem:s18+$0x12E10] =	vst v0  }
0x4d7: {  	v41 =	vadd.s32 $0xBB8, v48;
	v1 =	vadd.s32 $0x2EE0, v5;
	[tilespmem:$0x1F370] =	vst v28  }
0x4d8: {  	v8 =	vadd.s32 $0xBB8, v21;
	[tilespmem:$0x1F3C0] =	vst v1  }
0x4d9: {  	v42 =	vld.idx.msk [tilespmem:v22+s3+$0x0], $0xffff;
	v0 =	vadd.s32 $0x2AF8, v5;
	[tilespmem:s18+$0x12DE0] =	vst v47  }
0x4da: {  	v34 =	vadd.s32 $0x7D0, v5;
	v1 =	vadd.s32 $0x32C8, v20;
	[tilespmem:$0x1F340] =	vst v0  }
0x4db: {  	v43 =	vld.idx.msk [tilespmem:v24+s3+$0x0], $0xffff;
	v28 =	vadd.s32 $0x6978, v5;
	[tilespmem:$0x1F3F0] =	vst v1  }
0x4dc: {  	v41 =	vld.idx.msk [tilespmem:v41+s3+$0x0], $0xffff;
	v0 =	vadd.s32 $0x2AF8, v4;
	[tilespmem:$0x1F920] =	vst v28  }
0x4dd: {  	v8 =	vld.idx.msk [tilespmem:v8+s3+$0x0], $0xffff;
	[tilespmem:$0x1F350] =	vst v0  }
0x4de: {  	v1 =	vadd.s32 $0x32C8, v21;
	[tilespmem:s18+$0x12E30] =	vst v42  }
0x4df: {  	v35 =	vadd.s32 $0x7D0, v4;
	v2 =	vld.idx.msk [tilespmem:v34+s3+$0x0], $0xffff;
	[tilespmem:$0x1F400] =	vst v1  }
0x4e0: {  	v33 =	vadd.s32 $0xBB8, v20;
	[tilespmem:s18+$0x12E40] =	vst v43  }
0x4e1: {  	[tilespmem:s18+$0x12EF0] =	vst v41  }
0x4e2: {  	v1 =	vadd.s32 $0x32C8, v25;
	[tilespmem:s18+$0x12EA0] =	vst v8  }
0x4e3: {  	v19 =	vadd.s32 $0xBB8, v25;
	[tilespmem:$0x1F410] =	vst v1  }
0x4e4: {  	v6 =	vadd.s32 $0xBB8, v23;
	v49 =	vld.idx.msk [tilespmem:v35+s3+$0x0], $0xffff;
	v1 =	vadd.s32 $0x32C8, v23;
	[tilespmem:s18+$0x12E50] =	vst v2  }
0x4e5: {  	v61 =	vadd.s32 $0xFA0, v21;
	v0 =	vld.idx.msk [tilespmem:v33+s3+$0x0], $0xffff;
	[tilespmem:$0x1F420] =	vst v1;
	v1 =	vadd.s32 $0x32C8, v5  }
0x4e6: {  	[tilespmem:$0x1F430] =	vst v1;
	v1 =	vadd.s32 $0x36B0, v20  }
0x4e7: {  	[tilespmem:$0x1F460] =	vst v1;
	v1 =	vadd.s32 $0x36B0, v21  }
0x4e8: {  	v63 =	vadd.s32 $0xBB8, v5;
	v19 =	vld.idx.msk [tilespmem:v19+s3+$0x0], $0xffff;
	[tilespmem:$0x1F470] =	vst v1  }
0x4e9: {  	v6 =	vld.idx.msk [tilespmem:v6+s3+$0x0], $0xffff;
	[tilespmem:s18+$0x12E60] =	vst v49  }
0x4ea: {  	v8 =	vld.idx.msk [tilespmem:v61+s3+$0x0], $0xffff;
	v1 =	vadd.s32 $0x32C8, v4;
	[tilespmem:s18+$0x12E90] =	vst v0  }
0x4eb: {  	v0 =	vadd.s32 $0x3A98, v20;
	[tilespmem:$0x1F440] =	vst v1  }
0x4ec: {  	[tilespmem:$0x1F4D0] =	vst v0  }
0x4ed: {  	v2 =	vld.idx.msk [tilespmem:v63+s3+$0x0], $0xffff;
	[tilespmem:s18+$0x12EB0] =	vst v19  }
0x4ee: {  	v18 =	vadd.s32 $0xBB8, v4;
	[tilespmem:s18+$0x12EC0] =	vst v6  }
0x4ef: {  	v62 =	vadd.s32 $0xFA0, v20;
	v1 =	vadd.s32 $0x36B0, v25;
	[tilespmem:s18+$0x12F20] =	vst v8  }
0x4f0: {  	v0 =	vadd.s32 $0x3A98, v21;
	[tilespmem:$0x1F480] =	vst v1  }
0x4f1: {  	v60 =	vadd.s32 $0xFA0, v25;
	[tilespmem:$0x1F4E0] =	vst v0  }
0x4f2: {  	v59 =	vadd.s32 $0xFA0, v23;
	v1 =	vadd.s32 $0x36B0, v23;
	[tilespmem:s18+$0x12ED0] =	vst v2  }
0x4f3: {  	v26 =	vadd.s32 $0x1388, v21;
	v18 =	vld.idx.msk [tilespmem:v18+s3+$0x0], $0xffff;
	v0 =	vadd.s32 $0x36B0, v4;
	[tilespmem:$0x1F490] =	vst v1  }
0x4f4: {  	v35 =	vld.idx.msk [tilespmem:v62+s3+$0x0], $0xffff;
	v1 =	vadd.s32 $0x36B0, v5;
	[tilespmem:$0x1F4B0] =	vst v0  }
0x4f5: {  	v34 =	vadd.s32 $0xFA0, v48;
	[tilespmem:$0x1F4A0] =	vst v1;
	v1 =	vadd.s32 $0x3A98, v25  }
0x4f6: {  	v56 =	vadd.s32 $0xFA0, v5;
	v49 =	vld.idx.msk [tilespmem:v60+s3+$0x0], $0xffff;
	[tilespmem:$0x1F4F0] =	vst v1;
	v1 =	vadd.s32 $0x3A98, v23  }
0x4f7: {  	v6 =	vld.idx.msk [tilespmem:v59+s3+$0x0], $0xffff;
	[tilespmem:$0x1F500] =	vst v1  }
0x4f8: {  	v8 =	vld.idx.msk [tilespmem:v26+s3+$0x0], $0xffff;
	[tilespmem:s18+$0x12EE0] =	vst v18  }
0x4f9: {  	v1 =	vadd.s32 $0x3A98, v5;
	[tilespmem:s18+$0x12F10] =	vst v35  }
0x4fa: {  	v0 =	vld.idx.msk [tilespmem:v34+s3+$0x0], $0xffff;
	[tilespmem:$0x1F510] =	vst v1  }
0x4fb: {  	v2 =	vld.idx.msk [tilespmem:v56+s3+$0x0], $0xffff;
	[tilespmem:s18+$0x12F30] =	vst v49  }
0x4fc: {  	[tilespmem:s18+$0x12F40] =	vst v6  }
0x4fd: {  	v1 =	vadd.s32 $0x3E80, v20;
	[tilespmem:s18+$0x12FA0] =	vst v8  }
0x4fe: {  	v58 =	vadd.s32 $0xFA0, v4;
	[tilespmem:$0x1F540] =	vst v1  }
0x4ff: {  	[tilespmem:s18+$0x12F70] =	vst v0  }
0x500: {  	v44 =	vadd.s32 $0x1388, v25;
	v1 =	vadd.s32 $0x3A98, v4;
	[tilespmem:s18+$0x12F50] =	vst v2  }
0x501: {  	v11 =	vadd.s32 $0x1388, v23;
	v0 =	vadd.s32 $0x4650, v21;
	[tilespmem:$0x1F520] =	vst v1  }
0x502: {  	v16 =	vadd.s32 $0x1770, v21;
	v1 =	vadd.s32 $0x3E80, v21;
	[tilespmem:$0x1F630] =	vst v0  }
0x503: {  	v18 =	vld.idx.msk [tilespmem:v58+s3+$0x0], $0xffff;
	v0 =	vadd.s32 $0x4650, v25;
	[tilespmem:$0x1F550] =	vst v1  }
0x504: {  	v12 =	vadd.s32 $0x1388, v5;
	v1 =	vadd.s32 $0x3E80, v25;
	[tilespmem:$0x1F640] =	vst v0  }
0x505: {  	v56 =	vld.idx.msk [tilespmem:v44+s3+$0x0], $0xffff;
	v0 =	vadd.s32 $0x4650, v23;
	[tilespmem:$0x1F560] =	vst v1  }
0x506: {  	v6 =	vld.idx.msk [tilespmem:v11+s3+$0x0], $0xffff;
	v1 =	vadd.s32 $0x3E80, v23;
	[tilespmem:$0x1F650] =	vst v0  }
0x507: {  	v19 =	vadd.s32 $0x1388, v48;
	v8 =	vld.idx.msk [tilespmem:v16+s3+$0x0], $0xffff;
	[tilespmem:$0x1F570] =	vst v1  }
0x508: {  	v55 =	vadd.s32 $0x1388, v20;
	v1 =	vadd.s32 $0x4268, v20;
	[tilespmem:s18+$0x12F60] =	vst v18  }
0x509: {  	v2 =	vld.idx.msk [tilespmem:v12+s3+$0x0], $0xffff;
	[tilespmem:$0x1F5B0] =	vst v1  }
0x50a: {  	[tilespmem:s18+$0x12FB0] =	vst v56  }
0x50b: {  	v17 =	vadd.s32 $0x1388, v4;
	[tilespmem:s18+$0x12FC0] =	vst v6  }
0x50c: {  	v0 =	vld.idx.msk [tilespmem:v19+s3+$0x0], $0xffff;
	v1 =	vadd.s32 $0x3E80, v5;
	[tilespmem:s18+$0x13020] =	vst v8  }
0x50d: {  	v19 =	vld.idx.msk [tilespmem:v55+s3+$0x0], $0xffff;
	[tilespmem:$0x1F580] =	vst v1  }
0x50e: {  	v1 =	vadd.s32 $0x3E80, v4;
	[tilespmem:s18+$0x12FD0] =	vst v2  }
0x50f: {  	[tilespmem:$0x1F590] =	vst v1;
	v1 =	vadd.s32 $0x4268, v21  }
0x510: {  	v14 =	vadd.s32 $0x1770, v20;
	v11 =	vld.idx.msk [tilespmem:v17+s3+$0x0], $0xffff;
	[tilespmem:$0x1F5C0] =	vst v1  }
0x511: {  	[tilespmem:s18+$0x12FF0] =	vst v0  }
0x512: {  	v1 =	vadd.s32 $0x4268, v25;
	[tilespmem:s18+$0x12F90] =	vst v19  }
0x513: {  	[tilespmem:$0x1F5D0] =	vst v1;
	v1 =	vadd.s32 $0x4268, v23  }
0x514: {  	[tilespmem:$0x1F5E0] =	vst v1  }
0x515: {  	v58 =	vld.idx.msk [tilespmem:v14+s3+$0x0], $0xffff;
	v1 =	vadd.s32 $0x4650, v20;
	[tilespmem:s18+$0x12FE0] =	vst v11  }
0x516: {  	[tilespmem:$0x1F620] =	vst v1;
	v1 =	vadd.s32 $0x4268, v5  }
0x517: {  	v54 =	vadd.s32 $0x1B58, v20;
	[tilespmem:$0x1F5F0] =	vst v1;
	v1 =	vadd.s32 $0x4268, v4  }
0x518: {  	[tilespmem:$0x1F600] =	vst v1;
	v1 =	vadd.s32 $0x4A38, v20  }
0x519: {  	[tilespmem:$0x1F690] =	vst v1  }
0x51a: {  	v1 =	vadd.s32 $0x4650, v5;
	[tilespmem:s18+$0x13010] =	vst v58  }
0x51b: {  	[tilespmem:$0x1F660] =	vst v1;
	v1 =	vadd.s32 $0x4650, v4  }
0x51c: {  	v54 =	vld.idx.msk [tilespmem:v54+s3+$0x0], $0xffff;
	[tilespmem:$0x1F670] =	vst v1;
	v1 =	vadd.s32 $0x4A38, v21  }
0x51d: {  	[tilespmem:$0x1F6A0] =	vst v1;
	v1 =	vadd.s32 $0x4A38, v25  }
0x51e: {  	[tilespmem:$0x1F6B0] =	vst v1;
	v1 =	vadd.s32 $0x4A38, v23  }
0x51f: {  	[tilespmem:$0x1F6C0] =	vst v1;
	v1 =	vadd.s32 $0x4A38, v5  }
0x520: {  	[tilespmem:$0x1F6D0] =	vst v1  }
0x521: {  	v1 =	vadd.s32 $0x4A38, v4;
	[tilespmem:s18+$0x13090] =	vst v54  }
0x522: {  	[tilespmem:$0x1F6E0] =	vst v1;
	v1 =	vadd.s32 $0x4E20, v20  }
0x523: {  	[tilespmem:$0x1F700] =	vst v1;
	v1 =	vadd.s32 $0x4E20, v21  }
0x524: {  	[tilespmem:$0x1F710] =	vst v1;
	v1 =	vadd.s32 $0x4E20, v25  }
0x525: {  	[tilespmem:$0x1F720] =	vst v1;
	v1 =	vadd.s32 $0x4E20, v23  }
0x526: {  	[tilespmem:$0x1F730] =	vst v1;
	v1 =	vadd.s32 $0x4E20, v5  }
0x527: {  	[tilespmem:$0x1F740] =	vst v1;
	v1 =	vadd.s32 $0x4E20, v4  }
0x528: {  	[tilespmem:$0x1F750] =	vst v1;
	v1 =	vadd.s32 $0x5208, v20  }
0x529: {  	[tilespmem:$0x1F770] =	vst v1;
	v1 =	vadd.s32 $0x5208, v21  }
0x52a: {  	[tilespmem:$0x1F780] =	vst v1;
	v1 =	vadd.s32 $0x5208, v25  }
0x52b: {  	[tilespmem:$0x1F790] =	vst v1;
	v1 =	vadd.s32 $0x55F0, v20  }
0x52c: {  	[tilespmem:$0x1F7E0] =	vst v1;
	v1 =	vadd.s32 $0x55F0, v21  }
0x52d: {  	[tilespmem:$0x1F7F0] =	vst v1;
	v1 =	vadd.s32 $0x55F0, v25  }
0x52e: {  	[tilespmem:$0x1F800] =	vst v1;
	v1 =	vadd.s32 $0x55F0, v23  }
0x52f: {  	[tilespmem:$0x1F810] =	vst v1;
	v1 =	vadd.s32 $0x55F0, v5  }
0x530: {  	[tilespmem:$0x1F820] =	vst v1;
	v1 =	vadd.s32 $0x59D8, v20  }
0x531: {  	[tilespmem:$0x1F850] =	vst v1;
	v1 =	vadd.s32 $0x55F0, v4  }
0x532: {  	v52 =	vadd.s32 $0x1F40, v20;
	[tilespmem:$0x1F830] =	vst v1;
	v1 =	vadd.s32 $0x6590, v20  }
0x533: {  	v15 =	vadd.s32 $0x1770, v5;
	[tilespmem:$0x1F890] =	vst v1;
	v1 =	vadd.s32 $0x6590, v21  }
0x534: {  	v37 =	vadd.s32 $0x1770, v4;
	[tilespmem:$0x1F8A0] =	vst v1;
	v1 =	vadd.s32 $0x6590, v25  }
0x535: {  	[tilespmem:$0x1F8B0] =	vst v1;
	v1 =	vadd.s32 $0x6590, v23  }
0x536: {  	[tilespmem:$0x1F8C0] =	vst v1;
	v1 =	vadd.s32 $0x6978, v20  }
0x537: {  	v54 =	vld.idx.msk [tilespmem:v52+s3+$0x0], $0xffff;
	[tilespmem:$0x1F8D0] =	vst v1;
	v1 =	vadd.s32 $0x6590, v5  }
0x538: {  	v32 =	vadd.s32 $0x1770, v23;
	v2 =	vld.idx.msk [tilespmem:v15+s3+$0x0], $0xffff;
	[tilespmem:$0x1F8E0] =	vst v1;
	v1 =	vadd.s32 $0x6978, v21  }
0x539: {  	v31 =	vadd.s32 $0x1B58, v5;
	v49 =	vld.idx.msk [tilespmem:v37+s3+$0x0], $0xffff;
	[tilespmem:$0x1F8F0] =	vst v1;
	v1 =	vadd.s32 $0x6978, v25  }
0x53a: {  	v53 =	vadd.s32 $0x1B58, v25;
	v57 =	vadd.s32 $0x1B58, v4;
	[tilespmem:$0x1F900] =	vst v1;
	v1 =	vadd.s32 $0x6978, v23  }
0x53b: {  	v51 =	vadd.s32 $0x1F40, v25;
	v13 =	vadd.s32 $0x1770, v25;
	[tilespmem:$0x1F910] =	vst v1;
	v1 =	vadd.s32 $0x6D60, v20  }
0x53c: {  	v46 =	vadd.s32 $0x1B58, v23;
	v30 =	vadd.s32 $0x1B58, v21;
	v40 =	vadd.s32 $0x2710, v4;
	[tilespmem:s18+$0x13D10] =	vst v54;
	v54 =	vmovc v1;
	v1 =	vld [tilespmem:$0x1F290]  }
0x53d: {  	v38 =	vadd.s32 $0x2328, v25;
	v7 =	vadd.s32 $0x1F40, v4;
	v26 =	vadd.s32 $0x1770, v48;
	v6 =	vld.idx.msk [tilespmem:v32+s3+$0x0], $0xffff;
	[tilespmem:s18+$0x13050] =	vst v2  }
0x53e: {  	v39 =	vadd.s32 $0x2328, v4;
	v28 =	vadd.s32 $0x6978, v4;
	v0 =	vadd.s32 $0x5208, v23;
	v2 =	vld.idx.msk [tilespmem:v31+s3+$0x0], $0xffff;
	[tilespmem:s18+$0x13060] =	vst v49  }
0x53f: {  	v43 =	vadd.s32 $0x2EE0, v4;
	v33 =	vadd.s32 $0x7530, v4;
	[tilespmem:$0x1F7A0] =	vst v0;
	v0 =	vadd.s32 $0x5208, v5;
	v31 =	vld.idx.msk [tilespmem:v57+s3+$0x0], $0xffff  }
0x540: {  	v61 =	vadd.s32 $0x61A8, v25;
	v63 =	vadd.s32 $0x6590, v4;
	v55 =	vld.idx.msk [tilespmem:v13+s3+$0x0], $0xffff;
	[tilespmem:$0x1F7B0] =	vst v0;
	v0 =	vadd.s32 $0x5208, v4  }
0x541: {  	v34 =	vadd.s32 $0x7148, v4;
	v35 =	vadd.s32 $0x6D60, v4;
	v44 =	vadd.s32 $0x59D8, v4;
	v8 =	vld.idx.msk [tilespmem:v30+s3+$0x0], $0xffff;
	[tilespmem:$0x1F7C0] =	vst v0  }
0x542: {  	v13 =	vadd.s32 $0x5DC0, v25;
	v32 =	vadd.s32 $0x7530, v25;
	v15 =	vadd.s32 $0x61A8, v4;
	v0 =	vld.idx.msk [tilespmem:v26+s3+$0x0], $0xffff;
	[tilespmem:s18+$0x13040] =	vst v6  }
0x543: {  	v26 =	vadd.s32 $0x59D8, v25;
	v37 =	vadd.s32 $0x5DC0, v4;
	v6 =	vld.idx.msk [tilespmem:v46+s3+$0x0], $0xffff;
	v46 =	vadd.s32 $0x6D60, v25  }
0x544: {  	v52 =	vadd.s32 $0x7148, v25;
	[tilespmem:s18+$0x130E0] =	vst v31;
	v31 =	vadd.s32 $0x7918, v25;
	v25 =	vadd.s32 $0x7918, v4;
	v4 =	vld.idx.msk [tilespmem:v1+s3+$0x0], $0xffff  }
0x545: {  	v3 =	vadd.s32 $0x1F40, v21;
	v1 =	vld [tilespmem:$0x1F2B0];
	_ =	sdelay $0x1  }
0x546: {  	v59 =	vadd.s32 $0x1B58, v48;
	_ =	sdelay $0x1  }
0x547: {  	[tilespmem:s18+$0x130A0] =	vst v8  }
0x548: {  	[tilespmem:s18+$0x13030] =	vst v55;
	v3 =	vld.idx.msk [tilespmem:v3+s3+$0x0], $0xffff  }
0x549: {  	v10 =	vadd.s32 $0x2328, v21;
	v47 =	vld.idx.msk [tilespmem:v53+s3+$0x0], $0xffff;
	[tilespmem:s18+$0x13070] =	vst v0  }
0x54a: {  	v0 =	vld.idx.msk [tilespmem:v59+s3+$0x0], $0xffff;
	[tilespmem:s18+$0x13D90] =	vst v4  }
0x54b: {  	v55 =	vadd.s32 $0x1F40, v48;
	v4 =	vld.idx.msk [tilespmem:v1+s3+$0x0], $0xffff  }
0x54c: {  	v1 =	vld [tilespmem:$0x1F2D0]  }
0x54d: {  	[tilespmem:s18+$0x13D20] =	vst v3  }
0x54e: {  	v3 =	vld.idx.msk [tilespmem:v10+s3+$0x0], $0xffff  }
0x54f: {  	[tilespmem:s18+$0x130F0] =	vst v0  }
0x550: {  	[tilespmem:s18+$0x130B0] =	vst v47;
	v0 =	vld.idx.msk [tilespmem:v55+s3+$0x0], $0xffff  }
0x551: {  	v8 =	vadd.s32 $0x2328, v48;
	v41 =	vld.idx.msk [tilespmem:v51+s3+$0x0], $0xffff;
	_ =	sdelay $0x1  }
0x552: {  	[tilespmem:s18+$0x13DA0] =	vst v3  }
0x553: {  	v3 =	vld.idx.msk [tilespmem:v1+s3+$0x0], $0xffff  }
0x554: {  	[tilespmem:s18+$0x13D70] =	vst v0;
	v1 =	vld [tilespmem:$0x1F2F0]  }
0x555: {  	[tilespmem:s18+$0x13D30] =	vst v41;
	v0 =	vld.idx.msk [tilespmem:v8+s3+$0x0], $0xffff  }
0x556: {  	v8 =	vld.idx.msk [tilespmem:v38+s3+$0x0], $0xffff;
	_ =	sdelay $0x4  }
0x557: {  	[tilespmem:s18+$0x13DB0] =	vst v8  }
0x558: {  	v8 =	vld.idx.msk [tilespmem:v1+s3+$0x0], $0xffff  }
0x559: {  	v1 =	vld [tilespmem:$0x1F300];
	_ =	sdelay $0x6  }
0x55a: {  	[tilespmem:s18+$0x13E10] =	vst v4  }
0x55b: {  	v4 =	vld.idx.msk [tilespmem:v1+s3+$0x0], $0xffff  }
0x55c: {  	v1 =	vld [tilespmem:$0x1F320];
	_ =	sdelay $0x1  }
0x55d: {  	v29 =	vadd.s32 $0x1F40, v5;
	_ =	sdelay $0x3  }
0x55e: {  	[tilespmem:s18+$0x130D0] =	vst v2  }
0x55f: {  	v2 =	vld.idx.msk [tilespmem:v29+s3+$0x0], $0xffff;
	[tilespmem:s18+$0x13E20] =	vst v3  }
0x560: {  	v3 =	vld.idx.msk [tilespmem:v1+s3+$0x0], $0xffff  }
0x561: {  	v22 =	vadd.s32 $0x2328, v5;
	v1 =	vld [tilespmem:$0x1F330]  }
0x562: {  	v50 =	vadd.s32 $0x1F40, v23;
	_ =	sdelay $0x2  }
0x563: {  	[tilespmem:s18+$0x13D50] =	vst v2  }
0x564: {  	[tilespmem:s18+$0x130C0] =	vst v6;
	v2 =	vld.idx.msk [tilespmem:v22+s3+$0x0], $0xffff  }
0x565: {  	v27 =	vadd.s32 $0x2710, v5;
	v6 =	vld.idx.msk [tilespmem:v50+s3+$0x0], $0xffff  }
0x566: {  	v9 =	vadd.s32 $0x2328, v23;
	v29 =	vld.idx.msk [tilespmem:v7+s3+$0x0], $0xffff;
	[tilespmem:s18+$0x13E30] =	vst v8  }
0x567: {  	v8 =	vld.idx.msk [tilespmem:v1+s3+$0x0], $0xffff  }
0x568: {  	v1 =	vld [tilespmem:$0x1F340]  }
0x569: {  	[tilespmem:s18+$0x13DD0] =	vst v2  }
0x56a: {  	[tilespmem:s18+$0x13D40] =	vst v6;
	v2 =	vld.idx.msk [tilespmem:v27+s3+$0x0], $0xffff  }
0x56b: {  	v6 =	vld.idx.msk [tilespmem:v9+s3+$0x0], $0xffff;
	[tilespmem:s18+$0x13D60] =	vst v29  }
0x56c: {  	v9 =	vld.idx.msk [tilespmem:v39+s3+$0x0], $0xffff;
	_ =	sdelay $0x2  }
0x56d: {  	[tilespmem:s18+$0x13E50] =	vst v2  }
0x56e: {  	v2 =	vld.idx.msk [tilespmem:v1+s3+$0x0], $0xffff  }
0x56f: {  	v24 =	vadd.s32 $0x2710, v23;
	[tilespmem:s18+$0x13DE0] =	vst v9;
	v1 =	vld [tilespmem:$0x1F350]  }
0x570: {  	v7 =	vadd.s32 $0x2710, v48;
	v9 =	vld.idx.msk [tilespmem:v40+s3+$0x0], $0xffff;
	_ =	sdelay $0x2  }
0x571: {  	[tilespmem:s18+$0x13DC0] =	vst v6  }
0x572: {  	v6 =	vld.idx.msk [tilespmem:v24+s3+$0x0], $0xffff;
	[tilespmem:s18+$0x13DF0] =	vst v0  }
0x573: {  	v0 =	vld.idx.msk [tilespmem:v7+s3+$0x0], $0xffff;
	[tilespmem:s18+$0x13E60] =	vst v9  }
0x574: {  	[tilespmem:s18+$0x13EB0] =	vst v8;
	v8 =	vld [tilespmem:$0x1F3C0]  }
0x575: {  	v36 =	vadd.s32 $0x2AF8, v23;
	v9 =	vld.idx.msk [tilespmem:v1+s3+$0x0], $0xffff  }
0x576: {  	v7 =	vadd.s32 $0x2AF8, v48;
	v1 =	vld [tilespmem:$0x1F360];
	_ =	sdelay $0x2  }
0x577: {  	[tilespmem:s18+$0x13E40] =	vst v6  }
0x578: {  	v6 =	vld.idx.msk [tilespmem:v36+s3+$0x0], $0xffff;
	[tilespmem:s18+$0x13E70] =	vst v0  }
0x579: {  	v0 =	vld.idx.msk [tilespmem:v7+s3+$0x0], $0xffff  }
0x57a: {  	[tilespmem:s18+$0x13ED0] =	vst v2;
	v2 =	vld [tilespmem:$0x1F3A0]  }
0x57b: {  	v8 =	vld.idx.msk [tilespmem:v8+s3+$0x0], $0xffff  }
0x57c: {  	[tilespmem:s18+$0x13E90] =	vst v4;
	v4 =	vld.idx.msk [tilespmem:v1+s3+$0x0], $0xffff  }
0x57d: {  	v1 =	vld [tilespmem:$0x1F370]  }
0x57e: {  	v7 =	vadd.s32 $0x2EE0, v48;
	_ =	sdelay $0x1  }
0x57f: {  	[tilespmem:s18+$0x13F50] =	vst v8;
	v8 =	vld [tilespmem:$0x1F420]  }
0x580: {  	[tilespmem:s18+$0x13EC0] =	vst v6;
	v6 =	vld [tilespmem:$0x1F390]  }
0x581: {  	[tilespmem:s18+$0x13EF0] =	vst v0;
	v2 =	vld.idx.msk [tilespmem:v2+s3+$0x0], $0xffff  }
0x582: {  	v0 =	vld.idx.msk [tilespmem:v7+s3+$0x0], $0xffff  }
0x583: {  	v7 =	vadd.s32 $0x32C8, v48  }
0x584: {  	[tilespmem:s18+$0x13EA0] =	vst v3;
	v3 =	vld.idx.msk [tilespmem:v1+s3+$0x0], $0xffff  }
0x585: {  	v1 =	vld [tilespmem:$0x1F380]  }
0x586: {  	[tilespmem:s18+$0x13F40] =	vst v2;
	v2 =	vld [tilespmem:$0x1F410]  }
0x587: {  	[tilespmem:s18+$0x13F70] =	vst v0;
	v8 =	vld.idx.msk [tilespmem:v8+s3+$0x0], $0xffff  }
0x588: {  	v0 =	vld.idx.msk [tilespmem:v7+s3+$0x0], $0xffff  }
0x589: {  	v6 =	vld.idx.msk [tilespmem:v6+s3+$0x0], $0xffff  }
0x58a: {  	[tilespmem:s18+$0x13E80] =	vst v4;
	v4 =	vld [tilespmem:$0x1F3E0]  }
0x58b: {  	v7 =	vld [tilespmem:$0x1F3F0]  }
0x58c: {  	[tilespmem:s18+$0x13FC0] =	vst v8;
	v8 =	vld [tilespmem:$0x1F480]  }
0x58d: {  	v1 =	vld.idx.msk [tilespmem:v1+s3+$0x0], $0xffff  }
0x58e: {  	[tilespmem:s18+$0x13F30] =	vst v6  }
0x58f: {  	v2 =	vld.idx.msk [tilespmem:v2+s3+$0x0], $0xffff  }
0x590: {  	v6 =	vld [tilespmem:$0x1F400];
	[tilespmem:s18+$0x13EE0] =	vst v9  }
0x591: {  	[tilespmem:s18+$0x13F10] =	vst v3;
	v3 =	vld.idx.msk [tilespmem:v43+s3+$0x0], $0xffff  }
0x592: {  	v4 =	vld.idx.msk [tilespmem:v4+s3+$0x0], $0xffff;
	[tilespmem:s18+$0x13F20] =	vst v1;
	v1 =	vadd.s32 $0x36B0, v48  }
0x593: {  	v7 =	vld.idx.msk [tilespmem:v7+s3+$0x0], $0xffff  }
0x594: {  	[tilespmem:s18+$0x13FB0] =	vst v2;
	v2 =	vld [tilespmem:$0x1F470]  }
0x595: {  	[tilespmem:s18+$0x13FF0] =	vst v0;
	v8 =	vld.idx.msk [tilespmem:v8+s3+$0x0], $0xffff  }
0x596: {  	[tilespmem:s18+$0x13F60] =	vst v3;
	v3 =	vld [tilespmem:$0x1F440]  }
0x597: {  	v0 =	vld.idx.msk [tilespmem:v1+s3+$0x0], $0xffff  }
0x598: {  	v1 =	vld [tilespmem:$0x1F430]  }
0x599: {  	[tilespmem:s18+$0x13F90] =	vst v7;
	v7 =	vld [tilespmem:$0x1F450]  }
0x59a: {  	v6 =	vld.idx.msk [tilespmem:v6+s3+$0x0], $0xffff;
	_ =	sdelay $0x1  }
0x59b: {  	v47 =	vld [tilespmem:$0x1F280]  }
0x59c: {  	[tilespmem:s18+$0x14030] =	vst v8;
	v8 =	vld [tilespmem:$0x1F4E0]  }
0x59d: {  	[tilespmem:s18+$0x13F00] =	vst v4;
	v3 =	vld.idx.msk [tilespmem:v3+s3+$0x0], $0xffff  }
0x59e: {  	v4 =	vadd.s32 $0x3A98, v48;
	[tilespmem:s18+$0x13FA0] =	vst v6;
	v6 =	vld [tilespmem:$0x1F460]  }
0x59f: {  	v1 =	vld.idx.msk [tilespmem:v1+s3+$0x0], $0xffff  }
0x5a0: {  	v7 =	vld.idx.msk [tilespmem:v7+s3+$0x0], $0xffff  }
0x5a1: {  	v2 =	vld.idx.msk [tilespmem:v2+s3+$0x0], $0xffff;
	[tilespmem:s18+$0x14070] =	vst v0  }
0x5a2: {  	[tilespmem:s18+$0x13FE0] =	vst v3;
	v3 =	vld [tilespmem:$0x1F4A0]  }
0x5a3: {  	v0 =	vld.idx.msk [tilespmem:v4+s3+$0x0], $0xffff  }
0x5a4: {  	v4 =	vadd.s32 $0x3E80, v48;
	[tilespmem:s18+$0x13FD0] =	vst v1;
	v1 =	vld [tilespmem:$0x1F490]  }
0x5a5: {  	[tilespmem:s18+$0x13F80] =	vst v7;
	v7 =	vld [tilespmem:$0x1F4C0]  }
0x5a6: {  	v6 =	vld.idx.msk [tilespmem:v6+s3+$0x0], $0xffff  }
0x5a7: {  	[tilespmem:s18+$0x14020] =	vst v2;
	v2 =	vld [tilespmem:$0x1F4D0]  }
0x5a8: {  	v8 =	vld.idx.msk [tilespmem:v8+s3+$0x0], $0xffff;
	[tilespmem:s18+$0x140F0] =	vst v0  }
0x5a9: {  	v0 =	vld.idx.msk [tilespmem:v4+s3+$0x0], $0xffff  }
0x5aa: {  	v3 =	vld.idx.msk [tilespmem:v3+s3+$0x0], $0xffff  }
0x5ab: {  	[tilespmem:s18+$0x14010] =	vst v6;
	v6 =	vld [tilespmem:$0x1F4B0]  }
0x5ac: {  	v1 =	vld.idx.msk [tilespmem:v1+s3+$0x0], $0xffff  }
0x5ad: {  	v7 =	vld.idx.msk [tilespmem:v7+s3+$0x0], $0xffff  }
0x5ae: {  	[tilespmem:s18+$0x140A0] =	vst v8;
	v8 =	vld [tilespmem:$0x1F540]  }
0x5af: {  	v4 =	vadd.s32 $0x4268, v48;
	[tilespmem:s18+$0x14050] =	vst v3;
	v3 =	vld [tilespmem:$0x1F500]  }
0x5b0: {  	v2 =	vld.idx.msk [tilespmem:v2+s3+$0x0], $0xffff  }
0x5b1: {  	[tilespmem:s18+$0x14040] =	vst v1;
	v1 =	vld [tilespmem:$0x1F4F0]  }
0x5b2: {  	[tilespmem:s18+$0x14000] =	vst v7;
	v7 =	vld [tilespmem:$0x1F530]  }
0x5b3: {  	[tilespmem:s18+$0x14D70] =	vst v0;
	v6 =	vld.idx.msk [tilespmem:v6+s3+$0x0], $0xffff  }
0x5b4: {  	v0 =	vld.idx.msk [tilespmem:v4+s3+$0x0], $0xffff  }
0x5b5: {  	[tilespmem:s18+$0x14090] =	vst v2;
	v2 =	vld [tilespmem:$0x1F520]  }
0x5b6: {  	v8 =	vld.idx.msk [tilespmem:v8+s3+$0x0], $0xffff  }
0x5b7: {  	v3 =	vld.idx.msk [tilespmem:v3+s3+$0x0], $0xffff  }
0x5b8: {  	[tilespmem:s18+$0x14060] =	vst v6;
	v6 =	vld [tilespmem:$0x1F510]  }
0x5b9: {  	v1 =	vld.idx.msk [tilespmem:v1+s3+$0x0], $0xffff  }
0x5ba: {  	v7 =	vld.idx.msk [tilespmem:v7+s3+$0x0], $0xffff  }
0x5bb: {  	[tilespmem:s18+$0x14D10] =	vst v8;
	v8 =	vld [tilespmem:$0x1F5A0]  }
0x5bc: {  	v4 =	vadd.s32 $0x4650, v48;
	[tilespmem:s18+$0x140C0] =	vst v3;
	v3 =	vld [tilespmem:$0x1F560]  }
0x5bd: {  	v2 =	vld.idx.msk [tilespmem:v2+s3+$0x0], $0xffff  }
0x5be: {  	[tilespmem:s18+$0x140B0] =	vst v1;
	v1 =	vld [tilespmem:$0x1F550]  }
0x5bf: {  	[tilespmem:s18+$0x14080] =	vst v7;
	v7 =	vld [tilespmem:$0x1F590]  }
0x5c0: {  	[tilespmem:s18+$0x14DF0] =	vst v0;
	v6 =	vld.idx.msk [tilespmem:v6+s3+$0x0], $0xffff  }
0x5c1: {  	v0 =	vld.idx.msk [tilespmem:v4+s3+$0x0], $0xffff  }
0x5c2: {  	[tilespmem:s18+$0x140E0] =	vst v2;
	v2 =	vld [tilespmem:$0x1F580]  }
0x5c3: {  	v8 =	vld.idx.msk [tilespmem:v8+s3+$0x0], $0xffff  }
0x5c4: {  	v3 =	vld.idx.msk [tilespmem:v3+s3+$0x0], $0xffff  }
0x5c5: {  	[tilespmem:s18+$0x140D0] =	vst v6;
	v6 =	vld [tilespmem:$0x1F570]  }
0x5c6: {  	v1 =	vld.idx.msk [tilespmem:v1+s3+$0x0], $0xffff  }
0x5c7: {  	v7 =	vld.idx.msk [tilespmem:v7+s3+$0x0], $0xffff  }
0x5c8: {  	[tilespmem:s18+$0x14D00] =	vst v8;
	v8 =	vld [tilespmem:$0x1F600]  }
0x5c9: {  	v4 =	vadd.s32 $0x4A38, v48;
	[tilespmem:s18+$0x14D30] =	vst v3;
	v3 =	vld [tilespmem:$0x1F5C0]  }
0x5ca: {  	v2 =	vld.idx.msk [tilespmem:v2+s3+$0x0], $0xffff  }
0x5cb: {  	[tilespmem:s18+$0x14D20] =	vst v1;
	v1 =	vld [tilespmem:$0x1F5B0]  }
0x5cc: {  	[tilespmem:s18+$0x14D60] =	vst v7;
	v7 =	vld [tilespmem:$0x1F5F0]  }
0x5cd: {  	[tilespmem:s18+$0x14E70] =	vst v0;
	v6 =	vld.idx.msk [tilespmem:v6+s3+$0x0], $0xffff  }
0x5ce: {  	v0 =	vld.idx.msk [tilespmem:v4+s3+$0x0], $0xffff  }
0x5cf: {  	[tilespmem:s18+$0x14D50] =	vst v2;
	v2 =	vld [tilespmem:$0x1F5E0]  }
0x5d0: {  	v8 =	vld.idx.msk [tilespmem:v8+s3+$0x0], $0xffff  }
0x5d1: {  	v3 =	vld.idx.msk [tilespmem:v3+s3+$0x0], $0xffff  }
0x5d2: {  	[tilespmem:s18+$0x14D40] =	vst v6;
	v6 =	vld [tilespmem:$0x1F5D0]  }
0x5d3: {  	v1 =	vld.idx.msk [tilespmem:v1+s3+$0x0], $0xffff  }
0x5d4: {  	v7 =	vld.idx.msk [tilespmem:v7+s3+$0x0], $0xffff  }
0x5d5: {  	[tilespmem:s18+$0x14DE0] =	vst v8;
	v8 =	vld [tilespmem:$0x1F660]  }
0x5d6: {  	[tilespmem:s18+$0x14DA0] =	vst v3;
	v3 =	vld [tilespmem:$0x1F620]  }
0x5d7: {  	v2 =	vld.idx.msk [tilespmem:v2+s3+$0x0], $0xffff  }
0x5d8: {  	v4 =	vadd.s32 $0x4E20, v48;
	[tilespmem:s18+$0x14D90] =	vst v1;
	v1 =	vld [tilespmem:$0x1F610]  }
0x5d9: {  	[tilespmem:s18+$0x14DD0] =	vst v7;
	v7 =	vld [tilespmem:$0x1F650]  }
0x5da: {  	v6 =	vld.idx.msk [tilespmem:v6+s3+$0x0], $0xffff  }
0x5db: {  	v41 =	vld [tilespmem:$0x1F2A0];
	[tilespmem:s18+$0x14EF0] =	vst v0  }
0x5dc: {  	[tilespmem:s18+$0x14DC0] =	vst v2;
	v2 =	vld [tilespmem:$0x1F640]  }
0x5dd: {  	v0 =	vld.idx.msk [tilespmem:v4+s3+$0x0], $0xffff  }
0x5de: {  	v3 =	vld.idx.msk [tilespmem:v3+s3+$0x0], $0xffff  }
0x5df: {  	[tilespmem:s18+$0x14DB0] =	vst v6;
	v6 =	vld [tilespmem:$0x1F630]  }
0x5e0: {  	v1 =	vld.idx.msk [tilespmem:v1+s3+$0x0], $0xffff  }
0x5e1: {  	v8 =	vld.idx.msk [tilespmem:v8+s3+$0x0], $0xffff  }
0x5e2: {  	v7 =	vld.idx.msk [tilespmem:v7+s3+$0x0], $0xffff  }
0x5e3: {  	v4 =	vadd.s32 $0x5208, v48;
	[tilespmem:s18+$0x14E10] =	vst v3;
	v3 =	vld [tilespmem:$0x1F680]  }
0x5e4: {  	v2 =	vld.idx.msk [tilespmem:v2+s3+$0x0], $0xffff  }
0x5e5: {  	[tilespmem:s18+$0x14D80] =	vst v1;
	v1 =	vld [tilespmem:$0x1F670]  }
0x5e6: {  	[tilespmem:s18+$0x14E50] =	vst v8;
	v8 =	vld [tilespmem:$0x1F6C0]  }
0x5e7: {  	[tilespmem:s18+$0x14F70] =	vst v0;
	v6 =	vld.idx.msk [tilespmem:v6+s3+$0x0], $0xffff  }
0x5e8: {  	v0 =	vld.idx.msk [tilespmem:v4+s3+$0x0], $0xffff  }
0x5e9: {  	[tilespmem:s18+$0x14E30] =	vst v2;
	v2 =	vld [tilespmem:$0x1F6A0]  }
0x5ea: {  	v51 =	vadd.s32 $0x7530, v23;
	[tilespmem:s18+$0x14E40] =	vst v7;
	v7 =	vld [tilespmem:$0x1F6B0]  }
0x5eb: {  	v45 =	vadd.s32 $0x7148, v5;
	v57 =	vadd.s32 $0x6D60, v23;
	v55 =	vadd.s32 $0x7148, v20;
	v3 =	vld.idx.msk [tilespmem:v3+s3+$0x0], $0xffff  }
0x5ec: {  	[tilespmem:s18+$0x14E20] =	vst v6;
	v6 =	vld [tilespmem:$0x1F690]  }
0x5ed: {  	v58 =	vadd.s32 $0x6D60, v21;
	v29 =	vmov v51;
	v51 =	vmov v45;
	v1 =	vld.idx.msk [tilespmem:v1+s3+$0x0], $0xffff  }
0x5ee: {  	v45 =	vmovc v55;
	v55 =	vmovc v57;
	v57 =	vmov v46;
	v46 =	vmov v58;
	v58 =	vld [tilespmem:$0x1F3B0];
	v4 =	vadd.s32 $0x55F0, v48  }
0x5ef: {  	v8 =	vld.idx.msk [tilespmem:v8+s3+$0x0], $0xffff  }
0x5f0: {  	[tilespmem:s18+$0x14E00] =	vst v3;
	v3 =	vld [tilespmem:$0x1F6E0]  }
0x5f1: {  	[tilespmem:s18+$0x14FF0] =	vst v0;
	v2 =	vld.idx.msk [tilespmem:v2+s3+$0x0], $0xffff  }
0x5f2: {  	[tilespmem:s18+$0x14E60] =	vst v1;
	v1 =	vld [tilespmem:$0x1F6D0]  }
0x5f3: {  	v0 =	vld.idx.msk [tilespmem:v4+s3+$0x0], $0xffff  }
0x5f4: {  	v6 =	vld.idx.msk [tilespmem:v6+s3+$0x0], $0xffff  }
0x5f5: {  	v7 =	vld.idx.msk [tilespmem:v7+s3+$0x0], $0xffff  }
0x5f6: {  	[tilespmem:s18+$0x14EA0] =	vst v2;
	v2 =	vld [tilespmem:$0x1F700]  }
0x5f7: {  	[tilespmem:s18+$0x14EC0] =	vst v8;
	v8 =	vld [tilespmem:$0x1F720]  }
0x5f8: {  	v3 =	vld.idx.msk [tilespmem:v3+s3+$0x0], $0xffff  }
0x5f9: {  	[tilespmem:s18+$0x14E90] =	vst v6;
	v6 =	vld [tilespmem:$0x1F6F0]  }
0x5fa: {  	v1 =	vld.idx.msk [tilespmem:v1+s3+$0x0], $0xffff  }
0x5fb: {  	v4 =	vadd.s32 $0x59D8, v48;
	[tilespmem:s18+$0x14EB0] =	vst v7;
	v7 =	vld [tilespmem:$0x1F710]  }
0x5fc: {  	v38 =	vld [tilespmem:$0x1F2C0]  }
0x5fd: {  	[tilespmem:s18+$0x14EE0] =	vst v3;
	v3 =	vld [tilespmem:$0x1F740]  }
0x5fe: {  	[tilespmem:s18+$0x15070] =	vst v0;
	v2 =	vld.idx.msk [tilespmem:v2+s3+$0x0], $0xffff  }
0x5ff: {  	[tilespmem:s18+$0x14ED0] =	vst v1;
	v1 =	vld [tilespmem:$0x1F730]  }
0x600: {  	v0 =	vld.idx.msk [tilespmem:v4+s3+$0x0], $0xffff  }
0x601: {  	v6 =	vld.idx.msk [tilespmem:v6+s3+$0x0], $0xffff  }
0x602: {  	v8 =	vld.idx.msk [tilespmem:v8+s3+$0x0], $0xffff  }
0x603: {  	v7 =	vld.idx.msk [tilespmem:v7+s3+$0x0], $0xffff  }
0x604: {  	[tilespmem:s18+$0x14F10] =	vst v2;
	v2 =	vld [tilespmem:$0x1F750]  }
0x605: {  	v3 =	vld.idx.msk [tilespmem:v3+s3+$0x0], $0xffff  }
0x606: {  	[tilespmem:s18+$0x14E80] =	vst v6;
	v6 =	vld [tilespmem:$0x1F760]  }
0x607: {  	v1 =	vld.idx.msk [tilespmem:v1+s3+$0x0], $0xffff  }
0x608: {  	[tilespmem:s18+$0x14F30] =	vst v8;
	v8 =	vld [tilespmem:$0x1F780]  }
0x609: {  	[tilespmem:s18+$0x14F20] =	vst v7;
	v7 =	vld [tilespmem:$0x1F770]  }
0x60a: {  	[tilespmem:s18+$0x14F50] =	vst v3;
	v3 =	vld [tilespmem:$0x1F7A0]  }
0x60b: {  	v4 =	vld [tilespmem:$0x1F7B0]  }
0x60c: {  	[tilespmem:s18+$0x14F40] =	vst v1;
	v1 =	vld [tilespmem:$0x1F790]  }
0x60d: {  	[tilespmem:s18+$0x150F0] =	vst v0;
	v0 =	vld [tilespmem:$0x1F7F0]  }
0x60e: {  	v6 =	vld.idx.msk [tilespmem:v6+s3+$0x0], $0xffff  }
0x60f: {  	v2 =	vld.idx.msk [tilespmem:v2+s3+$0x0], $0xffff  }
0x610: {  	v8 =	vld.idx.msk [tilespmem:v8+s3+$0x0], $0xffff  }
0x611: {  	v7 =	vld.idx.msk [tilespmem:v7+s3+$0x0], $0xffff  }
0x612: {  	v3 =	vld.idx.msk [tilespmem:v3+s3+$0x0], $0xffff  }
0x613: {  	[tilespmem:s18+$0x14F00] =	vst v6;
	v6 =	vld [tilespmem:$0x1F7C0]  }
0x614: {  	[tilespmem:s18+$0x14F60] =	vst v2;
	v2 =	vadd.s32 $0x5DC0, v48;
	v1 =	vld.idx.msk [tilespmem:v1+s3+$0x0], $0xffff  }
0x615: {  	v39 =	vld [tilespmem:$0x1F2E0]  }
0x616: {  	[tilespmem:s18+$0x14F90] =	vst v7;
	v7 =	vld [tilespmem:$0x1F7D0]  }
0x617: {  	[tilespmem:s18+$0x14FC0] =	vst v3;
	v3 =	vld [tilespmem:$0x1F820]  }
0x618: {  	[tilespmem:s18+$0x14FA0] =	vst v8;
	v4 =	vld.idx.msk [tilespmem:v4+s3+$0x0], $0xffff  }
0x619: {  	[tilespmem:s18+$0x14FB0] =	vst v1;
	v1 =	vld.idx.msk [tilespmem:v2+s3+$0x0], $0xffff  }
0x61a: {  	v2 =	vld.idx.msk [tilespmem:v0+s3+$0x0], $0xffff  }
0x61b: {  	v0 =	vld [tilespmem:$0x1F800]  }
0x61c: {  	v6 =	vld.idx.msk [tilespmem:v6+s3+$0x0], $0xffff  }
0x61d: {  	v8 =	vld [tilespmem:$0x1F7E0]  }
0x61e: {  	[tilespmem:s18+$0x14FD0] =	vst v4;
	v7 =	vld.idx.msk [tilespmem:v7+s3+$0x0], $0xffff  }
0x61f: {  	v4 =	vld.idx.msk [tilespmem:v3+s3+$0x0], $0xffff  }
0x620: {  	v3 =	vld [tilespmem:$0x1F830]  }
0x621: {  	[tilespmem:s18+$0x14FE0] =	vst v6;
	v6 =	vld [tilespmem:$0x1F840]  }
0x622: {  	[tilespmem:s18+$0x15D70] =	vst v1;
	v1 =	vld [tilespmem:$0x1F850]  }
0x623: {  	v10 =	vadd.s32 $0x61A8, v48;
	v9 =	vld.idx.msk [tilespmem:v0+s3+$0x0], $0xffff  }
0x624: {  	v0 =	vld [tilespmem:$0x1F810]  }
0x625: {  	v8 =	vld.idx.msk [tilespmem:v8+s3+$0x0], $0xffff  }
0x626: {  	v42 =	vadd.s32 $0x61A8, v5;
	[tilespmem:$0x1F930] =	vst v28;
	v28 =	vadd.s32 $0x7530, v21;
	v62 =	vadd.s32 $0x61A8, v20;
	v40 =	vld [tilespmem:$0x1F310]  }
0x627: {  	p0 =	slt.u32 s20, $0x18;
	v60 =	vadd.s32 $0x61A8, v21;
	v16 =	vadd.s32 $0x5DC0, v20;
	v12 =	vadd.s32 $0x5DC0, v23;
	v43 =	vld [tilespmem:$0x1F3D0]  }
.Ltmp1:
0x628: {  	v18 =	vadd.s32 $0x59D8, v23;
	v17 =	vadd.s32 $0x59D8, v5;
	v56 =	vadd.s32 $0x6D60, v5;
	[tilespmem:s18+$0x14F80] =	vst v7;
	v7 =	vld.idx.msk [tilespmem:v10+s3+$0x0], $0xffff;
	(pc) =	sbr.rel @p0 .LBB2_5-.Ltmp1, $4  }
0x629: {  	v30 =	vadd.s32 $0x7148, v23;
	v19 =	vadd.s32 $0x59D8, v21;
	v14 =	vadd.s32 $0x5DC0, v21;
	v3 =	vld.idx.msk [tilespmem:v3+s3+$0x0], $0xffff  }
0x62a: {  	v11 =	vadd.s32 $0x5DC0, v5;
	v53 =	vadd.s32 $0x7148, v21;
	v49 =	vadd.s32 $0x7530, v20;
	[tilespmem:s18+$0x15010] =	vst v8;
	v6 =	vld.idx.msk [tilespmem:v6+s3+$0x0], $0xffff  }
0x62b: {  	v59 =	vadd.s32 $0x61A8, v23;
	v50 =	vadd.s32 $0x7530, v5;
	v5 =	vadd.s32 $0x7918, v5;
	[tilespmem:s18+$0x15020] =	vst v2;
	v8 =	vld.idx.msk [tilespmem:v1+s3+$0x0], $0xffff  }
0x62c: {  	s20 =	sadd.s32 $0x8, s20;
	v21 =	vadd.s32 $0x7918, v21;
	v23 =	vadd.s32 $0x7918, v23;
	v20 =	vadd.s32 $0x7918, v20;
	[tilespmem:s18+$0x15030] =	vst v9;
	v0 =	vld.idx.msk [tilespmem:v0+s3+$0x0], $0xffff  }
0x62d: {  	_ =	sdelay $0x2  }
0x62e: {  	[tilespmem:s18+$0x15050] =	vst v4  }
0x62f: {  	v1 =	vld.idx.msk [tilespmem:v19+s3+$0x0], $0xffff;
	[tilespmem:s18+$0x15DF0] =	vst v7  }
0x630: {  	v27 =	vadd.s32 $0x6590, v48;
	v2 =	vld.idx.msk [tilespmem:v26+s3+$0x0], $0xffff;
	[tilespmem:s18+$0x15060] =	vst v3  }
0x631: {  	v4 =	vld.idx.msk [tilespmem:v17+s3+$0x0], $0xffff;
	[tilespmem:s18+$0x15000] =	vst v6  }
0x632: {  	v9 =	vld.idx.msk [tilespmem:v44+s3+$0x0], $0xffff;
	[tilespmem:s18+$0x15090] =	vst v8  }
0x633: {  	v17 =	vld.idx.msk [tilespmem:v47+s3+$0x0], $0xffff;
	[tilespmem:s18+$0x15040] =	vst v0  }
0x634: {  	v36 =	vld.idx.msk [tilespmem:v18+s3+$0x0], $0xffff;
	[tilespmem:s18+$0x150A0] =	vst v1  }
0x635: {  	v0 =	vld.idx.msk [tilespmem:v27+s3+$0x0], $0xffff;
	[tilespmem:s18+$0x150B0] =	vst v2  }
0x636: {  	v18 =	vld.idx.msk [tilespmem:v16+s3+$0x0], $0xffff;
	[tilespmem:s18+$0x150D0] =	vst v4  }
0x637: {  	v19 =	vld.idx.msk [tilespmem:v14+s3+$0x0], $0xffff;
	[tilespmem:s18+$0x150E0] =	vst v9  }
0x638: {  	v22 =	vld.idx.msk [tilespmem:v13+s3+$0x0], $0xffff;
	[tilespmem:s18+$0x15080] =	vst v17  }
0x639: {  	[tilespmem:s18+$0x150C0] =	vst v36  }
0x63a: {  	v10 =	vadd.s32 $0x6978, v48;
	[tilespmem:s18+$0x15E70] =	vst v0  }
0x63b: {  	[tilespmem:s18+$0x15D10] =	vst v18  }
0x63c: {  	[tilespmem:s18+$0x15D20] =	vst v19  }
0x63d: {  	[tilespmem:s18+$0x15D30] =	vst v22  }
0x63e: {  	v0 =	vld [tilespmem:$0x1F870]  }
0x63f: {  	v24 =	vld.idx.msk [tilespmem:v10+s3+$0x0], $0xffff  }
0x640: {  	v27 =	vadd.s32 $0x6D60, v48;
	v37 =	vld.idx.msk [tilespmem:v37+s3+$0x0], $0xffff  }
0x641: {  	v36 =	vld.idx.msk [tilespmem:v11+s3+$0x0], $0xffff  }
0x642: {  	v26 =	vld.idx.msk [tilespmem:v12+s3+$0x0], $0xffff  }
0x643: {  	v44 =	vld.idx.msk [tilespmem:v62+s3+$0x0], $0xffff  }
0x644: {  	v62 =	vld.idx.msk [tilespmem:v60+s3+$0x0], $0xffff;
	[tilespmem:s18+$0x15EF0] =	vst v24  }
0x645: {  	[tilespmem:s18+$0x15D60] =	vst v37;
	v47 =	vld.idx.msk [tilespmem:v27+s3+$0x0], $0xffff  }
0x646: {  	v9 =	vadd.s32 $0x7148, v48;
	[tilespmem:s18+$0x15D50] =	vst v36;
	v0 =	vld.idx.msk [tilespmem:v0+s3+$0x0], $0xffff  }
0x647: {  	v10 =	vld.idx.msk [tilespmem:v61+s3+$0x0], $0xffff;
	[tilespmem:s18+$0x15D40] =	vst v26  }
0x648: {  	[tilespmem:s18+$0x15D90] =	vst v44;
	v11 =	vld.idx.msk [tilespmem:v59+s3+$0x0], $0xffff  }
0x649: {  	v12 =	vld.idx.msk [tilespmem:v42+s3+$0x0], $0xffff;
	[tilespmem:s18+$0x15DA0] =	vst v62  }
0x64a: {  	v13 =	vld.idx.msk [tilespmem:v15+s3+$0x0], $0xffff;
	[tilespmem:s18+$0x15F70] =	vst v47  }
0x64b: {  	v3 =	vld.idx.msk [tilespmem:v9+s3+$0x0], $0xffff;
	[tilespmem:s18+$0x15D00] =	vst v0  }
0x64c: {  	v6 =	vld [tilespmem:$0x1F880];
	[tilespmem:s18+$0x15DB0] =	vst v10  }
0x64d: {  	[tilespmem:s18+$0x15DC0] =	vst v11  }
0x64e: {  	v0 =	vld [tilespmem:$0x1F890];
	[tilespmem:s18+$0x15DD0] =	vst v12  }
0x64f: {  	v1 =	vld [tilespmem:$0x1F8A0];
	[tilespmem:s18+$0x15DE0] =	vst v13  }
0x650: {  	v2 =	vld [tilespmem:$0x1F8B0];
	[tilespmem:s18+$0x15FF0] =	vst v3  }
0x651: {  	v3 =	vld [tilespmem:$0x1F8C0];
	_ =	sdelay $0x3  }
0x652: {  	v6 =	vld.idx.msk [tilespmem:v6+s3+$0x0], $0xffff  }
0x653: {  	v14 =	vadd.s32 $0x7530, v48;
	v0 =	vld.idx.msk [tilespmem:v0+s3+$0x0], $0xffff  }
0x654: {  	v1 =	vld.idx.msk [tilespmem:v1+s3+$0x0], $0xffff  }
0x655: {  	v2 =	vld.idx.msk [tilespmem:v2+s3+$0x0], $0xffff  }
0x656: {  	v3 =	vld.idx.msk [tilespmem:v3+s3+$0x0], $0xffff  }
0x657: {  	[tilespmem:s18+$0x15D80] =	vst v6  }
0x658: {  	v4 =	vld.idx.msk [tilespmem:v14+s3+$0x0], $0xffff;
	[tilespmem:s18+$0x15E10] =	vst v0  }
0x659: {  	v0 =	vld [tilespmem:$0x1F8E0];
	[tilespmem:s18+$0x15E20] =	vst v1  }
0x65a: {  	[tilespmem:s18+$0x15E30] =	vst v2  }
0x65b: {  	[tilespmem:s18+$0x15E40] =	vst v3  }
0x65c: {  	v3 =	vld [tilespmem:$0x1F8D0]  }
0x65d: {  	[tilespmem:s18+$0x16070] =	vst v4  }
0x65e: {  	v4 =	vld [tilespmem:$0x1F8F0];
	_ =	sdelay $0x1  }
0x65f: {  	v16 =	vld.idx.msk [tilespmem:v63+s3+$0x0], $0xffff  }
0x660: {  	v0 =	vld.idx.msk [tilespmem:v0+s3+$0x0], $0xffff  }
0x661: {  	v17 =	vld.idx.msk [tilespmem:v43+s3+$0x0], $0xffff;
	_ =	sdelay $0x1  }
0x662: {  	v3 =	vld.idx.msk [tilespmem:v3+s3+$0x0], $0xffff  }
0x663: {  	[tilespmem:s18+$0x15E60] =	vst v16  }
0x664: {  	v4 =	vld.idx.msk [tilespmem:v4+s3+$0x0], $0xffff;
	[tilespmem:s18+$0x15E50] =	vst v0  }
0x665: {  	v1 =	vld [tilespmem:$0x1F900];
	[tilespmem:s18+$0x15E00] =	vst v17  }
0x666: {  	v15 =	vadd.s32 $0x7918, v48;
	v2 =	vld [tilespmem:$0x1F910]  }
0x667: {  	v19 =	vld.idx.msk [tilespmem:v58+s3+$0x0], $0xffff;
	[tilespmem:s18+$0x15E90] =	vst v3  }
0x668: {  	v3 =	vld [tilespmem:$0x1F920]  }
0x669: {  	[tilespmem:s18+$0x15EA0] =	vst v4;
	v22 =	vld.idx.msk [tilespmem:v54+s3+$0x0], $0xffff  }
0x66a: {  	v4 =	vld [tilespmem:$0x1F930]  }
0x66b: {  	v18 =	vld.idx.msk [tilespmem:v15+s3+$0x0], $0xffff  }
0x66c: {  	v24 =	vld.idx.msk [tilespmem:v46+s3+$0x0], $0xffff;
	[tilespmem:s18+$0x15E80] =	vst v19  }
0x66d: {  	v41 =	vld.idx.msk [tilespmem:v41+s3+$0x0], $0xffff  }
0x66e: {  	v1 =	vld.idx.msk [tilespmem:v1+s3+$0x0], $0xffff  }
0x66f: {  	[tilespmem:s18+$0x15F10] =	vst v22;
	v2 =	vld.idx.msk [tilespmem:v2+s3+$0x0], $0xffff  }
0x670: {  	[tilespmem:s18+$0x160F0] =	vst v18;
	v42 =	vld.idx.msk [tilespmem:v45+s3+$0x0], $0xffff  }
0x671: {  	[tilespmem:s18+$0x15F20] =	vst v24;
	v3 =	vld.idx.msk [tilespmem:v3+s3+$0x0], $0xffff  }
0x672: {  	v4 =	vld.idx.msk [tilespmem:v4+s3+$0x0], $0xffff;
	[tilespmem:s18+$0x15F00] =	vst v41  }
0x673: {  	v43 =	vld.idx.msk [tilespmem:v53+s3+$0x0], $0xffff;
	[tilespmem:s18+$0x15EB0] =	vst v1  }
0x674: {  	v48 =	vld.idx.msk [tilespmem:v40+s3+$0x0], $0xffff;
	[tilespmem:s18+$0x15EC0] =	vst v2  }
0x675: {  	v26 =	vld.idx.msk [tilespmem:v57+s3+$0x0], $0xffff;
	[tilespmem:s18+$0x15F90] =	vst v42  }
0x676: {  	v27 =	vld.idx.msk [tilespmem:v55+s3+$0x0], $0xffff;
	[tilespmem:s18+$0x15ED0] =	vst v3  }
0x677: {  	[tilespmem:s18+$0x15EE0] =	vst v4;
	v36 =	vld.idx.msk [tilespmem:v56+s3+$0x0], $0xffff  }
0x678: {  	[tilespmem:s18+$0x15FA0] =	vst v43;
	v37 =	vld.idx.msk [tilespmem:v35+s3+$0x0], $0xffff  }
0x679: {  	v49 =	vld.idx.msk [tilespmem:v49+s3+$0x0], $0xffff;
	[tilespmem:s18+$0x15F80] =	vst v48  }
0x67a: {  	[tilespmem:s18+$0x15F30] =	vst v26;
	v56 =	vld.idx.msk [tilespmem:v39+s3+$0x0], $0xffff  }
0x67b: {  	[tilespmem:s18+$0x15F40] =	vst v27;
	v44 =	vld.idx.msk [tilespmem:v52+s3+$0x0], $0xffff  }
0x67c: {  	v45 =	vld.idx.msk [tilespmem:v30+s3+$0x0], $0xffff;
	[tilespmem:s18+$0x15F50] =	vst v36  }
0x67d: {  	[tilespmem:s18+$0x15F60] =	vst v37;
	v46 =	vld.idx.msk [tilespmem:v51+s3+$0x0], $0xffff  }
0x67e: {  	[tilespmem:s18+$0x16010] =	vst v49;
	v47 =	vld.idx.msk [tilespmem:v34+s3+$0x0], $0xffff  }
0x67f: {  	v57 =	vld.idx.msk [tilespmem:v20+s3+$0x0], $0xffff;
	[tilespmem:s18+$0x16000] =	vst v56  }
0x680: {  	v51 =	vld.idx.msk [tilespmem:v28+s3+$0x0], $0xffff;
	[tilespmem:s18+$0x15FB0] =	vst v44  }
0x681: {  	[tilespmem:s18+$0x15FC0] =	vst v45;
	v52 =	vld.idx.msk [tilespmem:v32+s3+$0x0], $0xffff  }
0x682: {  	v53 =	vld.idx.msk [tilespmem:v29+s3+$0x0], $0xffff;
	[tilespmem:s18+$0x15FD0] =	vst v46  }
0x683: {  	[tilespmem:s18+$0x15FE0] =	vst v47;
	v54 =	vld.idx.msk [tilespmem:v50+s3+$0x0], $0xffff  }
0x684: {  	[tilespmem:s18+$0x16090] =	vst v57;
	v55 =	vld.idx.msk [tilespmem:v33+s3+$0x0], $0xffff  }
0x685: {  	v63 =	vld.idx.msk [tilespmem:v38+s3+$0x0], $0xffff;
	[tilespmem:s18+$0x16020] =	vst v51  }
0x686: {  	v58 =	vld.idx.msk [tilespmem:v21+s3+$0x0], $0xffff;
	[tilespmem:s18+$0x16030] =	vst v52  }
0x687: {  	[tilespmem:s18+$0x16040] =	vst v53;
	v59 =	vld.idx.msk [tilespmem:v31+s3+$0x0], $0xffff  }
0x688: {  	v60 =	vld.idx.msk [tilespmem:v23+s3+$0x0], $0xffff;
	[tilespmem:s18+$0x16050] =	vst v54  }
0x689: {  	[tilespmem:s18+$0x16060] =	vst v55;
	v61 =	vld.idx.msk [tilespmem:v5+s3+$0x0], $0xffff  }
0x68a: {  	s17 =	sadd.s32 $0x1, s17;
	[tilespmem:s18+$0x16080] =	vst v63;
	v62 =	vld.idx.msk [tilespmem:v25+s3+$0x0], $0xffff  }
0x68b: {  	p0 =	sne.s32 s17, $0x19;
	[tilespmem:s18+$0x160A0] =	vst v58  }
.Ltmp2:
0x68c: {  	s19 =	sshll.u32 s19, $0x13;
	[tilespmem:s18+$0x160B0] =	vst v59;
	(pc) =	sbr.rel @p0 .LBB2_2-.Ltmp2, $4  }
0x68d: {  	s19 =	sor.u32 s4, s19;
	[tilespmem:s18+$0x160C0] =	vst v60  }
0x68e: {  	s19 =	sshrl.u32 s19, $0x3;
	[tilespmem:s18+$0x160D0] =	vst v61  }
0x68f: {  	s31 =	sadd.s32 s2, s19;
	[tilespmem:s18+$0x160E0] =	vst v62  }
0x690: {  	[hbm4b:s31+s8] =	stream.strided.scatter [tilespmem:s13], [sflag:$0x2], $0x4000, s9, s8, $0x38;
	[tilespmem:$0x16D00] =	vst v63  }
0x691: {  	s16 =	sadd.s32 $0x1, s16  }
0x692: {  	_ =	swait.ge [sflag:s14], $0x4000;
	p0 =	sne.s32 s16, s7  }
.Ltmp3:
0x693: {  	[sflag:s14] =	ssyncset.done $0x0;
	(pc) =	sbr.rel @p0 .LBB2_1-.Ltmp3, $4  }
0x694: {  	[sflag:s14] =	ssyncadd.s32 $0xFFFFC000  }
0x695: {  	_ =	swait.ge [sflag:s15], $0x4000  }
0x696: {  	[sflag:s15] =	ssyncset.done $0x0  }
0x697: {  	[sflag:s15] =	ssyncadd.s32 $0xFFFFC000  }
0x698: {  	_ =	sfence.sel $0x180000  }
0x699: {  	[bflag:$0x0] =	sbarrier.arrive $0xFFFF  }
0x69a: {  	p0 =	sne.s32 s1, $0x0;
	_ =	strace $0x90000047  }
0x69b: {  	s0 =	sadd.s32 @!p0 $0x100000, s0;
	[bflag:$0x2] =	sbarrier.arrive $0xFFFF  }
0x69c: {  	[sflag:s0] =	ssyncadd.tile.s32 @!p0 $0x1;
	_ =	shalt  }
.Lfunc_end2:
_tile_overlayer_lowered:
.L_overlay_start_2:
0x69d: {  	(tag) =	ssettag $0x2  }
0x69e: {  	s0 =	rddreg [dreg:$0x0];
	s2 =	stileid.u32  }
0x69f: {  	s1 =	rddreg [dreg:$0x1];
	p0 =	sne.s32 s2, $0x0  }
0x6a0: {  	s3 =	rddreg [dreg:$0x2];
	[bflag:$0x3] =	sbarrier.arrive $0xFFFF;
	s2 =	simm.s32 @!p0 $0x1C04  }
0x6a1: {  	[timem:s3], [sflag:s2] =	dma.local @!p0 [hbm:s0], s1  }
0x6a2: {  	s0 =	simm.s32 @!p0 $0x4  }
0x6a3: {  	_ =	swait.ge @!p0 [sflag:s0], s1  }
0x6a4: {  	s1 =	ssub.s32 @!p0 $0x0, s1;
	[sflag:s0] =	ssyncset.done @!p0 $0x0  }
0x6a5: {  	[sflag:s0] =	ssyncadd.s32 @!p0 s1  }
0x6a6: {  	[bflag:$0x3] =	sbarrier.arrive $0xFFFF  }
0x6a7: {  	_ =	shalt  }

</sc_bundles>
